<compile_context>
chip_gen: v7x
topology: tpu7x:2x2x1
jax: 0.10.2.dev20260603
libtpu: 0.0.44.dev20260713+nightly
codegen_flags: <defaults>
</compile_context>

<pallas_src>
import functools

import jax
import jax.numpy as jnp
from jax import lax
from jax.experimental import pallas as pl
from jax.experimental.pallas import tpu as pltpu
from jax.experimental.pallas import tpu_sc as plsc

VOCAB = 100000
D = 768
B = 4
S = 2048
L = 16
NC, NS = 2, 16
NW = NC * NS
SPW = S // NW
CH = 16
NB = 4
CPB = SPW // CH
NCH = B * CPB
DJ = D // L
TG = 8

_mesh = plsc.VectorSubcoreMesh(core_axis_name="c", subcore_axis_name="s")


def _rsqrt_newton(x):
    i = plsc.bitcast(x, jnp.int32)
    i = jnp.int32(0x5F3759DF) - lax.shift_right_logical(i, 1)
    y = plsc.bitcast(i, jnp.float32)
    half = x * 0.5
    for _ in range(3):
        y = y * (1.5 - half * y * y)
    return y


@functools.partial(
    pl.kernel,
    mesh=_mesh,
    out_type=jax.ShapeDtypeStruct((B * S, D), jnp.float32),
    compiler_params=pltpu.CompilerParams(needs_layout_passes=False),
    scratch_types=[
        pltpu.VMEM((SPW, D), jnp.float32),
        pltpu.VMEM((NB * CH, D), jnp.float32),
        pltpu.VMEM((TG, D), jnp.float32),
        pltpu.VMEM((D,), jnp.float32),
        pltpu.VMEM((D,), jnp.float32),
        pltpu.VMEM((2, D), jnp.float32),
        pltpu.VMEM((D,), jnp.float32),
        pltpu.VMEM((B, SPW), jnp.int32),
        pltpu.VMEM((B, SPW + L), jnp.float32),
        pltpu.SemaphoreType.DMA((NB,)),
        pltpu.SemaphoreType.DMA((NB,)),
    ],
)
def _emb_kernel(x_hbm, segf_hbm, tok_hbm, pos_hbm, segtab_hbm, gamma_hbm,
                beta_hbm, out_hbm, pos_v, tok_v, h_v, g_v, b_v, st_v,
                sd_v, idx_v, segf_v, gsem, osem):
    wid = lax.axis_index("s") * NC + lax.axis_index("c")
    s0 = wid * SPW

    def start_gather(k, bk):
        bb = k // CPB
        cc = lax.rem(k, CPB)
        pltpu.make_async_copy(
            tok_hbm.at[idx_v.at[bb, pl.ds(cc * CH, CH)]],
            tok_v.at[pl.ds(bk * CH, CH)], gsem.at[bk]).start()

    pltpu.sync_copy(x_hbm.at[0, pl.ds(s0, SPW)], idx_v.at[0])
    start_gather(0, 0)
    start_gather(1, 1)
    for bb_ in range(1, B):
        pltpu.sync_copy(x_hbm.at[bb_, pl.ds(s0, SPW)], idx_v.at[bb_])
    for bb_ in range(B):
        pltpu.sync_copy(segf_hbm.at[bb_, pl.ds(s0, SPW)],
                        segf_v.at[bb_, pl.ds(0, SPW)])
    pltpu.sync_copy(pos_hbm.at[pl.ds(s0, SPW)], pos_v)
    pltpu.sync_copy(segtab_hbm, st_v)
    pltpu.sync_copy(gamma_hbm, g_v)
    pltpu.sync_copy(beta_hbm, b_v)

    @plsc.parallel_loop(0, DJ, unroll=4)
    def seg_prep(j):
        sl = pl.ds(j * L, L)
        sd_v[sl] = st_v[1, sl] - st_v[0, sl]

    def compute_chunk(buf0, b, prow):
        def group_body(tg, _):
            t0 = pl.multiple_of(buf0 + tg * TG, TG)
            fs = []
            for i in range(TG):
                fv = segf_v[b, pl.ds(prow + tg * TG + i, L)]
                fs.append(jnp.full((L,), fv[0], dtype=jnp.float32))
            zeros = jnp.zeros((L,), jnp.float32)

            @plsc.parallel_loop(0, DJ, unroll=4, carry=(zeros,) * (2 * TG))
            def acc(j, carry):
                sl = pl.ds(j * L, L)
                sg0 = st_v[0, sl]
                sgd = sd_v[sl]
                nxt = []
                for i in range(TG):
                    v = (tok_v[t0 + i, sl] +
                         pos_v[prow + tg * TG + i, sl]) + \
                        (sg0 + fs[i] * sgd)
                    h_v[i, sl] = v
                    nxt.append(carry[i] + v)
                    nxt.append(carry[TG + i] + v * v)
                return tuple(nxt[0::2]) + tuple(nxt[1::2])

            means = []
            rs = []
            for i in range(TG):
                s1 = jnp.sum(acc[i])
                s2 = jnp.sum(acc[TG + i])
                mean = s1 * (1.0 / D)
                var = s2 * (1.0 / D) - mean * mean
                means.append(jnp.full((L,), mean, dtype=jnp.float32))
                rs.append(_rsqrt_newton(
                    jnp.full((L,), var + 1e-5, dtype=jnp.float32)))

            @plsc.parallel_loop(0, DJ, unroll=4)
            def norm(j):
                sl = pl.ds(j * L, L)
                g = g_v[sl]
                bb = b_v[sl]
                for i in range(TG):
                    h = h_v[i, sl]
                    tok_v[t0 + i, sl] = (h - means[i]) * rs[i] * g + bb

            return 0
        lax.fori_loop(0, CH // TG, group_body, 0)

    def chunk_body(k, _):
        bk = lax.rem(k, NB)

        @pl.when(k < NCH - 2)
        def _():
            bk2 = lax.rem(k + 2, NB)

            @pl.when(k >= 2)
            def _():
                pltpu.make_async_copy(
                    tok_v.at[pl.ds(bk2 * CH, CH)],
                    out_hbm.at[pl.ds(0, CH)], osem.at[bk2]).wait()
            start_gather(k + 2, bk2)

        pltpu.make_async_copy(
            tok_hbm.at[pl.ds(0, CH)],
            tok_v.at[pl.ds(bk * CH, CH)], gsem.at[bk]).wait()

        b = k // CPB
        cc = lax.rem(k, CPB)
        compute_chunk(bk * CH, b, cc * CH)

        base = pl.multiple_of(b * S + s0 + cc * CH, CH)
        pltpu.make_async_copy(
            tok_v.at[pl.ds(bk * CH, CH)],
            out_hbm.at[pl.ds(base, CH)], osem.at[bk]).start()
        return 0
    lax.fori_loop(0, NCH, chunk_body, 0)

    for bk_ in range(NB):
        pltpu.make_async_copy(
            tok_v.at[pl.ds(bk_ * CH, CH)],
            out_hbm.at[pl.ds(0, CH)], osem.at[bk_]).wait()


def kernel(x, seg, tok_embed, pos_embed, seg_embed, gamma, beta):
    x2 = x.astype(jnp.int32)
    segf = seg.astype(jnp.float32)
    out = _emb_kernel(x2, segf, tok_embed, pos_embed, seg_embed,
                      gamma, beta)
    return out.reshape(B, S, D)

# --- scband reference (transcript-rebuilt; emitter-appended) ---
"""Pipeline reference for scband-embedding-86809878987305 (READ-ONLY COPY).

The authoritative reference and input builder live on the scoring server;
editing this copy changes nothing except your own understanding.
"""

import jax, jax.numpy as jnp
import numpy as np

VOCAB = 100000
D_MODEL = 768
MAXLEN = 2048
N_SEG = 2
B, S = 4, 2048

def setup_inputs(seed: int = 0) -> dict:
    key = jax.random.key(seed)
    k1, k2, k3, k4, k5 = jax.random.split(key, 5)
    x = jax.random.randint(k1, (B, S), 0, VOCAB, dtype=jnp.int64 if jax.config.jax_enable_x64 else jnp.int32)
    seg = jax.random.randint(k2, (B, S), 0, N_SEG, dtype=jnp.int64 if jax.config.jax_enable_x64 else jnp.int32)
    tok_embed = jax.random.normal(k3, (VOCAB, D_MODEL), dtype=jnp.float32)
    pos_embed = jax.random.normal(k4, (MAXLEN, D_MODEL), dtype=jnp.float32)
    seg_embed = jax.random.normal(k5, (N_SEG, D_MODEL), dtype=jnp.float32)
    gamma = jnp.ones((D_MODEL,), dtype=jnp.float32)
    beta = jnp.zeros((D_MODEL,), dtype=jnp.float32)
    return {"x": x, "seg": seg, "tok_embed": tok_embed, "pos_embed": pos_embed, "seg_embed": seg_embed, "gamma": gamma, "beta": beta}

def _layer_norm(h, gamma, beta, eps=1e-5):
    mean = jnp.mean(h, axis=-1, keepdims=True)
    var = jnp.mean(jnp.square(h - mean), axis=-1, keepdims=True)
    return (h - mean) / jnp.sqrt(var + eps) * gamma + beta

def reference(x, seg, tok_embed, pos_embed, seg_embed, gamma, beta):
    seq_len = x.shape[1]
    pos = jnp.broadcast_to(jnp.arange(seq_len, dtype=x.dtype)[None, :], x.shape)
    embedding = jnp.take(tok_embed, x, axis=0) + jnp.take(pos_embed, pos, axis=0) + jnp.take(seg_embed, seg, axis=0)
    return _layer_norm(embedding, gamma, beta)

if __name__ == "__main__":
    import jax
    _d = setup_inputs()
    print(jax.jit(kernel)(*tuple(_d.values())))

</pallas_src>

<mosaic_0001>
#map = affine_map<(d0, d1) -> (0, 0)>
#map1 = affine_map<(d0, d1) -> (0)>
module attributes {stable_mosaic.version = 14 : i64} {
  func.func @_emb_kernel(%arg0: i32, %arg1: i32, %arg2: memref<4x2048xi32, #tpu.memory_space<hbm>>, %arg3: memref<4x2048xf32, #tpu.memory_space<hbm>>, %arg4: memref<100000x768xf32, #tpu.memory_space<hbm>>, %arg5: memref<2048x768xf32, #tpu.memory_space<hbm>>, %arg6: memref<2x768xf32, #tpu.memory_space<hbm>>, %arg7: memref<768xf32, #tpu.memory_space<hbm>>, %arg8: memref<768xf32, #tpu.memory_space<hbm>>, %arg9: memref<8192x768xf32, #tpu.memory_space<hbm>>, %arg10: memref<64x768xf32, #tpu.memory_space<vmem>>, %arg11: memref<64x768xf32, #tpu.memory_space<vmem>>, %arg12: memref<8x768xf32, #tpu.memory_space<vmem>>, %arg13: memref<768xf32, #tpu.memory_space<vmem>>, %arg14: memref<768xf32, #tpu.memory_space<vmem>>, %arg15: memref<2x768xf32, #tpu.memory_space<vmem>>, %arg16: memref<768xf32, #tpu.memory_space<vmem>>, %arg17: memref<4x64xi32, #tpu.memory_space<vmem>>, %arg18: memref<4x80xf32, #tpu.memory_space<vmem>>, %arg19: memref<4x!tpu.dma_semaphore, #tpu.memory_space<semaphore_mem>>, %arg20: memref<4x!tpu.dma_semaphore, #tpu.memory_space<semaphore_mem>>) attributes {dimension_semantics = [#tpu.dimension_semantics<core_parallel>, #tpu.dimension_semantics<subcore_parallel>], iteration_bounds = array<i64: 2, 16>, scalar_prefetch = 0 : i64, scratch_operands = 11 : i64, tpu.core_type = #tpu.core_type<sc_vector_subcore>, window_params = [{transform_indices = #map}, {transform_indices = #map}, {transform_indices = #map}, {transform_indices = #map}, {transform_indices = #map}, {transform_indices = #map1}, {transform_indices = #map1}, {transform_indices = #map}]} {
    %mul3A = arith.constant 2 : i32
    %mul3A_0 = arith.muli %arg1, %mul3A : i32
    %add3A = arith.addi %mul3A_0, %arg0 : i32
    %mul3A_1 = arith.constant 64 : i32
    %mul3A_2 = arith.muli %add3A, %mul3A_1 : i32
    %run_scoped3A = arith.constant 0 : i32
    %run_scoped3A_3 = arith.constant 0 : i32
    "tpu.region"() ({
      %run_scoped3A_117 = tpu.sem_alloc : memref<!tpu.dma_semaphore, #tpu.memory_space<semaphore_mem>>
      %dma_start3A_118 = arith.constant 0 : i32
      %dma_start3A_119 = tpu.memref_slice %arg17[%run_scoped3A_3, %dma_start3A_118] : memref<4x64xi32, #tpu.memory_space<vmem>> -> memref<1x64xi32, #tpu.memory_space<vmem>>
      %dma_start3A_120 = tpu.memref_squeeze %dma_start3A_119 : memref<1x64xi32, #tpu.memory_space<vmem>> -> memref<64xi32, #tpu.memory_space<vmem>>
      %dma_start3A_121 = tpu.memref_slice %arg2[%run_scoped3A, %mul3A_2] : memref<4x2048xi32, #tpu.memory_space<hbm>> -> memref<1x64xi32, #tpu.memory_space<hbm>>
      %dma_start3A_122 = tpu.memref_squeeze %dma_start3A_121 : memref<1x64xi32, #tpu.memory_space<hbm>> -> memref<64xi32, #tpu.memory_space<hbm>>
      %dma_start3A_123 = arith.constant 0 : i32
      %dma_start3A_124 = tpu.memref_slice %arg17[%run_scoped3A_3, %dma_start3A_123] : memref<4x64xi32, #tpu.memory_space<vmem>> -> memref<1x64xi32, #tpu.memory_space<vmem>>
      %dma_start3A_125 = tpu.memref_squeeze %dma_start3A_124 : memref<1x64xi32, #tpu.memory_space<vmem>> -> memref<64xi32, #tpu.memory_space<vmem>>
      %dma_start3A_126 = tpu.memref_slice %arg2[%run_scoped3A, %mul3A_2] : memref<4x2048xi32, #tpu.memory_space<hbm>> -> memref<1x64xi32, #tpu.memory_space<hbm>>
      %dma_start3A_127 = tpu.memref_squeeze %dma_start3A_126 : memref<1x64xi32, #tpu.memory_space<hbm>> -> memref<64xi32, #tpu.memory_space<hbm>>
      tpu.enqueue_dma source(%dma_start3A_127 : memref<64xi32, #tpu.memory_space<hbm>>) target(%dma_start3A_125 : memref<64xi32, #tpu.memory_space<vmem>>) target_semaphore(%run_scoped3A_117 : memref<!tpu.dma_semaphore, #tpu.memory_space<semaphore_mem>>)
      %dma_wait3A_128 = arith.constant 0 : i32
      %dma_wait3A_129 = tpu.memref_slice %arg17[%run_scoped3A_3, %dma_wait3A_128] : memref<4x64xi32, #tpu.memory_space<vmem>> -> memref<1x64xi32, #tpu.memory_space<vmem>>
      %dma_wait3A_130 = tpu.memref_squeeze %dma_wait3A_129 : memref<1x64xi32, #tpu.memory_space<vmem>> -> memref<64xi32, #tpu.memory_space<vmem>>
      %dma_wait3A_131 = tpu.memref_slice %arg2[%run_scoped3A, %mul3A_2] : memref<4x2048xi32, #tpu.memory_space<hbm>> -> memref<1x64xi32, #tpu.memory_space<hbm>>
      %dma_wait3A_132 = tpu.memref_squeeze %dma_wait3A_131 : memref<1x64xi32, #tpu.memory_space<hbm>> -> memref<64xi32, #tpu.memory_space<hbm>>
      %dma_wait3A_133 = arith.constant 0 : i32
      %dma_wait3A_134 = tpu.memref_slice %arg17[%run_scoped3A_3, %dma_wait3A_133] : memref<4x64xi32, #tpu.memory_space<vmem>> -> memref<1x64xi32, #tpu.memory_space<vmem>>
      %dma_wait3A_135 = tpu.memref_squeeze %dma_wait3A_134 : memref<1x64xi32, #tpu.memory_space<vmem>> -> memref<64xi32, #tpu.memory_space<vmem>>
      %dma_wait3A_136 = tpu.memref_slice %arg2[%run_scoped3A, %mul3A_2] : memref<4x2048xi32, #tpu.memory_space<hbm>> -> memref<1x64xi32, #tpu.memory_space<hbm>>
      %dma_wait3A_137 = tpu.memref_squeeze %dma_wait3A_136 : memref<1x64xi32, #tpu.memory_space<hbm>> -> memref<64xi32, #tpu.memory_space<hbm>>
      tpu.wait_dma2 semaphore(%run_scoped3A_117 : memref<!tpu.dma_semaphore, #tpu.memory_space<semaphore_mem>>) src(%dma_wait3A_137 : memref<64xi32, #tpu.memory_space<hbm>>) dst(%dma_wait3A_135 : memref<64xi32, #tpu.memory_space<vmem>>)
      tpu.yield
    }) : () -> ()
    %rem3A = arith.constant 0 : i32
    %rem3A_4 = arith.constant 4 : i32
    %rem3A_5 = arith.remsi %rem3A, %rem3A_4 : i32
    %mul3A_6 = arith.constant 16 : i32
    %mul3A_7 = arith.muli %rem3A_5, %mul3A_6 : i32
    %dma_start3A = arith.constant 0 : i32
    %dma_start3A_8 = arith.constant 0 : i32
    %dma_start3A_9 = arith.constant 0 : i32
    %dma_start3A_10 = arith.constant 0 : i32
    %dma_start3A_11 = tpu.memref_slice %arg11[%dma_start3A_9, %dma_start3A_10] : memref<64x768xf32, #tpu.memory_space<vmem>> -> memref<16x768xf32, #tpu.memory_space<vmem>>
    %dma_start3A_12 = tpu.memref_slice %arg17[%dma_start3A, %mul3A_7] : memref<4x64xi32, #tpu.memory_space<vmem>> -> memref<1x16xi32, #tpu.memory_space<vmem>>
    %dma_start3A_13 = tpu.memref_squeeze %dma_start3A_12 : memref<1x16xi32, #tpu.memory_space<vmem>> -> memref<16xi32, #tpu.memory_space<vmem>>
    %dma_start3A_14 = arith.constant 0 : i32
    %dma_start3A_15 = arith.constant 0 : i32
    %dma_start3A_16 = tpu.memref_slice %arg4[%dma_start3A_14, %dma_start3A_15] : memref<100000x768xf32, #tpu.memory_space<hbm>> -> memref<100000x768xf32, #tpu.memory_space<hbm>>
    %dma_start3A_17 = tpu.memref_slice %arg19[%dma_start3A_8] : memref<4x!tpu.dma_semaphore, #tpu.memory_space<semaphore_mem>> -> memref<1x!tpu.dma_semaphore, #tpu.memory_space<semaphore_mem>>
    %dma_start3A_18 = tpu.memref_squeeze %dma_start3A_17 : memref<1x!tpu.dma_semaphore, #tpu.memory_space<semaphore_mem>> -> memref<!tpu.dma_semaphore, #tpu.memory_space<semaphore_mem>>
    tpu.enqueue_indirect_dma source(%dma_start3A_16 : memref<100000x768xf32, #tpu.memory_space<hbm>>) target(%dma_start3A_11 : memref<16x768xf32, #tpu.memory_space<vmem>>) offsets(%dma_start3A_13 : memref<16xi32, #tpu.memory_space<vmem>>) semaphore(%dma_start3A_18 : memref<!tpu.dma_semaphore, #tpu.memory_space<semaphore_mem>>)
    %rem3A_19 = arith.constant 1 : i32
    %rem3A_20 = arith.constant 4 : i32
    %rem3A_21 = arith.remsi %rem3A_19, %rem3A_20 : i32
    %mul3A_22 = arith.constant 16 : i32
    %mul3A_23 = arith.muli %rem3A_21, %mul3A_22 : i32
    %dma_start3A_24 = arith.constant 0 : i32
    %dma_start3A_25 = arith.constant 1 : i32
    %dma_start3A_26 = arith.constant 16 : i32
    %dma_start3A_27 = arith.constant 0 : i32
    %dma_start3A_28 = tpu.memref_slice %arg11[%dma_start3A_26, %dma_start3A_27] : memref<64x768xf32, #tpu.memory_space<vmem>> -> memref<16x768xf32, #tpu.memory_space<vmem>>
    %dma_start3A_29 = tpu.memref_slice %arg17[%dma_start3A_24, %mul3A_23] : memref<4x64xi32, #tpu.memory_space<vmem>> -> memref<1x16xi32, #tpu.memory_space<vmem>>
    %dma_start3A_30 = tpu.memref_squeeze %dma_start3A_29 : memref<1x16xi32, #tpu.memory_space<vmem>> -> memref<16xi32, #tpu.memory_space<vmem>>
    %dma_start3A_31 = arith.constant 0 : i32
    %dma_start3A_32 = arith.constant 0 : i32
    %dma_start3A_33 = tpu.memref_slice %arg4[%dma_start3A_31, %dma_start3A_32] : memref<100000x768xf32, #tpu.memory_space<hbm>> -> memref<100000x768xf32, #tpu.memory_space<hbm>>
    %dma_start3A_34 = tpu.memref_slice %arg19[%dma_start3A_25] : memref<4x!tpu.dma_semaphore, #tpu.memory_space<semaphore_mem>> -> memref<1x!tpu.dma_semaphore, #tpu.memory_space<semaphore_mem>>
    %dma_start3A_35 = tpu.memref_squeeze %dma_start3A_34 : memref<1x!tpu.dma_semaphore, #tpu.memory_space<semaphore_mem>> -> memref<!tpu.dma_semaphore, #tpu.memory_space<semaphore_mem>>
    tpu.enqueue_indirect_dma source(%dma_start3A_33 : memref<100000x768xf32, #tpu.memory_space<hbm>>) target(%dma_start3A_28 : memref<16x768xf32, #tpu.memory_space<vmem>>) offsets(%dma_start3A_30 : memref<16xi32, #tpu.memory_space<vmem>>) semaphore(%dma_start3A_35 : memref<!tpu.dma_semaphore, #tpu.memory_space<semaphore_mem>>)
    %run_scoped3A_36 = arith.constant 1 : i32
    %run_scoped3A_37 = arith.constant 1 : i32
    "tpu.region"() ({
      %run_scoped3A_117 = tpu.sem_alloc : memref<!tpu.dma_semaphore, #tpu.memory_space<semaphore_mem>>
      %dma_start3A_118 = arith.constant 0 : i32
      %dma_start3A_119 = tpu.memref_slice %arg17[%run_scoped3A_37, %dma_start3A_118] : memref<4x64xi32, #tpu.memory_space<vmem>> -> memref<1x64xi32, #tpu.memory_space<vmem>>
      %dma_start3A_120 = tpu.memref_squeeze %dma_start3A_119 : memref<1x64xi32, #tpu.memory_space<vmem>> -> memref<64xi32, #tpu.memory_space<vmem>>
      %dma_start3A_121 = tpu.memref_slice %arg2[%run_scoped3A_36, %mul3A_2] : memref<4x2048xi32, #tpu.memory_space<hbm>> -> memref<1x64xi32, #tpu.memory_space<hbm>>
      %dma_start3A_122 = tpu.memref_squeeze %dma_start3A_121 : memref<1x64xi32, #tpu.memory_space<hbm>> -> memref<64xi32, #tpu.memory_space<hbm>>
      %dma_start3A_123 = arith.constant 0 : i32
      %dma_start3A_124 = tpu.memref_slice %arg17[%run_scoped3A_37, %dma_start3A_123] : memref<4x64xi32, #tpu.memory_space<vmem>> -> memref<1x64xi32, #tpu.memory_space<vmem>>
      %dma_start3A_125 = tpu.memref_squeeze %dma_start3A_124 : memref<1x64xi32, #tpu.memory_space<vmem>> -> memref<64xi32, #tpu.memory_space<vmem>>
      %dma_start3A_126 = tpu.memref_slice %arg2[%run_scoped3A_36, %mul3A_2] : memref<4x2048xi32, #tpu.memory_space<hbm>> -> memref<1x64xi32, #tpu.memory_space<hbm>>
      %dma_start3A_127 = tpu.memref_squeeze %dma_start3A_126 : memref<1x64xi32, #tpu.memory_space<hbm>> -> memref<64xi32, #tpu.memory_space<hbm>>
      tpu.enqueue_dma source(%dma_start3A_127 : memref<64xi32, #tpu.memory_space<hbm>>) target(%dma_start3A_125 : memref<64xi32, #tpu.memory_space<vmem>>) target_semaphore(%run_scoped3A_117 : memref<!tpu.dma_semaphore, #tpu.memory_space<semaphore_mem>>)
      %dma_wait3A_128 = arith.constant 0 : i32
      %dma_wait3A_129 = tpu.memref_slice %arg17[%run_scoped3A_37, %dma_wait3A_128] : memref<4x64xi32, #tpu.memory_space<vmem>> -> memref<1x64xi32, #tpu.memory_space<vmem>>
      %dma_wait3A_130 = tpu.memref_squeeze %dma_wait3A_129 : memref<1x64xi32, #tpu.memory_space<vmem>> -> memref<64xi32, #tpu.memory_space<vmem>>
      %dma_wait3A_131 = tpu.memref_slice %arg2[%run_scoped3A_36, %mul3A_2] : memref<4x2048xi32, #tpu.memory_space<hbm>> -> memref<1x64xi32, #tpu.memory_space<hbm>>
      %dma_wait3A_132 = tpu.memref_squeeze %dma_wait3A_131 : memref<1x64xi32, #tpu.memory_space<hbm>> -> memref<64xi32, #tpu.memory_space<hbm>>
      %dma_wait3A_133 = arith.constant 0 : i32
      %dma_wait3A_134 = tpu.memref_slice %arg17[%run_scoped3A_37, %dma_wait3A_133] : memref<4x64xi32, #tpu.memory_space<vmem>> -> memref<1x64xi32, #tpu.memory_space<vmem>>
      %dma_wait3A_135 = tpu.memref_squeeze %dma_wait3A_134 : memref<1x64xi32, #tpu.memory_space<vmem>> -> memref<64xi32, #tpu.memory_space<vmem>>
      %dma_wait3A_136 = tpu.memref_slice %arg2[%run_scoped3A_36, %mul3A_2] : memref<4x2048xi32, #tpu.memory_space<hbm>> -> memref<1x64xi32, #tpu.memory_space<hbm>>
      %dma_wait3A_137 = tpu.memref_squeeze %dma_wait3A_136 : memref<1x64xi32, #tpu.memory_space<hbm>> -> memref<64xi32, #tpu.memory_space<hbm>>
      tpu.wait_dma2 semaphore(%run_scoped3A_117 : memref<!tpu.dma_semaphore, #tpu.memory_space<semaphore_mem>>) src(%dma_wait3A_137 : memref<64xi32, #tpu.memory_space<hbm>>) dst(%dma_wait3A_135 : memref<64xi32, #tpu.memory_space<vmem>>)
      tpu.yield
    }) : () -> ()
    %run_scoped3A_38 = arith.constant 2 : i32
    %run_scoped3A_39 = arith.constant 2 : i32
    "tpu.region"() ({
      %run_scoped3A_117 = tpu.sem_alloc : memref<!tpu.dma_semaphore, #tpu.memory_space<semaphore_mem>>
      %dma_start3A_118 = arith.constant 0 : i32
      %dma_start3A_119 = tpu.memref_slice %arg17[%run_scoped3A_39, %dma_start3A_118] : memref<4x64xi32, #tpu.memory_space<vmem>> -> memref<1x64xi32, #tpu.memory_space<vmem>>
      %dma_start3A_120 = tpu.memref_squeeze %dma_start3A_119 : memref<1x64xi32, #tpu.memory_space<vmem>> -> memref<64xi32, #tpu.memory_space<vmem>>
      %dma_start3A_121 = tpu.memref_slice %arg2[%run_scoped3A_38, %mul3A_2] : memref<4x2048xi32, #tpu.memory_space<hbm>> -> memref<1x64xi32, #tpu.memory_space<hbm>>
      %dma_start3A_122 = tpu.memref_squeeze %dma_start3A_121 : memref<1x64xi32, #tpu.memory_space<hbm>> -> memref<64xi32, #tpu.memory_space<hbm>>
      %dma_start3A_123 = arith.constant 0 : i32
      %dma_start3A_124 = tpu.memref_slice %arg17[%run_scoped3A_39, %dma_start3A_123] : memref<4x64xi32, #tpu.memory_space<vmem>> -> memref<1x64xi32, #tpu.memory_space<vmem>>
      %dma_start3A_125 = tpu.memref_squeeze %dma_start3A_124 : memref<1x64xi32, #tpu.memory_space<vmem>> -> memref<64xi32, #tpu.memory_space<vmem>>
      %dma_start3A_126 = tpu.memref_slice %arg2[%run_scoped3A_38, %mul3A_2] : memref<4x2048xi32, #tpu.memory_space<hbm>> -> memref<1x64xi32, #tpu.memory_space<hbm>>
      %dma_start3A_127 = tpu.memref_squeeze %dma_start3A_126 : memref<1x64xi32, #tpu.memory_space<hbm>> -> memref<64xi32, #tpu.memory_space<hbm>>
      tpu.enqueue_dma source(%dma_start3A_127 : memref<64xi32, #tpu.memory_space<hbm>>) target(%dma_start3A_125 : memref<64xi32, #tpu.memory_space<vmem>>) target_semaphore(%run_scoped3A_117 : memref<!tpu.dma_semaphore, #tpu.memory_space<semaphore_mem>>)
      %dma_wait3A_128 = arith.constant 0 : i32
      %dma_wait3A_129 = tpu.memref_slice %arg17[%run_scoped3A_39, %dma_wait3A_128] : memref<4x64xi32, #tpu.memory_space<vmem>> -> memref<1x64xi32, #tpu.memory_space<vmem>>
      %dma_wait3A_130 = tpu.memref_squeeze %dma_wait3A_129 : memref<1x64xi32, #tpu.memory_space<vmem>> -> memref<64xi32, #tpu.memory_space<vmem>>
      %dma_wait3A_131 = tpu.memref_slice %arg2[%run_scoped3A_38, %mul3A_2] : memref<4x2048xi32, #tpu.memory_space<hbm>> -> memref<1x64xi32, #tpu.memory_space<hbm>>
      %dma_wait3A_132 = tpu.memref_squeeze %dma_wait3A_131 : memref<1x64xi32, #tpu.memory_space<hbm>> -> memref<64xi32, #tpu.memory_space<hbm>>
      %dma_wait3A_133 = arith.constant 0 : i32
      %dma_wait3A_134 = tpu.memref_slice %arg17[%run_scoped3A_39, %dma_wait3A_133] : memref<4x64xi32, #tpu.memory_space<vmem>> -> memref<1x64xi32, #tpu.memory_space<vmem>>
      %dma_wait3A_135 = tpu.memref_squeeze %dma_wait3A_134 : memref<1x64xi32, #tpu.memory_space<vmem>> -> memref<64xi32, #tpu.memory_space<vmem>>
      %dma_wait3A_136 = tpu.memref_slice %arg2[%run_scoped3A_38, %mul3A_2] : memref<4x2048xi32, #tpu.memory_space<hbm>> -> memref<1x64xi32, #tpu.memory_space<hbm>>
      %dma_wait3A_137 = tpu.memref_squeeze %dma_wait3A_136 : memref<1x64xi32, #tpu.memory_space<hbm>> -> memref<64xi32, #tpu.memory_space<hbm>>
      tpu.wait_dma2 semaphore(%run_scoped3A_117 : memref<!tpu.dma_semaphore, #tpu.memory_space<semaphore_mem>>) src(%dma_wait3A_137 : memref<64xi32, #tpu.memory_space<hbm>>) dst(%dma_wait3A_135 : memref<64xi32, #tpu.memory_space<vmem>>)
      tpu.yield
    }) : () -> ()
    %run_scoped3A_40 = arith.constant 3 : i32
    %run_scoped3A_41 = arith.constant 3 : i32
    "tpu.region"() ({
      %run_scoped3A_117 = tpu.sem_alloc : memref<!tpu.dma_semaphore, #tpu.memory_space<semaphore_mem>>
      %dma_start3A_118 = arith.constant 0 : i32
      %dma_start3A_119 = tpu.memref_slice %arg17[%run_scoped3A_41, %dma_start3A_118] : memref<4x64xi32, #tpu.memory_space<vmem>> -> memref<1x64xi32, #tpu.memory_space<vmem>>
      %dma_start3A_120 = tpu.memref_squeeze %dma_start3A_119 : memref<1x64xi32, #tpu.memory_space<vmem>> -> memref<64xi32, #tpu.memory_space<vmem>>
      %dma_start3A_121 = tpu.memref_slice %arg2[%run_scoped3A_40, %mul3A_2] : memref<4x2048xi32, #tpu.memory_space<hbm>> -> memref<1x64xi32, #tpu.memory_space<hbm>>
      %dma_start3A_122 = tpu.memref_squeeze %dma_start3A_121 : memref<1x64xi32, #tpu.memory_space<hbm>> -> memref<64xi32, #tpu.memory_space<hbm>>
      %dma_start3A_123 = arith.constant 0 : i32
      %dma_start3A_124 = tpu.memref_slice %arg17[%run_scoped3A_41, %dma_start3A_123] : memref<4x64xi32, #tpu.memory_space<vmem>> -> memref<1x64xi32, #tpu.memory_space<vmem>>
      %dma_start3A_125 = tpu.memref_squeeze %dma_start3A_124 : memref<1x64xi32, #tpu.memory_space<vmem>> -> memref<64xi32, #tpu.memory_space<vmem>>
      %dma_start3A_126 = tpu.memref_slice %arg2[%run_scoped3A_40, %mul3A_2] : memref<4x2048xi32, #tpu.memory_space<hbm>> -> memref<1x64xi32, #tpu.memory_space<hbm>>
      %dma_start3A_127 = tpu.memref_squeeze %dma_start3A_126 : memref<1x64xi32, #tpu.memory_space<hbm>> -> memref<64xi32, #tpu.memory_space<hbm>>
      tpu.enqueue_dma source(%dma_start3A_127 : memref<64xi32, #tpu.memory_space<hbm>>) target(%dma_start3A_125 : memref<64xi32, #tpu.memory_space<vmem>>) target_semaphore(%run_scoped3A_117 : memref<!tpu.dma_semaphore, #tpu.memory_space<semaphore_mem>>)
      %dma_wait3A_128 = arith.constant 0 : i32
      %dma_wait3A_129 = tpu.memref_slice %arg17[%run_scoped3A_41, %dma_wait3A_128] : memref<4x64xi32, #tpu.memory_space<vmem>> -> memref<1x64xi32, #tpu.memory_space<vmem>>
      %dma_wait3A_130 = tpu.memref_squeeze %dma_wait3A_129 : memref<1x64xi32, #tpu.memory_space<vmem>> -> memref<64xi32, #tpu.memory_space<vmem>>
      %dma_wait3A_131 = tpu.memref_slice %arg2[%run_scoped3A_40, %mul3A_2] : memref<4x2048xi32, #tpu.memory_space<hbm>> -> memref<1x64xi32, #tpu.memory_space<hbm>>
      %dma_wait3A_132 = tpu.memref_squeeze %dma_wait3A_131 : memref<1x64xi32, #tpu.memory_space<hbm>> -> memref<64xi32, #tpu.memory_space<hbm>>
      %dma_wait3A_133 = arith.constant 0 : i32
      %dma_wait3A_134 = tpu.memref_slice %arg17[%run_scoped3A_41, %dma_wait3A_133] : memref<4x64xi32, #tpu.memory_space<vmem>> -> memref<1x64xi32, #tpu.memory_space<vmem>>
      %dma_wait3A_135 = tpu.memref_squeeze %dma_wait3A_134 : memref<1x64xi32, #tpu.memory_space<vmem>> -> memref<64xi32, #tpu.memory_space<vmem>>
      %dma_wait3A_136 = tpu.memref_slice %arg2[%run_scoped3A_40, %mul3A_2] : memref<4x2048xi32, #tpu.memory_space<hbm>> -> memref<1x64xi32, #tpu.memory_space<hbm>>
      %dma_wait3A_137 = tpu.memref_squeeze %dma_wait3A_136 : memref<1x64xi32, #tpu.memory_space<hbm>> -> memref<64xi32, #tpu.memory_space<hbm>>
      tpu.wait_dma2 semaphore(%run_scoped3A_117 : memref<!tpu.dma_semaphore, #tpu.memory_space<semaphore_mem>>) src(%dma_wait3A_137 : memref<64xi32, #tpu.memory_space<hbm>>) dst(%dma_wait3A_135 : memref<64xi32, #tpu.memory_space<vmem>>)
      tpu.yield
    }) : () -> ()
    %run_scoped3A_42 = arith.constant 0 : i32
    %run_scoped3A_43 = arith.constant 0 : i32
    "tpu.region"() ({
      %run_scoped3A_117 = tpu.sem_alloc : memref<!tpu.dma_semaphore, #tpu.memory_space<semaphore_mem>>
      %dma_start3A_118 = arith.constant 0 : i32
      %dma_start3A_119 = tpu.memref_slice %arg18[%run_scoped3A_43, %dma_start3A_118] : memref<4x80xf32, #tpu.memory_space<vmem>> -> memref<1x64xf32, #tpu.memory_space<vmem>>
      %dma_start3A_120 = tpu.memref_squeeze %dma_start3A_119 : memref<1x64xf32, #tpu.memory_space<vmem>> -> memref<64xf32, #tpu.memory_space<vmem>>
      %dma_start3A_121 = tpu.memref_slice %arg3[%run_scoped3A_42, %mul3A_2] : memref<4x2048xf32, #tpu.memory_space<hbm>> -> memref<1x64xf32, #tpu.memory_space<hbm>>
      %dma_start3A_122 = tpu.memref_squeeze %dma_start3A_121 : memref<1x64xf32, #tpu.memory_space<hbm>> -> memref<64xf32, #tpu.memory_space<hbm>>
      %dma_start3A_123 = arith.constant 0 : i32
      %dma_start3A_124 = tpu.memref_slice %arg18[%run_scoped3A_43, %dma_start3A_123] : memref<4x80xf32, #tpu.memory_space<vmem>> -> memref<1x64xf32, #tpu.memory_space<vmem>>
      %dma_start3A_125 = tpu.memref_squeeze %dma_start3A_124 : memref<1x64xf32, #tpu.memory_space<vmem>> -> memref<64xf32, #tpu.memory_space<vmem>>
      %dma_start3A_126 = tpu.memref_slice %arg3[%run_scoped3A_42, %mul3A_2] : memref<4x2048xf32, #tpu.memory_space<hbm>> -> memref<1x64xf32, #tpu.memory_space<hbm>>
      %dma_start3A_127 = tpu.memref_squeeze %dma_start3A_126 : memref<1x64xf32, #tpu.memory_space<hbm>> -> memref<64xf32, #tpu.memory_space<hbm>>
      tpu.enqueue_dma source(%dma_start3A_127 : memref<64xf32, #tpu.memory_space<hbm>>) target(%dma_start3A_125 : memref<64xf32, #tpu.memory_space<vmem>>) target_semaphore(%run_scoped3A_117 : memref<!tpu.dma_semaphore, #tpu.memory_space<semaphore_mem>>)
      %dma_wait3A_128 = arith.constant 0 : i32
      %dma_wait3A_129 = tpu.memref_slice %arg18[%run_scoped3A_43, %dma_wait3A_128] : memref<4x80xf32, #tpu.memory_space<vmem>> -> memref<1x64xf32, #tpu.memory_space<vmem>>
      %dma_wait3A_130 = tpu.memref_squeeze %dma_wait3A_129 : memref<1x64xf32, #tpu.memory_space<vmem>> -> memref<64xf32, #tpu.memory_space<vmem>>
      %dma_wait3A_131 = tpu.memref_slice %arg3[%run_scoped3A_42, %mul3A_2] : memref<4x2048xf32, #tpu.memory_space<hbm>> -> memref<1x64xf32, #tpu.memory_space<hbm>>
      %dma_wait3A_132 = tpu.memref_squeeze %dma_wait3A_131 : memref<1x64xf32, #tpu.memory_space<hbm>> -> memref<64xf32, #tpu.memory_space<hbm>>
      %dma_wait3A_133 = arith.constant 0 : i32
      %dma_wait3A_134 = tpu.memref_slice %arg18[%run_scoped3A_43, %dma_wait3A_133] : memref<4x80xf32, #tpu.memory_space<vmem>> -> memref<1x64xf32, #tpu.memory_space<vmem>>
      %dma_wait3A_135 = tpu.memref_squeeze %dma_wait3A_134 : memref<1x64xf32, #tpu.memory_space<vmem>> -> memref<64xf32, #tpu.memory_space<vmem>>
      %dma_wait3A_136 = tpu.memref_slice %arg3[%run_scoped3A_42, %mul3A_2] : memref<4x2048xf32, #tpu.memory_space<hbm>> -> memref<1x64xf32, #tpu.memory_space<hbm>>
      %dma_wait3A_137 = tpu.memref_squeeze %dma_wait3A_136 : memref<1x64xf32, #tpu.memory_space<hbm>> -> memref<64xf32, #tpu.memory_space<hbm>>
      tpu.wait_dma2 semaphore(%run_scoped3A_117 : memref<!tpu.dma_semaphore, #tpu.memory_space<semaphore_mem>>) src(%dma_wait3A_137 : memref<64xf32, #tpu.memory_space<hbm>>) dst(%dma_wait3A_135 : memref<64xf32, #tpu.memory_space<vmem>>)
      tpu.yield
    }) : () -> ()
    %run_scoped3A_44 = arith.constant 1 : i32
    %run_scoped3A_45 = arith.constant 1 : i32
    "tpu.region"() ({
      %run_scoped3A_117 = tpu.sem_alloc : memref<!tpu.dma_semaphore, #tpu.memory_space<semaphore_mem>>
      %dma_start3A_118 = arith.constant 0 : i32
      %dma_start3A_119 = tpu.memref_slice %arg18[%run_scoped3A_45, %dma_start3A_118] : memref<4x80xf32, #tpu.memory_space<vmem>> -> memref<1x64xf32, #tpu.memory_space<vmem>>
      %dma_start3A_120 = tpu.memref_squeeze %dma_start3A_119 : memref<1x64xf32, #tpu.memory_space<vmem>> -> memref<64xf32, #tpu.memory_space<vmem>>
      %dma_start3A_121 = tpu.memref_slice %arg3[%run_scoped3A_44, %mul3A_2] : memref<4x2048xf32, #tpu.memory_space<hbm>> -> memref<1x64xf32, #tpu.memory_space<hbm>>
      %dma_start3A_122 = tpu.memref_squeeze %dma_start3A_121 : memref<1x64xf32, #tpu.memory_space<hbm>> -> memref<64xf32, #tpu.memory_space<hbm>>
      %dma_start3A_123 = arith.constant 0 : i32
      %dma_start3A_124 = tpu.memref_slice %arg18[%run_scoped3A_45, %dma_start3A_123] : memref<4x80xf32, #tpu.memory_space<vmem>> -> memref<1x64xf32, #tpu.memory_space<vmem>>
      %dma_start3A_125 = tpu.memref_squeeze %dma_start3A_124 : memref<1x64xf32, #tpu.memory_space<vmem>> -> memref<64xf32, #tpu.memory_space<vmem>>
      %dma_start3A_126 = tpu.memref_slice %arg3[%run_scoped3A_44, %mul3A_2] : memref<4x2048xf32, #tpu.memory_space<hbm>> -> memref<1x64xf32, #tpu.memory_space<hbm>>
      %dma_start3A_127 = tpu.memref_squeeze %dma_start3A_126 : memref<1x64xf32, #tpu.memory_space<hbm>> -> memref<64xf32, #tpu.memory_space<hbm>>
      tpu.enqueue_dma source(%dma_start3A_127 : memref<64xf32, #tpu.memory_space<hbm>>) target(%dma_start3A_125 : memref<64xf32, #tpu.memory_space<vmem>>) target_semaphore(%run_scoped3A_117 : memref<!tpu.dma_semaphore, #tpu.memory_space<semaphore_mem>>)
      %dma_wait3A_128 = arith.constant 0 : i32
      %dma_wait3A_129 = tpu.memref_slice %arg18[%run_scoped3A_45, %dma_wait3A_128] : memref<4x80xf32, #tpu.memory_space<vmem>> -> memref<1x64xf32, #tpu.memory_space<vmem>>
      %dma_wait3A_130 = tpu.memref_squeeze %dma_wait3A_129 : memref<1x64xf32, #tpu.memory_space<vmem>> -> memref<64xf32, #tpu.memory_space<vmem>>
      %dma_wait3A_131 = tpu.memref_slice %arg3[%run_scoped3A_44, %mul3A_2] : memref<4x2048xf32, #tpu.memory_space<hbm>> -> memref<1x64xf32, #tpu.memory_space<hbm>>
      %dma_wait3A_132 = tpu.memref_squeeze %dma_wait3A_131 : memref<1x64xf32, #tpu.memory_space<hbm>> -> memref<64xf32, #tpu.memory_space<hbm>>
      %dma_wait3A_133 = arith.constant 0 : i32
      %dma_wait3A_134 = tpu.memref_slice %arg18[%run_scoped3A_45, %dma_wait3A_133] : memref<4x80xf32, #tpu.memory_space<vmem>> -> memref<1x64xf32, #tpu.memory_space<vmem>>
      %dma_wait3A_135 = tpu.memref_squeeze %dma_wait3A_134 : memref<1x64xf32, #tpu.memory_space<vmem>> -> memref<64xf32, #tpu.memory_space<vmem>>
      %dma_wait3A_136 = tpu.memref_slice %arg3[%run_scoped3A_44, %mul3A_2] : memref<4x2048xf32, #tpu.memory_space<hbm>> -> memref<1x64xf32, #tpu.memory_space<hbm>>
      %dma_wait3A_137 = tpu.memref_squeeze %dma_wait3A_136 : memref<1x64xf32, #tpu.memory_space<hbm>> -> memref<64xf32, #tpu.memory_space<hbm>>
      tpu.wait_dma2 semaphore(%run_scoped3A_117 : memref<!tpu.dma_semaphore, #tpu.memory_space<semaphore_mem>>) src(%dma_wait3A_137 : memref<64xf32, #tpu.memory_space<hbm>>) dst(%dma_wait3A_135 : memref<64xf32, #tpu.memory_space<vmem>>)
      tpu.yield
    }) : () -> ()
    %run_scoped3A_46 = arith.constant 2 : i32
    %run_scoped3A_47 = arith.constant 2 : i32
    "tpu.region"() ({
      %run_scoped3A_117 = tpu.sem_alloc : memref<!tpu.dma_semaphore, #tpu.memory_space<semaphore_mem>>
      %dma_start3A_118 = arith.constant 0 : i32
      %dma_start3A_119 = tpu.memref_slice %arg18[%run_scoped3A_47, %dma_start3A_118] : memref<4x80xf32, #tpu.memory_space<vmem>> -> memref<1x64xf32, #tpu.memory_space<vmem>>
      %dma_start3A_120 = tpu.memref_squeeze %dma_start3A_119 : memref<1x64xf32, #tpu.memory_space<vmem>> -> memref<64xf32, #tpu.memory_space<vmem>>
      %dma_start3A_121 = tpu.memref_slice %arg3[%run_scoped3A_46, %mul3A_2] : memref<4x2048xf32, #tpu.memory_space<hbm>> -> memref<1x64xf32, #tpu.memory_space<hbm>>
      %dma_start3A_122 = tpu.memref_squeeze %dma_start3A_121 : memref<1x64xf32, #tpu.memory_space<hbm>> -> memref<64xf32, #tpu.memory_space<hbm>>
      %dma_start3A_123 = arith.constant 0 : i32
      %dma_start3A_124 = tpu.memref_slice %arg18[%run_scoped3A_47, %dma_start3A_123] : memref<4x80xf32, #tpu.memory_space<vmem>> -> memref<1x64xf32, #tpu.memory_space<vmem>>
      %dma_start3A_125 = tpu.memref_squeeze %dma_start3A_124 : memref<1x64xf32, #tpu.memory_space<vmem>> -> memref<64xf32, #tpu.memory_space<vmem>>
      %dma_start3A_126 = tpu.memref_slice %arg3[%run_scoped3A_46, %mul3A_2] : memref<4x2048xf32, #tpu.memory_space<hbm>> -> memref<1x64xf32, #tpu.memory_space<hbm>>
      %dma_start3A_127 = tpu.memref_squeeze %dma_start3A_126 : memref<1x64xf32, #tpu.memory_space<hbm>> -> memref<64xf32, #tpu.memory_space<hbm>>
      tpu.enqueue_dma source(%dma_start3A_127 : memref<64xf32, #tpu.memory_space<hbm>>) target(%dma_start3A_125 : memref<64xf32, #tpu.memory_space<vmem>>) target_semaphore(%run_scoped3A_117 : memref<!tpu.dma_semaphore, #tpu.memory_space<semaphore_mem>>)
      %dma_wait3A_128 = arith.constant 0 : i32
      %dma_wait3A_129 = tpu.memref_slice %arg18[%run_scoped3A_47, %dma_wait3A_128] : memref<4x80xf32, #tpu.memory_space<vmem>> -> memref<1x64xf32, #tpu.memory_space<vmem>>
      %dma_wait3A_130 = tpu.memref_squeeze %dma_wait3A_129 : memref<1x64xf32, #tpu.memory_space<vmem>> -> memref<64xf32, #tpu.memory_space<vmem>>
      %dma_wait3A_131 = tpu.memref_slice %arg3[%run_scoped3A_46, %mul3A_2] : memref<4x2048xf32, #tpu.memory_space<hbm>> -> memref<1x64xf32, #tpu.memory_space<hbm>>
      %dma_wait3A_132 = tpu.memref_squeeze %dma_wait3A_131 : memref<1x64xf32, #tpu.memory_space<hbm>> -> memref<64xf32, #tpu.memory_space<hbm>>
      %dma_wait3A_133 = arith.constant 0 : i32
      %dma_wait3A_134 = tpu.memref_slice %arg18[%run_scoped3A_47, %dma_wait3A_133] : memref<4x80xf32, #tpu.memory_space<vmem>> -> memref<1x64xf32, #tpu.memory_space<vmem>>
      %dma_wait3A_135 = tpu.memref_squeeze %dma_wait3A_134 : memref<1x64xf32, #tpu.memory_space<vmem>> -> memref<64xf32, #tpu.memory_space<vmem>>
      %dma_wait3A_136 = tpu.memref_slice %arg3[%run_scoped3A_46, %mul3A_2] : memref<4x2048xf32, #tpu.memory_space<hbm>> -> memref<1x64xf32, #tpu.memory_space<hbm>>
      %dma_wait3A_137 = tpu.memref_squeeze %dma_wait3A_136 : memref<1x64xf32, #tpu.memory_space<hbm>> -> memref<64xf32, #tpu.memory_space<hbm>>
      tpu.wait_dma2 semaphore(%run_scoped3A_117 : memref<!tpu.dma_semaphore, #tpu.memory_space<semaphore_mem>>) src(%dma_wait3A_137 : memref<64xf32, #tpu.memory_space<hbm>>) dst(%dma_wait3A_135 : memref<64xf32, #tpu.memory_space<vmem>>)
      tpu.yield
    }) : () -> ()
    %run_scoped3A_48 = arith.constant 3 : i32
    %run_scoped3A_49 = arith.constant 3 : i32
    "tpu.region"() ({
      %run_scoped3A_117 = tpu.sem_alloc : memref<!tpu.dma_semaphore, #tpu.memory_space<semaphore_mem>>
      %dma_start3A_118 = arith.constant 0 : i32
      %dma_start3A_119 = tpu.memref_slice %arg18[%run_scoped3A_49, %dma_start3A_118] : memref<4x80xf32, #tpu.memory_space<vmem>> -> memref<1x64xf32, #tpu.memory_space<vmem>>
      %dma_start3A_120 = tpu.memref_squeeze %dma_start3A_119 : memref<1x64xf32, #tpu.memory_space<vmem>> -> memref<64xf32, #tpu.memory_space<vmem>>
      %dma_start3A_121 = tpu.memref_slice %arg3[%run_scoped3A_48, %mul3A_2] : memref<4x2048xf32, #tpu.memory_space<hbm>> -> memref<1x64xf32, #tpu.memory_space<hbm>>
      %dma_start3A_122 = tpu.memref_squeeze %dma_start3A_121 : memref<1x64xf32, #tpu.memory_space<hbm>> -> memref<64xf32, #tpu.memory_space<hbm>>
      %dma_start3A_123 = arith.constant 0 : i32
      %dma_start3A_124 = tpu.memref_slice %arg18[%run_scoped3A_49, %dma_start3A_123] : memref<4x80xf32, #tpu.memory_space<vmem>> -> memref<1x64xf32, #tpu.memory_space<vmem>>
      %dma_start3A_125 = tpu.memref_squeeze %dma_start3A_124 : memref<1x64xf32, #tpu.memory_space<vmem>> -> memref<64xf32, #tpu.memory_space<vmem>>
      %dma_start3A_126 = tpu.memref_slice %arg3[%run_scoped3A_48, %mul3A_2] : memref<4x2048xf32, #tpu.memory_space<hbm>> -> memref<1x64xf32, #tpu.memory_space<hbm>>
      %dma_start3A_127 = tpu.memref_squeeze %dma_start3A_126 : memref<1x64xf32, #tpu.memory_space<hbm>> -> memref<64xf32, #tpu.memory_space<hbm>>
      tpu.enqueue_dma source(%dma_start3A_127 : memref<64xf32, #tpu.memory_space<hbm>>) target(%dma_start3A_125 : memref<64xf32, #tpu.memory_space<vmem>>) target_semaphore(%run_scoped3A_117 : memref<!tpu.dma_semaphore, #tpu.memory_space<semaphore_mem>>)
      %dma_wait3A_128 = arith.constant 0 : i32
      %dma_wait3A_129 = tpu.memref_slice %arg18[%run_scoped3A_49, %dma_wait3A_128] : memref<4x80xf32, #tpu.memory_space<vmem>> -> memref<1x64xf32, #tpu.memory_space<vmem>>
      %dma_wait3A_130 = tpu.memref_squeeze %dma_wait3A_129 : memref<1x64xf32, #tpu.memory_space<vmem>> -> memref<64xf32, #tpu.memory_space<vmem>>
      %dma_wait3A_131 = tpu.memref_slice %arg3[%run_scoped3A_48, %mul3A_2] : memref<4x2048xf32, #tpu.memory_space<hbm>> -> memref<1x64xf32, #tpu.memory_space<hbm>>
      %dma_wait3A_132 = tpu.memref_squeeze %dma_wait3A_131 : memref<1x64xf32, #tpu.memory_space<hbm>> -> memref<64xf32, #tpu.memory_space<hbm>>
      %dma_wait3A_133 = arith.constant 0 : i32
      %dma_wait3A_134 = tpu.memref_slice %arg18[%run_scoped3A_49, %dma_wait3A_133] : memref<4x80xf32, #tpu.memory_space<vmem>> -> memref<1x64xf32, #tpu.memory_space<vmem>>
      %dma_wait3A_135 = tpu.memref_squeeze %dma_wait3A_134 : memref<1x64xf32, #tpu.memory_space<vmem>> -> memref<64xf32, #tpu.memory_space<vmem>>
      %dma_wait3A_136 = tpu.memref_slice %arg3[%run_scoped3A_48, %mul3A_2] : memref<4x2048xf32, #tpu.memory_space<hbm>> -> memref<1x64xf32, #tpu.memory_space<hbm>>
      %dma_wait3A_137 = tpu.memref_squeeze %dma_wait3A_136 : memref<1x64xf32, #tpu.memory_space<hbm>> -> memref<64xf32, #tpu.memory_space<hbm>>
      tpu.wait_dma2 semaphore(%run_scoped3A_117 : memref<!tpu.dma_semaphore, #tpu.memory_space<semaphore_mem>>) src(%dma_wait3A_137 : memref<64xf32, #tpu.memory_space<hbm>>) dst(%dma_wait3A_135 : memref<64xf32, #tpu.memory_space<vmem>>)
      tpu.yield
    }) : () -> ()
    "tpu.region"() ({
      %run_scoped3A_117 = tpu.sem_alloc : memref<!tpu.dma_semaphore, #tpu.memory_space<semaphore_mem>>
      %dma_start3A_118 = arith.constant 0 : i32
      %dma_start3A_119 = tpu.memref_slice %arg5[%mul3A_2, %dma_start3A_118] : memref<2048x768xf32, #tpu.memory_space<hbm>> -> memref<64x768xf32, #tpu.memory_space<hbm>>
      %dma_start3A_120 = arith.constant 0 : i32
      %dma_start3A_121 = tpu.memref_slice %arg5[%mul3A_2, %dma_start3A_120] : memref<2048x768xf32, #tpu.memory_space<hbm>> -> memref<64x768xf32, #tpu.memory_space<hbm>>
      tpu.enqueue_dma source(%dma_start3A_121 : memref<64x768xf32, #tpu.memory_space<hbm>>) target(%arg10 : memref<64x768xf32, #tpu.memory_space<vmem>>) target_semaphore(%run_scoped3A_117 : memref<!tpu.dma_semaphore, #tpu.memory_space<semaphore_mem>>)
      %dma_wait3A_122 = arith.constant 0 : i32
      %dma_wait3A_123 = tpu.memref_slice %arg5[%mul3A_2, %dma_wait3A_122] : memref<2048x768xf32, #tpu.memory_space<hbm>> -> memref<64x768xf32, #tpu.memory_space<hbm>>
      %dma_wait3A_124 = arith.constant 0 : i32
      %dma_wait3A_125 = tpu.memref_slice %arg5[%mul3A_2, %dma_wait3A_124] : memref<2048x768xf32, #tpu.memory_space<hbm>> -> memref<64x768xf32, #tpu.memory_space<hbm>>
      tpu.wait_dma2 semaphore(%run_scoped3A_117 : memref<!tpu.dma_semaphore, #tpu.memory_space<semaphore_mem>>) src(%dma_wait3A_125 : memref<64x768xf32, #tpu.memory_space<hbm>>) dst(%arg10 : memref<64x768xf32, #tpu.memory_space<vmem>>)
      tpu.yield
    }) : () -> ()
    "tpu.region"() ({
      %run_scoped3A_117 = tpu.sem_alloc : memref<!tpu.dma_semaphore, #tpu.memory_space<semaphore_mem>>
      tpu.enqueue_dma source(%arg6 : memref<2x768xf32, #tpu.memory_space<hbm>>) target(%arg15 : memref<2x768xf32, #tpu.memory_space<vmem>>) target_semaphore(%run_scoped3A_117 : memref<!tpu.dma_semaphore, #tpu.memory_space<semaphore_mem>>)
      tpu.wait_dma2 semaphore(%run_scoped3A_117 : memref<!tpu.dma_semaphore, #tpu.memory_space<semaphore_mem>>) src(%arg6 : memref<2x768xf32, #tpu.memory_space<hbm>>) dst(%arg15 : memref<2x768xf32, #tpu.memory_space<vmem>>)
      tpu.yield
    }) : () -> ()
    "tpu.region"() ({
      %run_scoped3A_117 = tpu.sem_alloc : memref<!tpu.dma_semaphore, #tpu.memory_space<semaphore_mem>>
      tpu.enqueue_dma source(%arg7 : memref<768xf32, #tpu.memory_space<hbm>>) target(%arg13 : memref<768xf32, #tpu.memory_space<vmem>>) target_semaphore(%run_scoped3A_117 : memref<!tpu.dma_semaphore, #tpu.memory_space<semaphore_mem>>)
      tpu.wait_dma2 semaphore(%run_scoped3A_117 : memref<!tpu.dma_semaphore, #tpu.memory_space<semaphore_mem>>) src(%arg7 : memref<768xf32, #tpu.memory_space<hbm>>) dst(%arg13 : memref<768xf32, #tpu.memory_space<vmem>>)
      tpu.yield
    }) : () -> ()
    "tpu.region"() ({
      %run_scoped3A_117 = tpu.sem_alloc : memref<!tpu.dma_semaphore, #tpu.memory_space<semaphore_mem>>
      tpu.enqueue_dma source(%arg8 : memref<768xf32, #tpu.memory_space<hbm>>) target(%arg14 : memref<768xf32, #tpu.memory_space<vmem>>) target_semaphore(%run_scoped3A_117 : memref<!tpu.dma_semaphore, #tpu.memory_space<semaphore_mem>>)
      tpu.wait_dma2 semaphore(%run_scoped3A_117 : memref<!tpu.dma_semaphore, #tpu.memory_space<semaphore_mem>>) src(%arg8 : memref<768xf32, #tpu.memory_space<hbm>>) dst(%arg14 : memref<768xf32, #tpu.memory_space<vmem>>)
      tpu.yield
    }) : () -> ()
    %parallel_loop3A = arith.constant 0 : i32
    %parallel_loop3A_50 = arith.constant 48 : i32
    %parallel_loop3A_51 = arith.constant 1 : i32
    scf.for %parallel_loop3A_117 = %parallel_loop3A to %parallel_loop3A_50 step %parallel_loop3A_51  : i32 {
      %parallel_loop3A_118 = arith.constant 16 : i32
      %parallel_loop3A_119 = arith.muli %parallel_loop3A_117, %parallel_loop3A_118 : i32
      %parallel_loop3A_120 = arith.constant 1 : i32
      %parallel_loop3A_121 = arith.index_cast %parallel_loop3A_120 : i32 to index
      %parallel_loop3A_122 = arith.index_cast %parallel_loop3A_119 : i32 to index
      %parallel_loop3A_123 = tpu.vector_load %arg15[%parallel_loop3A_121, %parallel_loop3A_122] {strides = array<i32>} : memref<2x768xf32, #tpu.memory_space<vmem>>, vector<16xf32>,
      %parallel_loop3A_124 = arith.constant 0 : i32
      %parallel_loop3A_125 = arith.index_cast %parallel_loop3A_124 : i32 to index
      %parallel_loop3A_126 = arith.index_cast %parallel_loop3A_119 : i32 to index
      %parallel_loop3A_127 = tpu.vector_load %arg15[%parallel_loop3A_125, %parallel_loop3A_126] {strides = array<i32>} : memref<2x768xf32, #tpu.memory_space<vmem>>, vector<16xf32>,
      %parallel_loop3A_128 = arith.subf %parallel_loop3A_123, %parallel_loop3A_127 : vector<16xf32>
      %parallel_loop3A_129 = arith.index_cast %parallel_loop3A_119 : i32 to index
      %parallel_loop3A_130 = tpu.vector_load %arg16[%parallel_loop3A_129] {strides = array<i32>} : memref<768xf32, #tpu.memory_space<vmem>>, vector<16xf32>,
      tpu.vector_store %arg16[%parallel_loop3A_129], %parallel_loop3A_128 {strides = array<i32>} : memref<768xf32, #tpu.memory_space<vmem>>, vector<16xf32>,
    } {sc.loop_unroll_factor = 4 : i64, sc.parallel_access}
    %scan3A = arith.constant 0 : i32
    %scan3A_52 = arith.constant 0 : i32
    %scan3A_53 = arith.constant 16 : i32
    %scan3A_54 = arith.addi %scan3A_52, %scan3A_53 : i32
    %scan3A_55 = arith.constant 1 : i32
    %scan3A_56 = scf.for %scan3A_117 = %scan3A_52 to %scan3A_54 step %scan3A_55 iter_args(%scan3A_118 = %scan3A) -> (i32)  : i32 {
      %rem3A_119 = arith.constant 4 : i32
      %rem3A_120 = arith.remsi %scan3A_117, %rem3A_119 : i32
      %lt3A = arith.constant 14 : i32
      %lt3A_121 = arith.cmpi slt, %scan3A_117, %lt3A : i32
      %convert_element_type3A = arith.extui %lt3A_121 : i1 to i32
      %cond3A = arith.constant 0 : i32
      %cond3A_122 = arith.cmpi ne, %convert_element_type3A, %cond3A : i32
      scf.if %cond3A_122 {
        %add3A_186 = arith.constant 2 : i32
        %add3A_187 = arith.addi %scan3A_117, %add3A_186 : i32
        %rem3A_188 = arith.constant 4 : i32
        %rem3A_189 = arith.remsi %add3A_187, %rem3A_188 : i32
        %ge3A = arith.constant 2 : i32
        %ge3A_190 = arith.cmpi sge, %scan3A_117, %ge3A : i32
        %convert_element_type3A_191 = arith.extui %ge3A_190 : i1 to i32
        %cond3A_192 = arith.constant 0 : i32
        %cond3A_193 = arith.cmpi ne, %convert_element_type3A_191, %cond3A_192 : i32
        scf.if %cond3A_193 {
          %mul3A_235 = arith.constant 16 : i32
          %mul3A_236 = arith.muli %rem3A_189, %mul3A_235 : i32
          %dma_wait3A_237 = arith.constant 0 : i32
          %dma_wait3A_238 = tpu.memref_slice %arg11[%mul3A_236, %dma_wait3A_237] : memref<64x768xf32, #tpu.memory_space<vmem>> -> memref<16x768xf32, #tpu.memory_space<vmem>>
          %dma_wait3A_239 = arith.constant 0 : i32
          %dma_wait3A_240 = arith.constant 0 : i32
          %dma_wait3A_241 = tpu.memref_slice %arg9[%dma_wait3A_239, %dma_wait3A_240] : memref<8192x768xf32, #tpu.memory_space<hbm>> -> memref<16x768xf32, #tpu.memory_space<hbm>>
          %dma_wait3A_242 = tpu.memref_slice %arg20[%rem3A_189] : memref<4x!tpu.dma_semaphore, #tpu.memory_space<semaphore_mem>> -> memref<1x!tpu.dma_semaphore, #tpu.memory_space<semaphore_mem>>
          %dma_wait3A_243 = tpu.memref_squeeze %dma_wait3A_242 : memref<1x!tpu.dma_semaphore, #tpu.memory_space<semaphore_mem>> -> memref<!tpu.dma_semaphore, #tpu.memory_space<semaphore_mem>>
          %dma_wait3A_244 = arith.constant 0 : i32
          %dma_wait3A_245 = arith.constant 0 : i32
          %dma_wait3A_246 = tpu.memref_slice %arg9[%dma_wait3A_244, %dma_wait3A_245] : memref<8192x768xf32, #tpu.memory_space<hbm>> -> memref<16x768xf32, #tpu.memory_space<hbm>>
          %dma_wait3A_247 = arith.constant 0 : i32
          %dma_wait3A_248 = tpu.memref_slice %arg11[%mul3A_236, %dma_wait3A_247] : memref<64x768xf32, #tpu.memory_space<vmem>> -> memref<16x768xf32, #tpu.memory_space<vmem>>
          tpu.wait_dma2 semaphore(%dma_wait3A_243 : memref<!tpu.dma_semaphore, #tpu.memory_space<semaphore_mem>>) src(%dma_wait3A_248 : memref<16x768xf32, #tpu.memory_space<vmem>>) dst(%dma_wait3A_246 : memref<16x768xf32, #tpu.memory_space<hbm>>)
        } else {
        }
        %add3A_194 = arith.constant 2 : i32
        %add3A_195 = arith.addi %scan3A_117, %add3A_194 : i32
        %jit3A_196 = arith.constant 4 : i32
        %div3A_197 = arith.divsi %add3A_195, %jit3A_196 : i32
        %sign3A_198 = arith.constant 0 : i32
        %sign3A_199 = arith.cmpi sgt, %add3A_195, %sign3A_198 : i32
        %sign3A_200 = arith.extui %sign3A_199 : i1 to i32
        %sign3A_201 = arith.constant 0 : i32
        %sign3A_202 = arith.cmpi slt, %add3A_195, %sign3A_201 : i32
        %sign3A_203 = arith.extui %sign3A_202 : i1 to i32
        %sign3A_204 = arith.subi %sign3A_200, %sign3A_203 : i32
        %sign3A_205 = arith.constant 0 : i32
        %sign3A_206 = arith.cmpi sgt, %jit3A_196, %sign3A_205 : i32
        %sign3A_207 = arith.extui %sign3A_206 : i1 to i32
        %sign3A_208 = arith.constant 0 : i32
        %sign3A_209 = arith.cmpi slt, %jit3A_196, %sign3A_208 : i32
        %sign3A_210 = arith.extui %sign3A_209 : i1 to i32
        %sign3A_211 = arith.subi %sign3A_207, %sign3A_210 : i32
        %ne3A_212 = arith.cmpi ne, %sign3A_204, %sign3A_211 : i32
        %rem3A_213 = arith.remsi %add3A_195, %jit3A_196 : i32
        %ne3A_214 = arith.constant 0 : i32
        %ne3A_215 = arith.cmpi ne, %rem3A_213, %ne3A_214 : i32
        %and3A_216 = arith.andi %ne3A_212, %ne3A_215 : i1
        %sub3A_217 = arith.constant 1 : i32
        %sub3A_218 = arith.subi %div3A_197, %sub3A_217 : i32
        %select_n3A_219 = arith.select %and3A_216, %sub3A_218, %div3A_197 : i32
        %rem3A_220 = arith.constant 4 : i32
        %rem3A_221 = arith.remsi %add3A_195, %rem3A_220 : i32
        %mul3A_222 = arith.constant 16 : i32
        %mul3A_223 = arith.muli %rem3A_221, %mul3A_222 : i32
        %mul3A_224 = arith.constant 16 : i32
        %mul3A_225 = arith.muli %rem3A_189, %mul3A_224 : i32
        %dma_start3A_226 = arith.constant 0 : i32
        %dma_start3A_227 = tpu.memref_slice %arg11[%mul3A_225, %dma_start3A_226] : memref<64x768xf32, #tpu.memory_space<vmem>> -> memref<16x768xf32, #tpu.memory_space<vmem>>
        %dma_start3A_228 = tpu.memref_slice %arg17[%select_n3A_219, %mul3A_223] : memref<4x64xi32, #tpu.memory_space<vmem>> -> memref<1x16xi32, #tpu.memory_space<vmem>>
        %dma_start3A_229 = tpu.memref_squeeze %dma_start3A_228 : memref<1x16xi32, #tpu.memory_space<vmem>> -> memref<16xi32, #tpu.memory_space<vmem>>
        %dma_start3A_230 = arith.constant 0 : i32
        %dma_start3A_231 = arith.constant 0 : i32
        %dma_start3A_232 = tpu.memref_slice %arg4[%dma_start3A_230, %dma_start3A_231] : memref<100000x768xf32, #tpu.memory_space<hbm>> -> memref<100000x768xf32, #tpu.memory_space<hbm>>
        %dma_start3A_233 = tpu.memref_slice %arg19[%rem3A_189] : memref<4x!tpu.dma_semaphore, #tpu.memory_space<semaphore_mem>> -> memref<1x!tpu.dma_semaphore, #tpu.memory_space<semaphore_mem>>
        %dma_start3A_234 = tpu.memref_squeeze %dma_start3A_233 : memref<1x!tpu.dma_semaphore, #tpu.memory_space<semaphore_mem>> -> memref<!tpu.dma_semaphore, #tpu.memory_space<semaphore_mem>>
        tpu.enqueue_indirect_dma source(%dma_start3A_232 : memref<100000x768xf32, #tpu.memory_space<hbm>>) target(%dma_start3A_227 : memref<16x768xf32, #tpu.memory_space<vmem>>) offsets(%dma_start3A_229 : memref<16xi32, #tpu.memory_space<vmem>>) semaphore(%dma_start3A_234 : memref<!tpu.dma_semaphore, #tpu.memory_space<semaphore_mem>>)
      } else {
      }
      %mul3A_123 = arith.constant 16 : i32
      %mul3A_124 = arith.muli %rem3A_120, %mul3A_123 : i32
      %dma_wait3A_125 = arith.constant 0 : i32
      %dma_wait3A_126 = tpu.memref_slice %arg11[%mul3A_124, %dma_wait3A_125] : memref<64x768xf32, #tpu.memory_space<vmem>> -> memref<16x768xf32, #tpu.memory_space<vmem>>
      %dma_wait3A_127 = arith.constant 0 : i32
      %dma_wait3A_128 = arith.constant 0 : i32
      %dma_wait3A_129 = tpu.memref_slice %arg4[%dma_wait3A_127, %dma_wait3A_128] : memref<100000x768xf32, #tpu.memory_space<hbm>> -> memref<16x768xf32, #tpu.memory_space<hbm>>
      %dma_wait3A_130 = tpu.memref_slice %arg19[%rem3A_120] : memref<4x!tpu.dma_semaphore, #tpu.memory_space<semaphore_mem>> -> memref<1x!tpu.dma_semaphore, #tpu.memory_space<semaphore_mem>>
      %dma_wait3A_131 = tpu.memref_squeeze %dma_wait3A_130 : memref<1x!tpu.dma_semaphore, #tpu.memory_space<semaphore_mem>> -> memref<!tpu.dma_semaphore, #tpu.memory_space<semaphore_mem>>
      %dma_wait3A_132 = arith.constant 0 : i32
      %dma_wait3A_133 = tpu.memref_slice %arg11[%mul3A_124, %dma_wait3A_132] : memref<64x768xf32, #tpu.memory_space<vmem>> -> memref<16x768xf32, #tpu.memory_space<vmem>>
      %dma_wait3A_134 = arith.constant 0 : i32
      %dma_wait3A_135 = arith.constant 0 : i32
      %dma_wait3A_136 = tpu.memref_slice %arg4[%dma_wait3A_134, %dma_wait3A_135] : memref<100000x768xf32, #tpu.memory_space<hbm>> -> memref<16x768xf32, #tpu.memory_space<hbm>>
      tpu.wait_dma2 semaphore(%dma_wait3A_131 : memref<!tpu.dma_semaphore, #tpu.memory_space<semaphore_mem>>) src(%dma_wait3A_136 : memref<16x768xf32, #tpu.memory_space<hbm>>) dst(%dma_wait3A_133 : memref<16x768xf32, #tpu.memory_space<vmem>>)
      %jit3A = arith.constant 4 : i32
      %div3A = arith.divsi %scan3A_117, %jit3A : i32
      %sign3A = arith.constant 0 : i32
      %sign3A_137 = arith.cmpi sgt, %scan3A_117, %sign3A : i32
      %sign3A_138 = arith.extui %sign3A_137 : i1 to i32
      %sign3A_139 = arith.constant 0 : i32
      %sign3A_140 = arith.cmpi slt, %scan3A_117, %sign3A_139 : i32
      %sign3A_141 = arith.extui %sign3A_140 : i1 to i32
      %sign3A_142 = arith.subi %sign3A_138, %sign3A_141 : i32
      %sign3A_143 = arith.constant 0 : i32
      %sign3A_144 = arith.cmpi sgt, %jit3A, %sign3A_143 : i32
      %sign3A_145 = arith.extui %sign3A_144 : i1 to i32
      %sign3A_146 = arith.constant 0 : i32
      %sign3A_147 = arith.cmpi slt, %jit3A, %sign3A_146 : i32
      %sign3A_148 = arith.extui %sign3A_147 : i1 to i32
      %sign3A_149 = arith.subi %sign3A_145, %sign3A_148 : i32
      %ne3A = arith.cmpi ne, %sign3A_142, %sign3A_149 : i32
      %rem3A_150 = arith.remsi %scan3A_117, %jit3A : i32
      %ne3A_151 = arith.constant 0 : i32
      %ne3A_152 = arith.cmpi ne, %rem3A_150, %ne3A_151 : i32
      %and3A = arith.andi %ne3A, %ne3A_152 : i1
      %sub3A = arith.constant 1 : i32
      %sub3A_153 = arith.subi %div3A, %sub3A : i32
      %select_n3A = arith.select %and3A, %sub3A_153, %div3A : i32
      %rem3A_154 = arith.constant 4 : i32
      %rem3A_155 = arith.remsi %scan3A_117, %rem3A_154 : i32
      %mul3A_156 = arith.constant 16 : i32
      %mul3A_157 = arith.muli %rem3A_120, %mul3A_156 : i32
      %mul3A_158 = arith.constant 16 : i32
      %mul3A_159 = arith.muli %rem3A_155, %mul3A_158 : i32
      %scan3A_160 = arith.constant 0 : i32
      %scan3A_161 = arith.constant 0 : i32
      %scan3A_162 = arith.constant 2 : i32
      %scan3A_163 = arith.addi %scan3A_161, %scan3A_162 : i32
      %scan3A_164 = arith.constant 1 : i32
      %scan3A_165 = scf.for %scan3A_186 = %scan3A_161 to %scan3A_163 step %scan3A_164 iter_args(%scan3A_187 = %scan3A_160) -> (i32)  : i32 {
        %mul3A_188 = arith.constant 8 : i32
        %mul3A_189 = arith.muli %scan3A_186, %mul3A_188 : i32
        %add3A_190 = arith.addi %mul3A_157, %mul3A_189 : i32
        %multiple_of3A_191 = tpu.assume_multiple %add3A_190, 8 : i32
        %mul3A_192 = arith.constant 8 : i32
        %mul3A_193 = arith.muli %scan3A_186, %mul3A_192 : i32
        %add3A_194 = arith.addi %mul3A_159, %mul3A_193 : i32
        %add3A_195 = arith.constant 0 : i32
        %add3A_196 = arith.addi %add3A_194, %add3A_195 : i32
        %get3A = arith.index_cast %select_n3A : i32 to index
        %get3A_197 = arith.index_cast %add3A_196 : i32 to index
        %get3A_198 = tpu.vector_load %arg18[%get3A, %get3A_197] {strides = array<i32>} : memref<4x80xf32, #tpu.memory_space<vmem>>, vector<16xf32>,
        %slice3A = vector.extract_strided_slice %get3A_198 {offsets = [0], sizes = [1], strides = [1]} : vector<16xf32> to vector<1xf32>
        %squeeze3A = vector.extract %slice3A[0] : f32 from vector<1xf32>
        %broadcast_in_dim3A = vector.broadcast %squeeze3A : f32 to vector<16xf32>
        %mul3A_199 = arith.constant 8 : i32
        %mul3A_200 = arith.muli %scan3A_186, %mul3A_199 : i32
        %add3A_201 = arith.addi %mul3A_159, %mul3A_200 : i32
        %add3A_202 = arith.constant 1 : i32
        %add3A_203 = arith.addi %add3A_201, %add3A_202 : i32
        %get3A_204 = arith.index_cast %select_n3A : i32 to index
        %get3A_205 = arith.index_cast %add3A_203 : i32 to index
        %get3A_206 = tpu.vector_load %arg18[%get3A_204, %get3A_205] {strides = array<i32>} : memref<4x80xf32, #tpu.memory_space<vmem>>, vector<16xf32>,
        %slice3A_207 = vector.extract_strided_slice %get3A_206 {offsets = [0], sizes = [1], strides = [1]} : vector<16xf32> to vector<1xf32>
        %squeeze3A_208 = vector.extract %slice3A_207[0] : f32 from vector<1xf32>
        %broadcast_in_dim3A_209 = vector.broadcast %squeeze3A_208 : f32 to vector<16xf32>
        %mul3A_210 = arith.constant 8 : i32
        %mul3A_211 = arith.muli %scan3A_186, %mul3A_210 : i32
        %add3A_212 = arith.addi %mul3A_159, %mul3A_211 : i32
        %add3A_213 = arith.constant 2 : i32
        %add3A_214 = arith.addi %add3A_212, %add3A_213 : i32
        %get3A_215 = arith.index_cast %select_n3A : i32 to index
        %get3A_216 = arith.index_cast %add3A_214 : i32 to index
        %get3A_217 = tpu.vector_load %arg18[%get3A_215, %get3A_216] {strides = array<i32>} : memref<4x80xf32, #tpu.memory_space<vmem>>, vector<16xf32>,
        %slice3A_218 = vector.extract_strided_slice %get3A_217 {offsets = [0], sizes = [1], strides = [1]} : vector<16xf32> to vector<1xf32>
        %squeeze3A_219 = vector.extract %slice3A_218[0] : f32 from vector<1xf32>
        %broadcast_in_dim3A_220 = vector.broadcast %squeeze3A_219 : f32 to vector<16xf32>
        %mul3A_221 = arith.constant 8 : i32
        %mul3A_222 = arith.muli %scan3A_186, %mul3A_221 : i32
        %add3A_223 = arith.addi %mul3A_159, %mul3A_222 : i32
        %add3A_224 = arith.constant 3 : i32
        %add3A_225 = arith.addi %add3A_223, %add3A_224 : i32
        %get3A_226 = arith.index_cast %select_n3A : i32 to index
        %get3A_227 = arith.index_cast %add3A_225 : i32 to index
        %get3A_228 = tpu.vector_load %arg18[%get3A_226, %get3A_227] {strides = array<i32>} : memref<4x80xf32, #tpu.memory_space<vmem>>, vector<16xf32>,
        %slice3A_229 = vector.extract_strided_slice %get3A_228 {offsets = [0], sizes = [1], strides = [1]} : vector<16xf32> to vector<1xf32>
        %squeeze3A_230 = vector.extract %slice3A_229[0] : f32 from vector<1xf32>
        %broadcast_in_dim3A_231 = vector.broadcast %squeeze3A_230 : f32 to vector<16xf32>
        %mul3A_232 = arith.constant 8 : i32
        %mul3A_233 = arith.muli %scan3A_186, %mul3A_232 : i32
        %add3A_234 = arith.addi %mul3A_159, %mul3A_233 : i32
        %add3A_235 = arith.constant 4 : i32
        %add3A_236 = arith.addi %add3A_234, %add3A_235 : i32
        %get3A_237 = arith.index_cast %select_n3A : i32 to index
        %get3A_238 = arith.index_cast %add3A_236 : i32 to index
        %get3A_239 = tpu.vector_load %arg18[%get3A_237, %get3A_238] {strides = array<i32>} : memref<4x80xf32, #tpu.memory_space<vmem>>, vector<16xf32>,
        %slice3A_240 = vector.extract_strided_slice %get3A_239 {offsets = [0], sizes = [1], strides = [1]} : vector<16xf32> to vector<1xf32>
        %squeeze3A_241 = vector.extract %slice3A_240[0] : f32 from vector<1xf32>
        %broadcast_in_dim3A_242 = vector.broadcast %squeeze3A_241 : f32 to vector<16xf32>
        %mul3A_243 = arith.constant 8 : i32
        %mul3A_244 = arith.muli %scan3A_186, %mul3A_243 : i32
        %add3A_245 = arith.addi %mul3A_159, %mul3A_244 : i32
        %add3A_246 = arith.constant 5 : i32
        %add3A_247 = arith.addi %add3A_245, %add3A_246 : i32
        %get3A_248 = arith.index_cast %select_n3A : i32 to index
        %get3A_249 = arith.index_cast %add3A_247 : i32 to index
        %get3A_250 = tpu.vector_load %arg18[%get3A_248, %get3A_249] {strides = array<i32>} : memref<4x80xf32, #tpu.memory_space<vmem>>, vector<16xf32>,
        %slice3A_251 = vector.extract_strided_slice %get3A_250 {offsets = [0], sizes = [1], strides = [1]} : vector<16xf32> to vector<1xf32>
        %squeeze3A_252 = vector.extract %slice3A_251[0] : f32 from vector<1xf32>
        %broadcast_in_dim3A_253 = vector.broadcast %squeeze3A_252 : f32 to vector<16xf32>
        %mul3A_254 = arith.constant 8 : i32
        %mul3A_255 = arith.muli %scan3A_186, %mul3A_254 : i32
        %add3A_256 = arith.addi %mul3A_159, %mul3A_255 : i32
        %add3A_257 = arith.constant 6 : i32
        %add3A_258 = arith.addi %add3A_256, %add3A_257 : i32
        %get3A_259 = arith.index_cast %select_n3A : i32 to index
        %get3A_260 = arith.index_cast %add3A_258 : i32 to index
        %get3A_261 = tpu.vector_load %arg18[%get3A_259, %get3A_260] {strides = array<i32>} : memref<4x80xf32, #tpu.memory_space<vmem>>, vector<16xf32>,
        %slice3A_262 = vector.extract_strided_slice %get3A_261 {offsets = [0], sizes = [1], strides = [1]} : vector<16xf32> to vector<1xf32>
        %squeeze3A_263 = vector.extract %slice3A_262[0] : f32 from vector<1xf32>
        %broadcast_in_dim3A_264 = vector.broadcast %squeeze3A_263 : f32 to vector<16xf32>
        %mul3A_265 = arith.constant 8 : i32
        %mul3A_266 = arith.muli %scan3A_186, %mul3A_265 : i32
        %add3A_267 = arith.addi %mul3A_159, %mul3A_266 : i32
        %add3A_268 = arith.constant 7 : i32
        %add3A_269 = arith.addi %add3A_267, %add3A_268 : i32
        %get3A_270 = arith.index_cast %select_n3A : i32 to index
        %get3A_271 = arith.index_cast %add3A_269 : i32 to index
        %get3A_272 = tpu.vector_load %arg18[%get3A_270, %get3A_271] {strides = array<i32>} : memref<4x80xf32, #tpu.memory_space<vmem>>, vector<16xf32>,
        %slice3A_273 = vector.extract_strided_slice %get3A_272 {offsets = [0], sizes = [1], strides = [1]} : vector<16xf32> to vector<1xf32>
        %squeeze3A_274 = vector.extract %slice3A_273[0] : f32 from vector<1xf32>
        %broadcast_in_dim3A_275 = vector.broadcast %squeeze3A_274 : f32 to vector<16xf32>
        %broadcast_in_dim3A_276 = arith.constant 0.000000e+00 : f32
        %broadcast_in_dim3A_277 = vector.broadcast %broadcast_in_dim3A_276 : f32 to vector<16xf32>
        %parallel_loop3A_278 = arith.constant 0 : i32
        %parallel_loop3A_279 = arith.constant 48 : i32
        %parallel_loop3A_280 = arith.constant 1 : i32
        %parallel_loop3A_281:16 = scf.for %parallel_loop3A_659 = %parallel_loop3A_278 to %parallel_loop3A_279 step %parallel_loop3A_280 iter_args(%parallel_loop3A_660 = %broadcast_in_dim3A_277, %parallel_loop3A_661 = %broadcast_in_dim3A_277, %parallel_loop3A_662 = %broadcast_in_dim3A_277, %parallel_loop3A_663 = %broadcast_in_dim3A_277, %parallel_loop3A_664 = %broadcast_in_dim3A_277, %parallel_loop3A_665 = %broadcast_in_dim3A_277, %parallel_loop3A_666 = %broadcast_in_dim3A_277, %parallel_loop3A_667 = %broadcast_in_dim3A_277, %parallel_loop3A_668 = %broadcast_in_dim3A_277, %parallel_loop3A_669 = %broadcast_in_dim3A_277, %parallel_loop3A_670 = %broadcast_in_dim3A_277, %parallel_loop3A_671 = %broadcast_in_dim3A_277, %parallel_loop3A_672 = %broadcast_in_dim3A_277, %parallel_loop3A_673 = %broadcast_in_dim3A_277, %parallel_loop3A_674 = %broadcast_in_dim3A_277, %parallel_loop3A_675 = %broadcast_in_dim3A_277) -> (vector<16xf32>, vector<16xf32>, vector<16xf32>, vector<16xf32>, vector<16xf32>, vector<16xf32>, vector<16xf32>, vector<16xf32>, vector<16xf32>, vector<16xf32>, vector<16xf32>, vector<16xf32>, vector<16xf32>, vector<16xf32>, vector<16xf32>, vector<16xf32>)  : i32 {
          %parallel_loop3A_676 = arith.constant 16 : i32
          %parallel_loop3A_677 = arith.muli %parallel_loop3A_659, %parallel_loop3A_676 : i32
          %parallel_loop3A_678 = arith.constant 0 : i32
          %parallel_loop3A_679 = arith.index_cast %parallel_loop3A_678 : i32 to index
          %parallel_loop3A_680 = arith.index_cast %parallel_loop3A_677 : i32 to index
          %parallel_loop3A_681 = tpu.vector_load %arg15[%parallel_loop3A_679, %parallel_loop3A_680] {strides = array<i32>} : memref<2x768xf32, #tpu.memory_space<vmem>>, vector<16xf32>,
          %parallel_loop3A_682 = arith.index_cast %parallel_loop3A_677 : i32 to index
          %parallel_loop3A_683 = tpu.vector_load %arg16[%parallel_loop3A_682] {strides = array<i32>} : memref<768xf32, #tpu.memory_space<vmem>>, vector<16xf32>,
          %parallel_loop3A_684 = arith.constant 0 : i32
          %parallel_loop3A_685 = arith.addi %multiple_of3A_191, %parallel_loop3A_684 : i32
          %parallel_loop3A_686 = arith.index_cast %parallel_loop3A_685 : i32 to index
          %parallel_loop3A_687 = arith.index_cast %parallel_loop3A_677 : i32 to index
          %parallel_loop3A_688 = tpu.vector_load %arg11[%parallel_loop3A_686, %parallel_loop3A_687] {strides = array<i32>} : memref<64x768xf32, #tpu.memory_space<vmem>>, vector<16xf32>,
          %parallel_loop3A_689 = arith.constant 8 : i32
          %parallel_loop3A_690 = arith.muli %scan3A_186, %parallel_loop3A_689 : i32
          %parallel_loop3A_691 = arith.addi %mul3A_159, %parallel_loop3A_690 : i32
          %parallel_loop3A_692 = arith.constant 0 : i32
          %parallel_loop3A_693 = arith.addi %parallel_loop3A_691, %parallel_loop3A_692 : i32
          %parallel_loop3A_694 = arith.index_cast %parallel_loop3A_693 : i32 to index
          %parallel_loop3A_695 = arith.index_cast %parallel_loop3A_677 : i32 to index
          %parallel_loop3A_696 = tpu.vector_load %arg10[%parallel_loop3A_694, %parallel_loop3A_695] {strides = array<i32>} : memref<64x768xf32, #tpu.memory_space<vmem>>, vector<16xf32>,
          %parallel_loop3A_697 = arith.addf %parallel_loop3A_688, %parallel_loop3A_696 : vector<16xf32>
          %parallel_loop3A_698 = arith.mulf %broadcast_in_dim3A, %parallel_loop3A_683 : vector<16xf32>
          %parallel_loop3A_699 = arith.addf %parallel_loop3A_681, %parallel_loop3A_698 : vector<16xf32>
          %parallel_loop3A_700 = arith.addf %parallel_loop3A_697, %parallel_loop3A_699 : vector<16xf32>
          %parallel_loop3A_701 = arith.constant 0 : i32
          %parallel_loop3A_702 = arith.index_cast %parallel_loop3A_701 : i32 to index
          %parallel_loop3A_703 = arith.index_cast %parallel_loop3A_677 : i32 to index
          %parallel_loop3A_704 = tpu.vector_load %arg12[%parallel_loop3A_702, %parallel_loop3A_703] {strides = array<i32>} : memref<8x768xf32, #tpu.memory_space<vmem>>, vector<16xf32>,
          tpu.vector_store %arg12[%parallel_loop3A_702, %parallel_loop3A_703], %parallel_loop3A_700 {strides = array<i32>} : memref<8x768xf32, #tpu.memory_space<vmem>>, vector<16xf32>,
          %parallel_loop3A_705 = arith.addf %parallel_loop3A_660, %parallel_loop3A_700 : vector<16xf32>
          %parallel_loop3A_706 = arith.mulf %parallel_loop3A_700, %parallel_loop3A_700 : vector<16xf32>
          %parallel_loop3A_707 = arith.addf %parallel_loop3A_668, %parallel_loop3A_706 : vector<16xf32>
          %parallel_loop3A_708 = arith.constant 1 : i32
          %parallel_loop3A_709 = arith.addi %multiple_of3A_191, %parallel_loop3A_708 : i32
          %parallel_loop3A_710 = arith.index_cast %parallel_loop3A_709 : i32 to index
          %parallel_loop3A_711 = arith.index_cast %parallel_loop3A_677 : i32 to index
          %parallel_loop3A_712 = tpu.vector_load %arg11[%parallel_loop3A_710, %parallel_loop3A_711] {strides = array<i32>} : memref<64x768xf32, #tpu.memory_space<vmem>>, vector<16xf32>,
          %parallel_loop3A_713 = arith.constant 8 : i32
          %parallel_loop3A_714 = arith.muli %scan3A_186, %parallel_loop3A_713 : i32
          %parallel_loop3A_715 = arith.addi %mul3A_159, %parallel_loop3A_714 : i32
          %parallel_loop3A_716 = arith.constant 1 : i32
          %parallel_loop3A_717 = arith.addi %parallel_loop3A_715, %parallel_loop3A_716 : i32
          %parallel_loop3A_718 = arith.index_cast %parallel_loop3A_717 : i32 to index
          %parallel_loop3A_719 = arith.index_cast %parallel_loop3A_677 : i32 to index
          %parallel_loop3A_720 = tpu.vector_load %arg10[%parallel_loop3A_718, %parallel_loop3A_719] {strides = array<i32>} : memref<64x768xf32, #tpu.memory_space<vmem>>, vector<16xf32>,
          %parallel_loop3A_721 = arith.addf %parallel_loop3A_712, %parallel_loop3A_720 : vector<16xf32>
          %parallel_loop3A_722 = arith.mulf %broadcast_in_dim3A_209, %parallel_loop3A_683 : vector<16xf32>
          %parallel_loop3A_723 = arith.addf %parallel_loop3A_681, %parallel_loop3A_722 : vector<16xf32>
          %parallel_loop3A_724 = arith.addf %parallel_loop3A_721, %parallel_loop3A_723 : vector<16xf32>
          %parallel_loop3A_725 = arith.constant 1 : i32
          %parallel_loop3A_726 = arith.index_cast %parallel_loop3A_725 : i32 to index
          %parallel_loop3A_727 = arith.index_cast %parallel_loop3A_677 : i32 to index
          %parallel_loop3A_728 = tpu.vector_load %arg12[%parallel_loop3A_726, %parallel_loop3A_727] {strides = array<i32>} : memref<8x768xf32, #tpu.memory_space<vmem>>, vector<16xf32>,
          tpu.vector_store %arg12[%parallel_loop3A_726, %parallel_loop3A_727], %parallel_loop3A_724 {strides = array<i32>} : memref<8x768xf32, #tpu.memory_space<vmem>>, vector<16xf32>,
          %parallel_loop3A_729 = arith.addf %parallel_loop3A_661, %parallel_loop3A_724 : vector<16xf32>
          %parallel_loop3A_730 = arith.mulf %parallel_loop3A_724, %parallel_loop3A_724 : vector<16xf32>
          %parallel_loop3A_731 = arith.addf %parallel_loop3A_669, %parallel_loop3A_730 : vector<16xf32>
          %parallel_loop3A_732 = arith.constant 2 : i32
          %parallel_loop3A_733 = arith.addi %multiple_of3A_191, %parallel_loop3A_732 : i32
          %parallel_loop3A_734 = arith.index_cast %parallel_loop3A_733 : i32 to index
          %parallel_loop3A_735 = arith.index_cast %parallel_loop3A_677 : i32 to index
          %parallel_loop3A_736 = tpu.vector_load %arg11[%parallel_loop3A_734, %parallel_loop3A_735] {strides = array<i32>} : memref<64x768xf32, #tpu.memory_space<vmem>>, vector<16xf32>,
          %parallel_loop3A_737 = arith.constant 8 : i32
          %parallel_loop3A_738 = arith.muli %scan3A_186, %parallel_loop3A_737 : i32
          %parallel_loop3A_739 = arith.addi %mul3A_159, %parallel_loop3A_738 : i32
          %parallel_loop3A_740 = arith.constant 2 : i32
          %parallel_loop3A_741 = arith.addi %parallel_loop3A_739, %parallel_loop3A_740 : i32
          %parallel_loop3A_742 = arith.index_cast %parallel_loop3A_741 : i32 to index
          %parallel_loop3A_743 = arith.index_cast %parallel_loop3A_677 : i32 to index
          %parallel_loop3A_744 = tpu.vector_load %arg10[%parallel_loop3A_742, %parallel_loop3A_743] {strides = array<i32>} : memref<64x768xf32, #tpu.memory_space<vmem>>, vector<16xf32>,
          %parallel_loop3A_745 = arith.addf %parallel_loop3A_736, %parallel_loop3A_744 : vector<16xf32>
          %parallel_loop3A_746 = arith.mulf %broadcast_in_dim3A_220, %parallel_loop3A_683 : vector<16xf32>
          %parallel_loop3A_747 = arith.addf %parallel_loop3A_681, %parallel_loop3A_746 : vector<16xf32>
          %parallel_loop3A_748 = arith.addf %parallel_loop3A_745, %parallel_loop3A_747 : vector<16xf32>
          %parallel_loop3A_749 = arith.constant 2 : i32
          %parallel_loop3A_750 = arith.index_cast %parallel_loop3A_749 : i32 to index
          %parallel_loop3A_751 = arith.index_cast %parallel_loop3A_677 : i32 to index
          %parallel_loop3A_752 = tpu.vector_load %arg12[%parallel_loop3A_750, %parallel_loop3A_751] {strides = array<i32>} : memref<8x768xf32, #tpu.memory_space<vmem>>, vector<16xf32>,
          tpu.vector_store %arg12[%parallel_loop3A_750, %parallel_loop3A_751], %parallel_loop3A_748 {strides = array<i32>} : memref<8x768xf32, #tpu.memory_space<vmem>>, vector<16xf32>,
          %parallel_loop3A_753 = arith.addf %parallel_loop3A_662, %parallel_loop3A_748 : vector<16xf32>
          %parallel_loop3A_754 = arith.mulf %parallel_loop3A_748, %parallel_loop3A_748 : vector<16xf32>
          %parallel_loop3A_755 = arith.addf %parallel_loop3A_670, %parallel_loop3A_754 : vector<16xf32>
          %parallel_loop3A_756 = arith.constant 3 : i32
          %parallel_loop3A_757 = arith.addi %multiple_of3A_191, %parallel_loop3A_756 : i32
          %parallel_loop3A_758 = arith.index_cast %parallel_loop3A_757 : i32 to index
          %parallel_loop3A_759 = arith.index_cast %parallel_loop3A_677 : i32 to index
          %parallel_loop3A_760 = tpu.vector_load %arg11[%parallel_loop3A_758, %parallel_loop3A_759] {strides = array<i32>} : memref<64x768xf32, #tpu.memory_space<vmem>>, vector<16xf32>,
          %parallel_loop3A_761 = arith.constant 8 : i32
          %parallel_loop3A_762 = arith.muli %scan3A_186, %parallel_loop3A_761 : i32
          %parallel_loop3A_763 = arith.addi %mul3A_159, %parallel_loop3A_762 : i32
          %parallel_loop3A_764 = arith.constant 3 : i32
          %parallel_loop3A_765 = arith.addi %parallel_loop3A_763, %parallel_loop3A_764 : i32
          %parallel_loop3A_766 = arith.index_cast %parallel_loop3A_765 : i32 to index
          %parallel_loop3A_767 = arith.index_cast %parallel_loop3A_677 : i32 to index
          %parallel_loop3A_768 = tpu.vector_load %arg10[%parallel_loop3A_766, %parallel_loop3A_767] {strides = array<i32>} : memref<64x768xf32, #tpu.memory_space<vmem>>, vector<16xf32>,
          %parallel_loop3A_769 = arith.addf %parallel_loop3A_760, %parallel_loop3A_768 : vector<16xf32>
          %parallel_loop3A_770 = arith.mulf %broadcast_in_dim3A_231, %parallel_loop3A_683 : vector<16xf32>
          %parallel_loop3A_771 = arith.addf %parallel_loop3A_681, %parallel_loop3A_770 : vector<16xf32>
          %parallel_loop3A_772 = arith.addf %parallel_loop3A_769, %parallel_loop3A_771 : vector<16xf32>
          %parallel_loop3A_773 = arith.constant 3 : i32
          %parallel_loop3A_774 = arith.index_cast %parallel_loop3A_773 : i32 to index
          %parallel_loop3A_775 = arith.index_cast %parallel_loop3A_677 : i32 to index
          %parallel_loop3A_776 = tpu.vector_load %arg12[%parallel_loop3A_774, %parallel_loop3A_775] {strides = array<i32>} : memref<8x768xf32, #tpu.memory_space<vmem>>, vector<16xf32>,
          tpu.vector_store %arg12[%parallel_loop3A_774, %parallel_loop3A_775], %parallel_loop3A_772 {strides = array<i32>} : memref<8x768xf32, #tpu.memory_space<vmem>>, vector<16xf32>,
          %parallel_loop3A_777 = arith.addf %parallel_loop3A_663, %parallel_loop3A_772 : vector<16xf32>
          %parallel_loop3A_778 = arith.mulf %parallel_loop3A_772, %parallel_loop3A_772 : vector<16xf32>
          %parallel_loop3A_779 = arith.addf %parallel_loop3A_671, %parallel_loop3A_778 : vector<16xf32>
          %parallel_loop3A_780 = arith.constant 4 : i32
          %parallel_loop3A_781 = arith.addi %multiple_of3A_191, %parallel_loop3A_780 : i32
          %parallel_loop3A_782 = arith.index_cast %parallel_loop3A_781 : i32 to index
          %parallel_loop3A_783 = arith.index_cast %parallel_loop3A_677 : i32 to index
          %parallel_loop3A_784 = tpu.vector_load %arg11[%parallel_loop3A_782, %parallel_loop3A_783] {strides = array<i32>} : memref<64x768xf32, #tpu.memory_space<vmem>>, vector<16xf32>,
          %parallel_loop3A_785 = arith.constant 8 : i32
          %parallel_loop3A_786 = arith.muli %scan3A_186, %parallel_loop3A_785 : i32
          %parallel_loop3A_787 = arith.addi %mul3A_159, %parallel_loop3A_786 : i32
          %parallel_loop3A_788 = arith.constant 4 : i32
          %parallel_loop3A_789 = arith.addi %parallel_loop3A_787, %parallel_loop3A_788 : i32
          %parallel_loop3A_790 = arith.index_cast %parallel_loop3A_789 : i32 to index
          %parallel_loop3A_791 = arith.index_cast %parallel_loop3A_677 : i32 to index
          %parallel_loop3A_792 = tpu.vector_load %arg10[%parallel_loop3A_790, %parallel_loop3A_791] {strides = array<i32>} : memref<64x768xf32, #tpu.memory_space<vmem>>, vector<16xf32>,
          %parallel_loop3A_793 = arith.addf %parallel_loop3A_784, %parallel_loop3A_792 : vector<16xf32>
          %parallel_loop3A_794 = arith.mulf %broadcast_in_dim3A_242, %parallel_loop3A_683 : vector<16xf32>
          %parallel_loop3A_795 = arith.addf %parallel_loop3A_681, %parallel_loop3A_794 : vector<16xf32>
          %parallel_loop3A_796 = arith.addf %parallel_loop3A_793, %parallel_loop3A_795 : vector<16xf32>
          %parallel_loop3A_797 = arith.constant 4 : i32
          %parallel_loop3A_798 = arith.index_cast %parallel_loop3A_797 : i32 to index
          %parallel_loop3A_799 = arith.index_cast %parallel_loop3A_677 : i32 to index
          %parallel_loop3A_800 = tpu.vector_load %arg12[%parallel_loop3A_798, %parallel_loop3A_799] {strides = array<i32>} : memref<8x768xf32, #tpu.memory_space<vmem>>, vector<16xf32>,
          tpu.vector_store %arg12[%parallel_loop3A_798, %parallel_loop3A_799], %parallel_loop3A_796 {strides = array<i32>} : memref<8x768xf32, #tpu.memory_space<vmem>>, vector<16xf32>,
          %parallel_loop3A_801 = arith.addf %parallel_loop3A_664, %parallel_loop3A_796 : vector<16xf32>
          %parallel_loop3A_802 = arith.mulf %parallel_loop3A_796, %parallel_loop3A_796 : vector<16xf32>
          %parallel_loop3A_803 = arith.addf %parallel_loop3A_672, %parallel_loop3A_802 : vector<16xf32>
          %parallel_loop3A_804 = arith.constant 5 : i32
          %parallel_loop3A_805 = arith.addi %multiple_of3A_191, %parallel_loop3A_804 : i32
          %parallel_loop3A_806 = arith.index_cast %parallel_loop3A_805 : i32 to index
          %parallel_loop3A_807 = arith.index_cast %parallel_loop3A_677 : i32 to index
          %parallel_loop3A_808 = tpu.vector_load %arg11[%parallel_loop3A_806, %parallel_loop3A_807] {strides = array<i32>} : memref<64x768xf32, #tpu.memory_space<vmem>>, vector<16xf32>,
          %parallel_loop3A_809 = arith.constant 8 : i32
          %parallel_loop3A_810 = arith.muli %scan3A_186, %parallel_loop3A_809 : i32
          %parallel_loop3A_811 = arith.addi %mul3A_159, %parallel_loop3A_810 : i32
          %parallel_loop3A_812 = arith.constant 5 : i32
          %parallel_loop3A_813 = arith.addi %parallel_loop3A_811, %parallel_loop3A_812 : i32
          %parallel_loop3A_814 = arith.index_cast %parallel_loop3A_813 : i32 to index
          %parallel_loop3A_815 = arith.index_cast %parallel_loop3A_677 : i32 to index
          %parallel_loop3A_816 = tpu.vector_load %arg10[%parallel_loop3A_814, %parallel_loop3A_815] {strides = array<i32>} : memref<64x768xf32, #tpu.memory_space<vmem>>, vector<16xf32>,
          %parallel_loop3A_817 = arith.addf %parallel_loop3A_808, %parallel_loop3A_816 : vector<16xf32>
          %parallel_loop3A_818 = arith.mulf %broadcast_in_dim3A_253, %parallel_loop3A_683 : vector<16xf32>
          %parallel_loop3A_819 = arith.addf %parallel_loop3A_681, %parallel_loop3A_818 : vector<16xf32>
          %parallel_loop3A_820 = arith.addf %parallel_loop3A_817, %parallel_loop3A_819 : vector<16xf32>
          %parallel_loop3A_821 = arith.constant 5 : i32
          %parallel_loop3A_822 = arith.index_cast %parallel_loop3A_821 : i32 to index
          %parallel_loop3A_823 = arith.index_cast %parallel_loop3A_677 : i32 to index
          %parallel_loop3A_824 = tpu.vector_load %arg12[%parallel_loop3A_822, %parallel_loop3A_823] {strides = array<i32>} : memref<8x768xf32, #tpu.memory_space<vmem>>, vector<16xf32>,
          tpu.vector_store %arg12[%parallel_loop3A_822, %parallel_loop3A_823], %parallel_loop3A_820 {strides = array<i32>} : memref<8x768xf32, #tpu.memory_space<vmem>>, vector<16xf32>,
          %parallel_loop3A_825 = arith.addf %parallel_loop3A_665, %parallel_loop3A_820 : vector<16xf32>
          %parallel_loop3A_826 = arith.mulf %parallel_loop3A_820, %parallel_loop3A_820 : vector<16xf32>
          %parallel_loop3A_827 = arith.addf %parallel_loop3A_673, %parallel_loop3A_826 : vector<16xf32>
          %parallel_loop3A_828 = arith.constant 6 : i32
          %parallel_loop3A_829 = arith.addi %multiple_of3A_191, %parallel_loop3A_828 : i32
          %parallel_loop3A_830 = arith.index_cast %parallel_loop3A_829 : i32 to index
          %parallel_loop3A_831 = arith.index_cast %parallel_loop3A_677 : i32 to index
          %parallel_loop3A_832 = tpu.vector_load %arg11[%parallel_loop3A_830, %parallel_loop3A_831] {strides = array<i32>} : memref<64x768xf32, #tpu.memory_space<vmem>>, vector<16xf32>,
          %parallel_loop3A_833 = arith.constant 8 : i32
          %parallel_loop3A_834 = arith.muli %scan3A_186, %parallel_loop3A_833 : i32
          %parallel_loop3A_835 = arith.addi %mul3A_159, %parallel_loop3A_834 : i32
          %parallel_loop3A_836 = arith.constant 6 : i32
          %parallel_loop3A_837 = arith.addi %parallel_loop3A_835, %parallel_loop3A_836 : i32
          %parallel_loop3A_838 = arith.index_cast %parallel_loop3A_837 : i32 to index
          %parallel_loop3A_839 = arith.index_cast %parallel_loop3A_677 : i32 to index
          %parallel_loop3A_840 = tpu.vector_load %arg10[%parallel_loop3A_838, %parallel_loop3A_839] {strides = array<i32>} : memref<64x768xf32, #tpu.memory_space<vmem>>, vector<16xf32>,
          %parallel_loop3A_841 = arith.addf %parallel_loop3A_832, %parallel_loop3A_840 : vector<16xf32>
          %parallel_loop3A_842 = arith.mulf %broadcast_in_dim3A_264, %parallel_loop3A_683 : vector<16xf32>
          %parallel_loop3A_843 = arith.addf %parallel_loop3A_681, %parallel_loop3A_842 : vector<16xf32>
          %parallel_loop3A_844 = arith.addf %parallel_loop3A_841, %parallel_loop3A_843 : vector<16xf32>
          %parallel_loop3A_845 = arith.constant 6 : i32
          %parallel_loop3A_846 = arith.index_cast %parallel_loop3A_845 : i32 to index
          %parallel_loop3A_847 = arith.index_cast %parallel_loop3A_677 : i32 to index
          %parallel_loop3A_848 = tpu.vector_load %arg12[%parallel_loop3A_846, %parallel_loop3A_847] {strides = array<i32>} : memref<8x768xf32, #tpu.memory_space<vmem>>, vector<16xf32>,
          tpu.vector_store %arg12[%parallel_loop3A_846, %parallel_loop3A_847], %parallel_loop3A_844 {strides = array<i32>} : memref<8x768xf32, #tpu.memory_space<vmem>>, vector<16xf32>,
          %parallel_loop3A_849 = arith.addf %parallel_loop3A_666, %parallel_loop3A_844 : vector<16xf32>
          %parallel_loop3A_850 = arith.mulf %parallel_loop3A_844, %parallel_loop3A_844 : vector<16xf32>
          %parallel_loop3A_851 = arith.addf %parallel_loop3A_674, %parallel_loop3A_850 : vector<16xf32>
          %parallel_loop3A_852 = arith.constant 7 : i32
          %parallel_loop3A_853 = arith.addi %multiple_of3A_191, %parallel_loop3A_852 : i32
          %parallel_loop3A_854 = arith.index_cast %parallel_loop3A_853 : i32 to index
          %parallel_loop3A_855 = arith.index_cast %parallel_loop3A_677 : i32 to index
          %parallel_loop3A_856 = tpu.vector_load %arg11[%parallel_loop3A_854, %parallel_loop3A_855] {strides = array<i32>} : memref<64x768xf32, #tpu.memory_space<vmem>>, vector<16xf32>,
          %parallel_loop3A_857 = arith.constant 8 : i32
          %parallel_loop3A_858 = arith.muli %scan3A_186, %parallel_loop3A_857 : i32
          %parallel_loop3A_859 = arith.addi %mul3A_159, %parallel_loop3A_858 : i32
          %parallel_loop3A_860 = arith.constant 7 : i32
          %parallel_loop3A_861 = arith.addi %parallel_loop3A_859, %parallel_loop3A_860 : i32
          %parallel_loop3A_862 = arith.index_cast %parallel_loop3A_861 : i32 to index
          %parallel_loop3A_863 = arith.index_cast %parallel_loop3A_677 : i32 to index
          %parallel_loop3A_864 = tpu.vector_load %arg10[%parallel_loop3A_862, %parallel_loop3A_863] {strides = array<i32>} : memref<64x768xf32, #tpu.memory_space<vmem>>, vector<16xf32>,
          %parallel_loop3A_865 = arith.addf %parallel_loop3A_856, %parallel_loop3A_864 : vector<16xf32>
          %parallel_loop3A_866 = arith.mulf %broadcast_in_dim3A_275, %parallel_loop3A_683 : vector<16xf32>
          %parallel_loop3A_867 = arith.addf %parallel_loop3A_681, %parallel_loop3A_866 : vector<16xf32>
          %parallel_loop3A_868 = arith.addf %parallel_loop3A_865, %parallel_loop3A_867 : vector<16xf32>
          %parallel_loop3A_869 = arith.constant 7 : i32
          %parallel_loop3A_870 = arith.index_cast %parallel_loop3A_869 : i32 to index
          %parallel_loop3A_871 = arith.index_cast %parallel_loop3A_677 : i32 to index
          %parallel_loop3A_872 = tpu.vector_load %arg12[%parallel_loop3A_870, %parallel_loop3A_871] {strides = array<i32>} : memref<8x768xf32, #tpu.memory_space<vmem>>, vector<16xf32>,
          tpu.vector_store %arg12[%parallel_loop3A_870, %parallel_loop3A_871], %parallel_loop3A_868 {strides = array<i32>} : memref<8x768xf32, #tpu.memory_space<vmem>>, vector<16xf32>,
          %parallel_loop3A_873 = arith.addf %parallel_loop3A_667, %parallel_loop3A_868 : vector<16xf32>
          %parallel_loop3A_874 = arith.mulf %parallel_loop3A_868, %parallel_loop3A_868 : vector<16xf32>
          %parallel_loop3A_875 = arith.addf %parallel_loop3A_675, %parallel_loop3A_874 : vector<16xf32>
          scf.yield %parallel_loop3A_705, %parallel_loop3A_729, %parallel_loop3A_753, %parallel_loop3A_777, %parallel_loop3A_801, %parallel_loop3A_825, %parallel_loop3A_849, %parallel_loop3A_873, %parallel_loop3A_707, %parallel_loop3A_731, %parallel_loop3A_755, %parallel_loop3A_779, %parallel_loop3A_803, %parallel_loop3A_827, %parallel_loop3A_851, %parallel_loop3A_875 : vector<16xf32>, vector<16xf32>, vector<16xf32>, vector<16xf32>, vector<16xf32>, vector<16xf32>, vector<16xf32>, vector<16xf32>, vector<16xf32>, vector<16xf32>, vector<16xf32>, vector<16xf32>, vector<16xf32>, vector<16xf32>, vector<16xf32>, vector<16xf32>
        } {sc.loop_unroll_factor = 4 : i64, sc.parallel_access}
        %reduce_sum3A = arith.constant true
        %reduce_sum3A_282 = vector.broadcast %reduce_sum3A : i1 to vector<16xi1>
        %reduce_sum3A_283 = tpu.scan <sum>, %parallel_loop3A_281#0 masked %reduce_sum3A_282 : vector<16xf32>, vector<16xi1> -> vector<16xf32>
        %reduce_sum3A_284 = vector.extract %reduce_sum3A_283[15] : f32 from vector<16xf32>
        %reduce_sum3A_285 = arith.constant true
        %reduce_sum3A_286 = vector.broadcast %reduce_sum3A_285 : i1 to vector<16xi1>
        %reduce_sum3A_287 = tpu.scan <sum>, %parallel_loop3A_281#8 masked %reduce_sum3A_286 : vector<16xf32>, vector<16xi1> -> vector<16xf32>
        %reduce_sum3A_288 = vector.extract %reduce_sum3A_287[15] : f32 from vector<16xf32>
        %mul3A_289 = arith.constant 0.00130208337 : f32
        %mul3A_290 = arith.mulf %reduce_sum3A_284, %mul3A_289 : f32
        %mul3A_291 = arith.constant 0.00130208337 : f32
        %mul3A_292 = arith.mulf %reduce_sum3A_288, %mul3A_291 : f32
        %mul3A_293 = arith.mulf %mul3A_290, %mul3A_290 : f32
        %sub3A_294 = arith.subf %mul3A_292, %mul3A_293 : f32
        %broadcast_in_dim3A_295 = vector.broadcast %mul3A_290 : f32 to vector<16xf32>
        %add3A_296 = arith.constant 9.99999974E-6 : f32
        %add3A_297 = arith.addf %sub3A_294, %add3A_296 : f32
        %broadcast_in_dim3A_298 = vector.broadcast %add3A_297 : f32 to vector<16xf32>
        %bitcast3A = vector.bitcast %broadcast_in_dim3A_298 : vector<16xf32> to vector<16xi32>
        %shift_right_logical3A = arith.constant 1 : i32
        %shift_right_logical3A_299 = vector.broadcast %shift_right_logical3A : i32 to vector<16xi32>
        %shift_right_logical3A_300 = arith.shrui %bitcast3A, %shift_right_logical3A_299 : vector<16xi32>
        %sub3A_301 = arith.constant 1597463007 : i32
        %sub3A_302 = vector.broadcast %sub3A_301 : i32 to vector<16xi32>
        %sub3A_303 = arith.subi %sub3A_302, %shift_right_logical3A_300 : vector<16xi32>
        %bitcast3A_304 = vector.bitcast %sub3A_303 : vector<16xi32> to vector<16xf32>
        %mul3A_305 = arith.constant 5.000000e-01 : f32
        %mul3A_306 = vector.broadcast %mul3A_305 : f32 to vector<16xf32>
        %mul3A_307 = arith.mulf %broadcast_in_dim3A_298, %mul3A_306 : vector<16xf32>
        %mul3A_308 = arith.mulf %mul3A_307, %bitcast3A_304 : vector<16xf32>
        %mul3A_309 = arith.mulf %mul3A_308, %bitcast3A_304 : vector<16xf32>
        %sub3A_310 = arith.constant 1.500000e+00 : f32
        %sub3A_311 = vector.broadcast %sub3A_310 : f32 to vector<16xf32>
        %sub3A_312 = arith.subf %sub3A_311, %mul3A_309 : vector<16xf32>
        %mul3A_313 = arith.mulf %bitcast3A_304, %sub3A_312 : vector<16xf32>
        %mul3A_314 = arith.mulf %mul3A_307, %mul3A_313 : vector<16xf32>
        %mul3A_315 = arith.mulf %mul3A_314, %mul3A_313 : vector<16xf32>
        %sub3A_316 = arith.constant 1.500000e+00 : f32
        %sub3A_317 = vector.broadcast %sub3A_316 : f32 to vector<16xf32>
        %sub3A_318 = arith.subf %sub3A_317, %mul3A_315 : vector<16xf32>
        %mul3A_319 = arith.mulf %mul3A_313, %sub3A_318 : vector<16xf32>
        %mul3A_320 = arith.mulf %mul3A_307, %mul3A_319 : vector<16xf32>
        %mul3A_321 = arith.mulf %mul3A_320, %mul3A_319 : vector<16xf32>
        %sub3A_322 = arith.constant 1.500000e+00 : f32
        %sub3A_323 = vector.broadcast %sub3A_322 : f32 to vector<16xf32>
        %sub3A_324 = arith.subf %sub3A_323, %mul3A_321 : vector<16xf32>
        %mul3A_325 = arith.mulf %mul3A_319, %sub3A_324 : vector<16xf32>
        %reduce_sum3A_326 = arith.constant true
        %reduce_sum3A_327 = vector.broadcast %reduce_sum3A_326 : i1 to vector<16xi1>
        %reduce_sum3A_328 = tpu.scan <sum>, %parallel_loop3A_281#1 masked %reduce_sum3A_327 : vector<16xf32>, vector<16xi1> -> vector<16xf32>
        %reduce_sum3A_329 = vector.extract %reduce_sum3A_328[15] : f32 from vector<16xf32>
        %reduce_sum3A_330 = arith.constant true
        %reduce_sum3A_331 = vector.broadcast %reduce_sum3A_330 : i1 to vector<16xi1>
        %reduce_sum3A_332 = tpu.scan <sum>, %parallel_loop3A_281#9 masked %reduce_sum3A_331 : vector<16xf32>, vector<16xi1> -> vector<16xf32>
        %reduce_sum3A_333 = vector.extract %reduce_sum3A_332[15] : f32 from vector<16xf32>
        %mul3A_334 = arith.constant 0.00130208337 : f32
        %mul3A_335 = arith.mulf %reduce_sum3A_329, %mul3A_334 : f32
        %mul3A_336 = arith.constant 0.00130208337 : f32
        %mul3A_337 = arith.mulf %reduce_sum3A_333, %mul3A_336 : f32
        %mul3A_338 = arith.mulf %mul3A_335, %mul3A_335 : f32
        %sub3A_339 = arith.subf %mul3A_337, %mul3A_338 : f32
        %broadcast_in_dim3A_340 = vector.broadcast %mul3A_335 : f32 to vector<16xf32>
        %add3A_341 = arith.constant 9.99999974E-6 : f32
        %add3A_342 = arith.addf %sub3A_339, %add3A_341 : f32
        %broadcast_in_dim3A_343 = vector.broadcast %add3A_342 : f32 to vector<16xf32>
        %bitcast3A_344 = vector.bitcast %broadcast_in_dim3A_343 : vector<16xf32> to vector<16xi32>
        %shift_right_logical3A_345 = arith.constant 1 : i32
        %shift_right_logical3A_346 = vector.broadcast %shift_right_logical3A_345 : i32 to vector<16xi32>
        %shift_right_logical3A_347 = arith.shrui %bitcast3A_344, %shift_right_logical3A_346 : vector<16xi32>
        %sub3A_348 = arith.constant 1597463007 : i32
        %sub3A_349 = vector.broadcast %sub3A_348 : i32 to vector<16xi32>
        %sub3A_350 = arith.subi %sub3A_349, %shift_right_logical3A_347 : vector<16xi32>
        %bitcast3A_351 = vector.bitcast %sub3A_350 : vector<16xi32> to vector<16xf32>
        %mul3A_352 = arith.constant 5.000000e-01 : f32
        %mul3A_353 = vector.broadcast %mul3A_352 : f32 to vector<16xf32>
        %mul3A_354 = arith.mulf %broadcast_in_dim3A_343, %mul3A_353 : vector<16xf32>
        %mul3A_355 = arith.mulf %mul3A_354, %bitcast3A_351 : vector<16xf32>
        %mul3A_356 = arith.mulf %mul3A_355, %bitcast3A_351 : vector<16xf32>
        %sub3A_357 = arith.constant 1.500000e+00 : f32
        %sub3A_358 = vector.broadcast %sub3A_357 : f32 to vector<16xf32>
        %sub3A_359 = arith.subf %sub3A_358, %mul3A_356 : vector<16xf32>
        %mul3A_360 = arith.mulf %bitcast3A_351, %sub3A_359 : vector<16xf32>
        %mul3A_361 = arith.mulf %mul3A_354, %mul3A_360 : vector<16xf32>
        %mul3A_362 = arith.mulf %mul3A_361, %mul3A_360 : vector<16xf32>
        %sub3A_363 = arith.constant 1.500000e+00 : f32
        %sub3A_364 = vector.broadcast %sub3A_363 : f32 to vector<16xf32>
        %sub3A_365 = arith.subf %sub3A_364, %mul3A_362 : vector<16xf32>
        %mul3A_366 = arith.mulf %mul3A_360, %sub3A_365 : vector<16xf32>
        %mul3A_367 = arith.mulf %mul3A_354, %mul3A_366 : vector<16xf32>
        %mul3A_368 = arith.mulf %mul3A_367, %mul3A_366 : vector<16xf32>
        %sub3A_369 = arith.constant 1.500000e+00 : f32
        %sub3A_370 = vector.broadcast %sub3A_369 : f32 to vector<16xf32>
        %sub3A_371 = arith.subf %sub3A_370, %mul3A_368 : vector<16xf32>
        %mul3A_372 = arith.mulf %mul3A_366, %sub3A_371 : vector<16xf32>
        %reduce_sum3A_373 = arith.constant true
        %reduce_sum3A_374 = vector.broadcast %reduce_sum3A_373 : i1 to vector<16xi1>
        %reduce_sum3A_375 = tpu.scan <sum>, %parallel_loop3A_281#2 masked %reduce_sum3A_374 : vector<16xf32>, vector<16xi1> -> vector<16xf32>
        %reduce_sum3A_376 = vector.extract %reduce_sum3A_375[15] : f32 from vector<16xf32>
        %reduce_sum3A_377 = arith.constant true
        %reduce_sum3A_378 = vector.broadcast %reduce_sum3A_377 : i1 to vector<16xi1>
        %reduce_sum3A_379 = tpu.scan <sum>, %parallel_loop3A_281#10 masked %reduce_sum3A_378 : vector<16xf32>, vector<16xi1> -> vector<16xf32>
        %reduce_sum3A_380 = vector.extract %reduce_sum3A_379[15] : f32 from vector<16xf32>
        %mul3A_381 = arith.constant 0.00130208337 : f32
        %mul3A_382 = arith.mulf %reduce_sum3A_376, %mul3A_381 : f32
        %mul3A_383 = arith.constant 0.00130208337 : f32
        %mul3A_384 = arith.mulf %reduce_sum3A_380, %mul3A_383 : f32
        %mul3A_385 = arith.mulf %mul3A_382, %mul3A_382 : f32
        %sub3A_386 = arith.subf %mul3A_384, %mul3A_385 : f32
        %broadcast_in_dim3A_387 = vector.broadcast %mul3A_382 : f32 to vector<16xf32>
        %add3A_388 = arith.constant 9.99999974E-6 : f32
        %add3A_389 = arith.addf %sub3A_386, %add3A_388 : f32
        %broadcast_in_dim3A_390 = vector.broadcast %add3A_389 : f32 to vector<16xf32>
        %bitcast3A_391 = vector.bitcast %broadcast_in_dim3A_390 : vector<16xf32> to vector<16xi32>
        %shift_right_logical3A_392 = arith.constant 1 : i32
        %shift_right_logical3A_393 = vector.broadcast %shift_right_logical3A_392 : i32 to vector<16xi32>
        %shift_right_logical3A_394 = arith.shrui %bitcast3A_391, %shift_right_logical3A_393 : vector<16xi32>
        %sub3A_395 = arith.constant 1597463007 : i32
        %sub3A_396 = vector.broadcast %sub3A_395 : i32 to vector<16xi32>
        %sub3A_397 = arith.subi %sub3A_396, %shift_right_logical3A_394 : vector<16xi32>
        %bitcast3A_398 = vector.bitcast %sub3A_397 : vector<16xi32> to vector<16xf32>
        %mul3A_399 = arith.constant 5.000000e-01 : f32
        %mul3A_400 = vector.broadcast %mul3A_399 : f32 to vector<16xf32>
        %mul3A_401 = arith.mulf %broadcast_in_dim3A_390, %mul3A_400 : vector<16xf32>
        %mul3A_402 = arith.mulf %mul3A_401, %bitcast3A_398 : vector<16xf32>
        %mul3A_403 = arith.mulf %mul3A_402, %bitcast3A_398 : vector<16xf32>
        %sub3A_404 = arith.constant 1.500000e+00 : f32
        %sub3A_405 = vector.broadcast %sub3A_404 : f32 to vector<16xf32>
        %sub3A_406 = arith.subf %sub3A_405, %mul3A_403 : vector<16xf32>
        %mul3A_407 = arith.mulf %bitcast3A_398, %sub3A_406 : vector<16xf32>
        %mul3A_408 = arith.mulf %mul3A_401, %mul3A_407 : vector<16xf32>
        %mul3A_409 = arith.mulf %mul3A_408, %mul3A_407 : vector<16xf32>
        %sub3A_410 = arith.constant 1.500000e+00 : f32
        %sub3A_411 = vector.broadcast %sub3A_410 : f32 to vector<16xf32>
        %sub3A_412 = arith.subf %sub3A_411, %mul3A_409 : vector<16xf32>
        %mul3A_413 = arith.mulf %mul3A_407, %sub3A_412 : vector<16xf32>
        %mul3A_414 = arith.mulf %mul3A_401, %mul3A_413 : vector<16xf32>
        %mul3A_415 = arith.mulf %mul3A_414, %mul3A_413 : vector<16xf32>
        %sub3A_416 = arith.constant 1.500000e+00 : f32
        %sub3A_417 = vector.broadcast %sub3A_416 : f32 to vector<16xf32>
        %sub3A_418 = arith.subf %sub3A_417, %mul3A_415 : vector<16xf32>
        %mul3A_419 = arith.mulf %mul3A_413, %sub3A_418 : vector<16xf32>
        %reduce_sum3A_420 = arith.constant true
        %reduce_sum3A_421 = vector.broadcast %reduce_sum3A_420 : i1 to vector<16xi1>
        %reduce_sum3A_422 = tpu.scan <sum>, %parallel_loop3A_281#3 masked %reduce_sum3A_421 : vector<16xf32>, vector<16xi1> -> vector<16xf32>
        %reduce_sum3A_423 = vector.extract %reduce_sum3A_422[15] : f32 from vector<16xf32>
        %reduce_sum3A_424 = arith.constant true
        %reduce_sum3A_425 = vector.broadcast %reduce_sum3A_424 : i1 to vector<16xi1>
        %reduce_sum3A_426 = tpu.scan <sum>, %parallel_loop3A_281#11 masked %reduce_sum3A_425 : vector<16xf32>, vector<16xi1> -> vector<16xf32>
        %reduce_sum3A_427 = vector.extract %reduce_sum3A_426[15] : f32 from vector<16xf32>
        %mul3A_428 = arith.constant 0.00130208337 : f32
        %mul3A_429 = arith.mulf %reduce_sum3A_423, %mul3A_428 : f32
        %mul3A_430 = arith.constant 0.00130208337 : f32
        %mul3A_431 = arith.mulf %reduce_sum3A_427, %mul3A_430 : f32
        %mul3A_432 = arith.mulf %mul3A_429, %mul3A_429 : f32
        %sub3A_433 = arith.subf %mul3A_431, %mul3A_432 : f32
        %broadcast_in_dim3A_434 = vector.broadcast %mul3A_429 : f32 to vector<16xf32>
        %add3A_435 = arith.constant 9.99999974E-6 : f32
        %add3A_436 = arith.addf %sub3A_433, %add3A_435 : f32
        %broadcast_in_dim3A_437 = vector.broadcast %add3A_436 : f32 to vector<16xf32>
        %bitcast3A_438 = vector.bitcast %broadcast_in_dim3A_437 : vector<16xf32> to vector<16xi32>
        %shift_right_logical3A_439 = arith.constant 1 : i32
        %shift_right_logical3A_440 = vector.broadcast %shift_right_logical3A_439 : i32 to vector<16xi32>
        %shift_right_logical3A_441 = arith.shrui %bitcast3A_438, %shift_right_logical3A_440 : vector<16xi32>
        %sub3A_442 = arith.constant 1597463007 : i32
        %sub3A_443 = vector.broadcast %sub3A_442 : i32 to vector<16xi32>
        %sub3A_444 = arith.subi %sub3A_443, %shift_right_logical3A_441 : vector<16xi32>
        %bitcast3A_445 = vector.bitcast %sub3A_444 : vector<16xi32> to vector<16xf32>
        %mul3A_446 = arith.constant 5.000000e-01 : f32
        %mul3A_447 = vector.broadcast %mul3A_446 : f32 to vector<16xf32>
        %mul3A_448 = arith.mulf %broadcast_in_dim3A_437, %mul3A_447 : vector<16xf32>
        %mul3A_449 = arith.mulf %mul3A_448, %bitcast3A_445 : vector<16xf32>
        %mul3A_450 = arith.mulf %mul3A_449, %bitcast3A_445 : vector<16xf32>
        %sub3A_451 = arith.constant 1.500000e+00 : f32
        %sub3A_452 = vector.broadcast %sub3A_451 : f32 to vector<16xf32>
        %sub3A_453 = arith.subf %sub3A_452, %mul3A_450 : vector<16xf32>
        %mul3A_454 = arith.mulf %bitcast3A_445, %sub3A_453 : vector<16xf32>
        %mul3A_455 = arith.mulf %mul3A_448, %mul3A_454 : vector<16xf32>
        %mul3A_456 = arith.mulf %mul3A_455, %mul3A_454 : vector<16xf32>
        %sub3A_457 = arith.constant 1.500000e+00 : f32
        %sub3A_458 = vector.broadcast %sub3A_457 : f32 to vector<16xf32>
        %sub3A_459 = arith.subf %sub3A_458, %mul3A_456 : vector<16xf32>
        %mul3A_460 = arith.mulf %mul3A_454, %sub3A_459 : vector<16xf32>
        %mul3A_461 = arith.mulf %mul3A_448, %mul3A_460 : vector<16xf32>
        %mul3A_462 = arith.mulf %mul3A_461, %mul3A_460 : vector<16xf32>
        %sub3A_463 = arith.constant 1.500000e+00 : f32
        %sub3A_464 = vector.broadcast %sub3A_463 : f32 to vector<16xf32>
        %sub3A_465 = arith.subf %sub3A_464, %mul3A_462 : vector<16xf32>
        %mul3A_466 = arith.mulf %mul3A_460, %sub3A_465 : vector<16xf32>
        %reduce_sum3A_467 = arith.constant true
        %reduce_sum3A_468 = vector.broadcast %reduce_sum3A_467 : i1 to vector<16xi1>
        %reduce_sum3A_469 = tpu.scan <sum>, %parallel_loop3A_281#4 masked %reduce_sum3A_468 : vector<16xf32>, vector<16xi1> -> vector<16xf32>
        %reduce_sum3A_470 = vector.extract %reduce_sum3A_469[15] : f32 from vector<16xf32>
        %reduce_sum3A_471 = arith.constant true
        %reduce_sum3A_472 = vector.broadcast %reduce_sum3A_471 : i1 to vector<16xi1>
        %reduce_sum3A_473 = tpu.scan <sum>, %parallel_loop3A_281#12 masked %reduce_sum3A_472 : vector<16xf32>, vector<16xi1> -> vector<16xf32>
        %reduce_sum3A_474 = vector.extract %reduce_sum3A_473[15] : f32 from vector<16xf32>
        %mul3A_475 = arith.constant 0.00130208337 : f32
        %mul3A_476 = arith.mulf %reduce_sum3A_470, %mul3A_475 : f32
        %mul3A_477 = arith.constant 0.00130208337 : f32
        %mul3A_478 = arith.mulf %reduce_sum3A_474, %mul3A_477 : f32
        %mul3A_479 = arith.mulf %mul3A_476, %mul3A_476 : f32
        %sub3A_480 = arith.subf %mul3A_478, %mul3A_479 : f32
        %broadcast_in_dim3A_481 = vector.broadcast %mul3A_476 : f32 to vector<16xf32>
        %add3A_482 = arith.constant 9.99999974E-6 : f32
        %add3A_483 = arith.addf %sub3A_480, %add3A_482 : f32
        %broadcast_in_dim3A_484 = vector.broadcast %add3A_483 : f32 to vector<16xf32>
        %bitcast3A_485 = vector.bitcast %broadcast_in_dim3A_484 : vector<16xf32> to vector<16xi32>
        %shift_right_logical3A_486 = arith.constant 1 : i32
        %shift_right_logical3A_487 = vector.broadcast %shift_right_logical3A_486 : i32 to vector<16xi32>
        %shift_right_logical3A_488 = arith.shrui %bitcast3A_485, %shift_right_logical3A_487 : vector<16xi32>
        %sub3A_489 = arith.constant 1597463007 : i32
        %sub3A_490 = vector.broadcast %sub3A_489 : i32 to vector<16xi32>
        %sub3A_491 = arith.subi %sub3A_490, %shift_right_logical3A_488 : vector<16xi32>
        %bitcast3A_492 = vector.bitcast %sub3A_491 : vector<16xi32> to vector<16xf32>
        %mul3A_493 = arith.constant 5.000000e-01 : f32
        %mul3A_494 = vector.broadcast %mul3A_493 : f32 to vector<16xf32>
        %mul3A_495 = arith.mulf %broadcast_in_dim3A_484, %mul3A_494 : vector<16xf32>
        %mul3A_496 = arith.mulf %mul3A_495, %bitcast3A_492 : vector<16xf32>
        %mul3A_497 = arith.mulf %mul3A_496, %bitcast3A_492 : vector<16xf32>
        %sub3A_498 = arith.constant 1.500000e+00 : f32
        %sub3A_499 = vector.broadcast %sub3A_498 : f32 to vector<16xf32>
        %sub3A_500 = arith.subf %sub3A_499, %mul3A_497 : vector<16xf32>
        %mul3A_501 = arith.mulf %bitcast3A_492, %sub3A_500 : vector<16xf32>
        %mul3A_502 = arith.mulf %mul3A_495, %mul3A_501 : vector<16xf32>
        %mul3A_503 = arith.mulf %mul3A_502, %mul3A_501 : vector<16xf32>
        %sub3A_504 = arith.constant 1.500000e+00 : f32
        %sub3A_505 = vector.broadcast %sub3A_504 : f32 to vector<16xf32>
        %sub3A_506 = arith.subf %sub3A_505, %mul3A_503 : vector<16xf32>
        %mul3A_507 = arith.mulf %mul3A_501, %sub3A_506 : vector<16xf32>
        %mul3A_508 = arith.mulf %mul3A_495, %mul3A_507 : vector<16xf32>
        %mul3A_509 = arith.mulf %mul3A_508, %mul3A_507 : vector<16xf32>
        %sub3A_510 = arith.constant 1.500000e+00 : f32
        %sub3A_511 = vector.broadcast %sub3A_510 : f32 to vector<16xf32>
        %sub3A_512 = arith.subf %sub3A_511, %mul3A_509 : vector<16xf32>
        %mul3A_513 = arith.mulf %mul3A_507, %sub3A_512 : vector<16xf32>
        %reduce_sum3A_514 = arith.constant true
        %reduce_sum3A_515 = vector.broadcast %reduce_sum3A_514 : i1 to vector<16xi1>
        %reduce_sum3A_516 = tpu.scan <sum>, %parallel_loop3A_281#5 masked %reduce_sum3A_515 : vector<16xf32>, vector<16xi1> -> vector<16xf32>
        %reduce_sum3A_517 = vector.extract %reduce_sum3A_516[15] : f32 from vector<16xf32>
        %reduce_sum3A_518 = arith.constant true
        %reduce_sum3A_519 = vector.broadcast %reduce_sum3A_518 : i1 to vector<16xi1>
        %reduce_sum3A_520 = tpu.scan <sum>, %parallel_loop3A_281#13 masked %reduce_sum3A_519 : vector<16xf32>, vector<16xi1> -> vector<16xf32>
        %reduce_sum3A_521 = vector.extract %reduce_sum3A_520[15] : f32 from vector<16xf32>
        %mul3A_522 = arith.constant 0.00130208337 : f32
        %mul3A_523 = arith.mulf %reduce_sum3A_517, %mul3A_522 : f32
        %mul3A_524 = arith.constant 0.00130208337 : f32
        %mul3A_525 = arith.mulf %reduce_sum3A_521, %mul3A_524 : f32
        %mul3A_526 = arith.mulf %mul3A_523, %mul3A_523 : f32
        %sub3A_527 = arith.subf %mul3A_525, %mul3A_526 : f32
        %broadcast_in_dim3A_528 = vector.broadcast %mul3A_523 : f32 to vector<16xf32>
        %add3A_529 = arith.constant 9.99999974E-6 : f32
        %add3A_530 = arith.addf %sub3A_527, %add3A_529 : f32
        %broadcast_in_dim3A_531 = vector.broadcast %add3A_530 : f32 to vector<16xf32>
        %bitcast3A_532 = vector.bitcast %broadcast_in_dim3A_531 : vector<16xf32> to vector<16xi32>
        %shift_right_logical3A_533 = arith.constant 1 : i32
        %shift_right_logical3A_534 = vector.broadcast %shift_right_logical3A_533 : i32 to vector<16xi32>
        %shift_right_logical3A_535 = arith.shrui %bitcast3A_532, %shift_right_logical3A_534 : vector<16xi32>
        %sub3A_536 = arith.constant 1597463007 : i32
        %sub3A_537 = vector.broadcast %sub3A_536 : i32 to vector<16xi32>
        %sub3A_538 = arith.subi %sub3A_537, %shift_right_logical3A_535 : vector<16xi32>
        %bitcast3A_539 = vector.bitcast %sub3A_538 : vector<16xi32> to vector<16xf32>
        %mul3A_540 = arith.constant 5.000000e-01 : f32
        %mul3A_541 = vector.broadcast %mul3A_540 : f32 to vector<16xf32>
        %mul3A_542 = arith.mulf %broadcast_in_dim3A_531, %mul3A_541 : vector<16xf32>
        %mul3A_543 = arith.mulf %mul3A_542, %bitcast3A_539 : vector<16xf32>
        %mul3A_544 = arith.mulf %mul3A_543, %bitcast3A_539 : vector<16xf32>
        %sub3A_545 = arith.constant 1.500000e+00 : f32
        %sub3A_546 = vector.broadcast %sub3A_545 : f32 to vector<16xf32>
        %sub3A_547 = arith.subf %sub3A_546, %mul3A_544 : vector<16xf32>
        %mul3A_548 = arith.mulf %bitcast3A_539, %sub3A_547 : vector<16xf32>
        %mul3A_549 = arith.mulf %mul3A_542, %mul3A_548 : vector<16xf32>
        %mul3A_550 = arith.mulf %mul3A_549, %mul3A_548 : vector<16xf32>
        %sub3A_551 = arith.constant 1.500000e+00 : f32
        %sub3A_552 = vector.broadcast %sub3A_551 : f32 to vector<16xf32>
        %sub3A_553 = arith.subf %sub3A_552, %mul3A_550 : vector<16xf32>
        %mul3A_554 = arith.mulf %mul3A_548, %sub3A_553 : vector<16xf32>
        %mul3A_555 = arith.mulf %mul3A_542, %mul3A_554 : vector<16xf32>
        %mul3A_556 = arith.mulf %mul3A_555, %mul3A_554 : vector<16xf32>
        %sub3A_557 = arith.constant 1.500000e+00 : f32
        %sub3A_558 = vector.broadcast %sub3A_557 : f32 to vector<16xf32>
        %sub3A_559 = arith.subf %sub3A_558, %mul3A_556 : vector<16xf32>
        %mul3A_560 = arith.mulf %mul3A_554, %sub3A_559 : vector<16xf32>
        %reduce_sum3A_561 = arith.constant true
        %reduce_sum3A_562 = vector.broadcast %reduce_sum3A_561 : i1 to vector<16xi1>
        %reduce_sum3A_563 = tpu.scan <sum>, %parallel_loop3A_281#6 masked %reduce_sum3A_562 : vector<16xf32>, vector<16xi1> -> vector<16xf32>
        %reduce_sum3A_564 = vector.extract %reduce_sum3A_563[15] : f32 from vector<16xf32>
        %reduce_sum3A_565 = arith.constant true
        %reduce_sum3A_566 = vector.broadcast %reduce_sum3A_565 : i1 to vector<16xi1>
        %reduce_sum3A_567 = tpu.scan <sum>, %parallel_loop3A_281#14 masked %reduce_sum3A_566 : vector<16xf32>, vector<16xi1> -> vector<16xf32>
        %reduce_sum3A_568 = vector.extract %reduce_sum3A_567[15] : f32 from vector<16xf32>
        %mul3A_569 = arith.constant 0.00130208337 : f32
        %mul3A_570 = arith.mulf %reduce_sum3A_564, %mul3A_569 : f32
        %mul3A_571 = arith.constant 0.00130208337 : f32
        %mul3A_572 = arith.mulf %reduce_sum3A_568, %mul3A_571 : f32
        %mul3A_573 = arith.mulf %mul3A_570, %mul3A_570 : f32
        %sub3A_574 = arith.subf %mul3A_572, %mul3A_573 : f32
        %broadcast_in_dim3A_575 = vector.broadcast %mul3A_570 : f32 to vector<16xf32>
        %add3A_576 = arith.constant 9.99999974E-6 : f32
        %add3A_577 = arith.addf %sub3A_574, %add3A_576 : f32
        %broadcast_in_dim3A_578 = vector.broadcast %add3A_577 : f32 to vector<16xf32>
        %bitcast3A_579 = vector.bitcast %broadcast_in_dim3A_578 : vector<16xf32> to vector<16xi32>
        %shift_right_logical3A_580 = arith.constant 1 : i32
        %shift_right_logical3A_581 = vector.broadcast %shift_right_logical3A_580 : i32 to vector<16xi32>
        %shift_right_logical3A_582 = arith.shrui %bitcast3A_579, %shift_right_logical3A_581 : vector<16xi32>
        %sub3A_583 = arith.constant 1597463007 : i32
        %sub3A_584 = vector.broadcast %sub3A_583 : i32 to vector<16xi32>
        %sub3A_585 = arith.subi %sub3A_584, %shift_right_logical3A_582 : vector<16xi32>
        %bitcast3A_586 = vector.bitcast %sub3A_585 : vector<16xi32> to vector<16xf32>
        %mul3A_587 = arith.constant 5.000000e-01 : f32
        %mul3A_588 = vector.broadcast %mul3A_587 : f32 to vector<16xf32>
        %mul3A_589 = arith.mulf %broadcast_in_dim3A_578, %mul3A_588 : vector<16xf32>
        %mul3A_590 = arith.mulf %mul3A_589, %bitcast3A_586 : vector<16xf32>
        %mul3A_591 = arith.mulf %mul3A_590, %bitcast3A_586 : vector<16xf32>
        %sub3A_592 = arith.constant 1.500000e+00 : f32
        %sub3A_593 = vector.broadcast %sub3A_592 : f32 to vector<16xf32>
        %sub3A_594 = arith.subf %sub3A_593, %mul3A_591 : vector<16xf32>
        %mul3A_595 = arith.mulf %bitcast3A_586, %sub3A_594 : vector<16xf32>
        %mul3A_596 = arith.mulf %mul3A_589, %mul3A_595 : vector<16xf32>
        %mul3A_597 = arith.mulf %mul3A_596, %mul3A_595 : vector<16xf32>
        %sub3A_598 = arith.constant 1.500000e+00 : f32
        %sub3A_599 = vector.broadcast %sub3A_598 : f32 to vector<16xf32>
        %sub3A_600 = arith.subf %sub3A_599, %mul3A_597 : vector<16xf32>
        %mul3A_601 = arith.mulf %mul3A_595, %sub3A_600 : vector<16xf32>
        %mul3A_602 = arith.mulf %mul3A_589, %mul3A_601 : vector<16xf32>
        %mul3A_603 = arith.mulf %mul3A_602, %mul3A_601 : vector<16xf32>
        %sub3A_604 = arith.constant 1.500000e+00 : f32
        %sub3A_605 = vector.broadcast %sub3A_604 : f32 to vector<16xf32>
        %sub3A_606 = arith.subf %sub3A_605, %mul3A_603 : vector<16xf32>
        %mul3A_607 = arith.mulf %mul3A_601, %sub3A_606 : vector<16xf32>
        %reduce_sum3A_608 = arith.constant true
        %reduce_sum3A_609 = vector.broadcast %reduce_sum3A_608 : i1 to vector<16xi1>
        %reduce_sum3A_610 = tpu.scan <sum>, %parallel_loop3A_281#7 masked %reduce_sum3A_609 : vector<16xf32>, vector<16xi1> -> vector<16xf32>
        %reduce_sum3A_611 = vector.extract %reduce_sum3A_610[15] : f32 from vector<16xf32>
        %reduce_sum3A_612 = arith.constant true
        %reduce_sum3A_613 = vector.broadcast %reduce_sum3A_612 : i1 to vector<16xi1>
        %reduce_sum3A_614 = tpu.scan <sum>, %parallel_loop3A_281#15 masked %reduce_sum3A_613 : vector<16xf32>, vector<16xi1> -> vector<16xf32>
        %reduce_sum3A_615 = vector.extract %reduce_sum3A_614[15] : f32 from vector<16xf32>
        %mul3A_616 = arith.constant 0.00130208337 : f32
        %mul3A_617 = arith.mulf %reduce_sum3A_611, %mul3A_616 : f32
        %mul3A_618 = arith.constant 0.00130208337 : f32
        %mul3A_619 = arith.mulf %reduce_sum3A_615, %mul3A_618 : f32
        %mul3A_620 = arith.mulf %mul3A_617, %mul3A_617 : f32
        %sub3A_621 = arith.subf %mul3A_619, %mul3A_620 : f32
        %broadcast_in_dim3A_622 = vector.broadcast %mul3A_617 : f32 to vector<16xf32>
        %add3A_623 = arith.constant 9.99999974E-6 : f32
        %add3A_624 = arith.addf %sub3A_621, %add3A_623 : f32
        %broadcast_in_dim3A_625 = vector.broadcast %add3A_624 : f32 to vector<16xf32>
        %bitcast3A_626 = vector.bitcast %broadcast_in_dim3A_625 : vector<16xf32> to vector<16xi32>
        %shift_right_logical3A_627 = arith.constant 1 : i32
        %shift_right_logical3A_628 = vector.broadcast %shift_right_logical3A_627 : i32 to vector<16xi32>
        %shift_right_logical3A_629 = arith.shrui %bitcast3A_626, %shift_right_logical3A_628 : vector<16xi32>
        %sub3A_630 = arith.constant 1597463007 : i32
        %sub3A_631 = vector.broadcast %sub3A_630 : i32 to vector<16xi32>
        %sub3A_632 = arith.subi %sub3A_631, %shift_right_logical3A_629 : vector<16xi32>
        %bitcast3A_633 = vector.bitcast %sub3A_632 : vector<16xi32> to vector<16xf32>
        %mul3A_634 = arith.constant 5.000000e-01 : f32
        %mul3A_635 = vector.broadcast %mul3A_634 : f32 to vector<16xf32>
        %mul3A_636 = arith.mulf %broadcast_in_dim3A_625, %mul3A_635 : vector<16xf32>
        %mul3A_637 = arith.mulf %mul3A_636, %bitcast3A_633 : vector<16xf32>
        %mul3A_638 = arith.mulf %mul3A_637, %bitcast3A_633 : vector<16xf32>
        %sub3A_639 = arith.constant 1.500000e+00 : f32
        %sub3A_640 = vector.broadcast %sub3A_639 : f32 to vector<16xf32>
        %sub3A_641 = arith.subf %sub3A_640, %mul3A_638 : vector<16xf32>
        %mul3A_642 = arith.mulf %bitcast3A_633, %sub3A_641 : vector<16xf32>
        %mul3A_643 = arith.mulf %mul3A_636, %mul3A_642 : vector<16xf32>
        %mul3A_644 = arith.mulf %mul3A_643, %mul3A_642 : vector<16xf32>
        %sub3A_645 = arith.constant 1.500000e+00 : f32
        %sub3A_646 = vector.broadcast %sub3A_645 : f32 to vector<16xf32>
        %sub3A_647 = arith.subf %sub3A_646, %mul3A_644 : vector<16xf32>
        %mul3A_648 = arith.mulf %mul3A_642, %sub3A_647 : vector<16xf32>
        %mul3A_649 = arith.mulf %mul3A_636, %mul3A_648 : vector<16xf32>
        %mul3A_650 = arith.mulf %mul3A_649, %mul3A_648 : vector<16xf32>
        %sub3A_651 = arith.constant 1.500000e+00 : f32
        %sub3A_652 = vector.broadcast %sub3A_651 : f32 to vector<16xf32>
        %sub3A_653 = arith.subf %sub3A_652, %mul3A_650 : vector<16xf32>
        %mul3A_654 = arith.mulf %mul3A_648, %sub3A_653 : vector<16xf32>
        %parallel_loop3A_655 = arith.constant 0 : i32
        %parallel_loop3A_656 = arith.constant 48 : i32
        %parallel_loop3A_657 = arith.constant 1 : i32
        scf.for %parallel_loop3A_659 = %parallel_loop3A_655 to %parallel_loop3A_656 step %parallel_loop3A_657  : i32 {
          %parallel_loop3A_660 = arith.constant 16 : i32
          %parallel_loop3A_661 = arith.muli %parallel_loop3A_659, %parallel_loop3A_660 : i32
          %parallel_loop3A_662 = arith.index_cast %parallel_loop3A_661 : i32 to index
          %parallel_loop3A_663 = tpu.vector_load %arg13[%parallel_loop3A_662] {strides = array<i32>} : memref<768xf32, #tpu.memory_space<vmem>>, vector<16xf32>,
          %parallel_loop3A_664 = arith.index_cast %parallel_loop3A_661 : i32 to index
          %parallel_loop3A_665 = tpu.vector_load %arg14[%parallel_loop3A_664] {strides = array<i32>} : memref<768xf32, #tpu.memory_space<vmem>>, vector<16xf32>,
          %parallel_loop3A_666 = arith.constant 0 : i32
          %parallel_loop3A_667 = arith.index_cast %parallel_loop3A_666 : i32 to index
          %parallel_loop3A_668 = arith.index_cast %parallel_loop3A_661 : i32 to index
          %parallel_loop3A_669 = tpu.vector_load %arg12[%parallel_loop3A_667, %parallel_loop3A_668] {strides = array<i32>} : memref<8x768xf32, #tpu.memory_space<vmem>>, vector<16xf32>,
          %parallel_loop3A_670 = arith.subf %parallel_loop3A_669, %broadcast_in_dim3A_295 : vector<16xf32>
          %parallel_loop3A_671 = arith.mulf %parallel_loop3A_670, %mul3A_325 : vector<16xf32>
          %parallel_loop3A_672 = arith.mulf %parallel_loop3A_671, %parallel_loop3A_663 : vector<16xf32>
          %parallel_loop3A_673 = arith.addf %parallel_loop3A_672, %parallel_loop3A_665 : vector<16xf32>
          %parallel_loop3A_674 = arith.constant 0 : i32
          %parallel_loop3A_675 = arith.addi %multiple_of3A_191, %parallel_loop3A_674 : i32
          %parallel_loop3A_676 = arith.index_cast %parallel_loop3A_675 : i32 to index
          %parallel_loop3A_677 = arith.index_cast %parallel_loop3A_661 : i32 to index
          %parallel_loop3A_678 = tpu.vector_load %arg11[%parallel_loop3A_676, %parallel_loop3A_677] {strides = array<i32>} : memref<64x768xf32, #tpu.memory_space<vmem>>, vector<16xf32>,
          tpu.vector_store %arg11[%parallel_loop3A_676, %parallel_loop3A_677], %parallel_loop3A_673 {strides = array<i32>} : memref<64x768xf32, #tpu.memory_space<vmem>>, vector<16xf32>,
          %parallel_loop3A_679 = arith.constant 1 : i32
          %parallel_loop3A_680 = arith.index_cast %parallel_loop3A_679 : i32 to index
          %parallel_loop3A_681 = arith.index_cast %parallel_loop3A_661 : i32 to index
          %parallel_loop3A_682 = tpu.vector_load %arg12[%parallel_loop3A_680, %parallel_loop3A_681] {strides = array<i32>} : memref<8x768xf32, #tpu.memory_space<vmem>>, vector<16xf32>,
          %parallel_loop3A_683 = arith.subf %parallel_loop3A_682, %broadcast_in_dim3A_340 : vector<16xf32>
          %parallel_loop3A_684 = arith.mulf %parallel_loop3A_683, %mul3A_372 : vector<16xf32>
          %parallel_loop3A_685 = arith.mulf %parallel_loop3A_684, %parallel_loop3A_663 : vector<16xf32>
          %parallel_loop3A_686 = arith.addf %parallel_loop3A_685, %parallel_loop3A_665 : vector<16xf32>
          %parallel_loop3A_687 = arith.constant 1 : i32
          %parallel_loop3A_688 = arith.addi %multiple_of3A_191, %parallel_loop3A_687 : i32
          %parallel_loop3A_689 = arith.index_cast %parallel_loop3A_688 : i32 to index
          %parallel_loop3A_690 = arith.index_cast %parallel_loop3A_661 : i32 to index
          %parallel_loop3A_691 = tpu.vector_load %arg11[%parallel_loop3A_689, %parallel_loop3A_690] {strides = array<i32>} : memref<64x768xf32, #tpu.memory_space<vmem>>, vector<16xf32>,
          tpu.vector_store %arg11[%parallel_loop3A_689, %parallel_loop3A_690], %parallel_loop3A_686 {strides = array<i32>} : memref<64x768xf32, #tpu.memory_space<vmem>>, vector<16xf32>,
          %parallel_loop3A_692 = arith.constant 2 : i32
          %parallel_loop3A_693 = arith.index_cast %parallel_loop3A_692 : i32 to index
          %parallel_loop3A_694 = arith.index_cast %parallel_loop3A_661 : i32 to index
          %parallel_loop3A_695 = tpu.vector_load %arg12[%parallel_loop3A_693, %parallel_loop3A_694] {strides = array<i32>} : memref<8x768xf32, #tpu.memory_space<vmem>>, vector<16xf32>,
          %parallel_loop3A_696 = arith.subf %parallel_loop3A_695, %broadcast_in_dim3A_387 : vector<16xf32>
          %parallel_loop3A_697 = arith.mulf %parallel_loop3A_696, %mul3A_419 : vector<16xf32>
          %parallel_loop3A_698 = arith.mulf %parallel_loop3A_697, %parallel_loop3A_663 : vector<16xf32>
          %parallel_loop3A_699 = arith.addf %parallel_loop3A_698, %parallel_loop3A_665 : vector<16xf32>
          %parallel_loop3A_700 = arith.constant 2 : i32
          %parallel_loop3A_701 = arith.addi %multiple_of3A_191, %parallel_loop3A_700 : i32
          %parallel_loop3A_702 = arith.index_cast %parallel_loop3A_701 : i32 to index
          %parallel_loop3A_703 = arith.index_cast %parallel_loop3A_661 : i32 to index
          %parallel_loop3A_704 = tpu.vector_load %arg11[%parallel_loop3A_702, %parallel_loop3A_703] {strides = array<i32>} : memref<64x768xf32, #tpu.memory_space<vmem>>, vector<16xf32>,
          tpu.vector_store %arg11[%parallel_loop3A_702, %parallel_loop3A_703], %parallel_loop3A_699 {strides = array<i32>} : memref<64x768xf32, #tpu.memory_space<vmem>>, vector<16xf32>,
          %parallel_loop3A_705 = arith.constant 3 : i32
          %parallel_loop3A_706 = arith.index_cast %parallel_loop3A_705 : i32 to index
          %parallel_loop3A_707 = arith.index_cast %parallel_loop3A_661 : i32 to index
          %parallel_loop3A_708 = tpu.vector_load %arg12[%parallel_loop3A_706, %parallel_loop3A_707] {strides = array<i32>} : memref<8x768xf32, #tpu.memory_space<vmem>>, vector<16xf32>,
          %parallel_loop3A_709 = arith.subf %parallel_loop3A_708, %broadcast_in_dim3A_434 : vector<16xf32>
          %parallel_loop3A_710 = arith.mulf %parallel_loop3A_709, %mul3A_466 : vector<16xf32>
          %parallel_loop3A_711 = arith.mulf %parallel_loop3A_710, %parallel_loop3A_663 : vector<16xf32>
          %parallel_loop3A_712 = arith.addf %parallel_loop3A_711, %parallel_loop3A_665 : vector<16xf32>
          %parallel_loop3A_713 = arith.constant 3 : i32
          %parallel_loop3A_714 = arith.addi %multiple_of3A_191, %parallel_loop3A_713 : i32
          %parallel_loop3A_715 = arith.index_cast %parallel_loop3A_714 : i32 to index
          %parallel_loop3A_716 = arith.index_cast %parallel_loop3A_661 : i32 to index
          %parallel_loop3A_717 = tpu.vector_load %arg11[%parallel_loop3A_715, %parallel_loop3A_716] {strides = array<i32>} : memref<64x768xf32, #tpu.memory_space<vmem>>, vector<16xf32>,
          tpu.vector_store %arg11[%parallel_loop3A_715, %parallel_loop3A_716], %parallel_loop3A_712 {strides = array<i32>} : memref<64x768xf32, #tpu.memory_space<vmem>>, vector<16xf32>,
          %parallel_loop3A_718 = arith.constant 4 : i32
          %parallel_loop3A_719 = arith.index_cast %parallel_loop3A_718 : i32 to index
          %parallel_loop3A_720 = arith.index_cast %parallel_loop3A_661 : i32 to index
          %parallel_loop3A_721 = tpu.vector_load %arg12[%parallel_loop3A_719, %parallel_loop3A_720] {strides = array<i32>} : memref<8x768xf32, #tpu.memory_space<vmem>>, vector<16xf32>,
          %parallel_loop3A_722 = arith.subf %parallel_loop3A_721, %broadcast_in_dim3A_481 : vector<16xf32>
          %parallel_loop3A_723 = arith.mulf %parallel_loop3A_722, %mul3A_513 : vector<16xf32>
          %parallel_loop3A_724 = arith.mulf %parallel_loop3A_723, %parallel_loop3A_663 : vector<16xf32>
          %parallel_loop3A_725 = arith.addf %parallel_loop3A_724, %parallel_loop3A_665 : vector<16xf32>
          %parallel_loop3A_726 = arith.constant 4 : i32
          %parallel_loop3A_727 = arith.addi %multiple_of3A_191, %parallel_loop3A_726 : i32
          %parallel_loop3A_728 = arith.index_cast %parallel_loop3A_727 : i32 to index
          %parallel_loop3A_729 = arith.index_cast %parallel_loop3A_661 : i32 to index
          %parallel_loop3A_730 = tpu.vector_load %arg11[%parallel_loop3A_728, %parallel_loop3A_729] {strides = array<i32>} : memref<64x768xf32, #tpu.memory_space<vmem>>, vector<16xf32>,
          tpu.vector_store %arg11[%parallel_loop3A_728, %parallel_loop3A_729], %parallel_loop3A_725 {strides = array<i32>} : memref<64x768xf32, #tpu.memory_space<vmem>>, vector<16xf32>,
          %parallel_loop3A_731 = arith.constant 5 : i32
          %parallel_loop3A_732 = arith.index_cast %parallel_loop3A_731 : i32 to index
          %parallel_loop3A_733 = arith.index_cast %parallel_loop3A_661 : i32 to index
          %parallel_loop3A_734 = tpu.vector_load %arg12[%parallel_loop3A_732, %parallel_loop3A_733] {strides = array<i32>} : memref<8x768xf32, #tpu.memory_space<vmem>>, vector<16xf32>,
          %parallel_loop3A_735 = arith.subf %parallel_loop3A_734, %broadcast_in_dim3A_528 : vector<16xf32>
          %parallel_loop3A_736 = arith.mulf %parallel_loop3A_735, %mul3A_560 : vector<16xf32>
          %parallel_loop3A_737 = arith.mulf %parallel_loop3A_736, %parallel_loop3A_663 : vector<16xf32>
          %parallel_loop3A_738 = arith.addf %parallel_loop3A_737, %parallel_loop3A_665 : vector<16xf32>
          %parallel_loop3A_739 = arith.constant 5 : i32
          %parallel_loop3A_740 = arith.addi %multiple_of3A_191, %parallel_loop3A_739 : i32
          %parallel_loop3A_741 = arith.index_cast %parallel_loop3A_740 : i32 to index
          %parallel_loop3A_742 = arith.index_cast %parallel_loop3A_661 : i32 to index
          %parallel_loop3A_743 = tpu.vector_load %arg11[%parallel_loop3A_741, %parallel_loop3A_742] {strides = array<i32>} : memref<64x768xf32, #tpu.memory_space<vmem>>, vector<16xf32>,
          tpu.vector_store %arg11[%parallel_loop3A_741, %parallel_loop3A_742], %parallel_loop3A_738 {strides = array<i32>} : memref<64x768xf32, #tpu.memory_space<vmem>>, vector<16xf32>,
          %parallel_loop3A_744 = arith.constant 6 : i32
          %parallel_loop3A_745 = arith.index_cast %parallel_loop3A_744 : i32 to index
          %parallel_loop3A_746 = arith.index_cast %parallel_loop3A_661 : i32 to index
          %parallel_loop3A_747 = tpu.vector_load %arg12[%parallel_loop3A_745, %parallel_loop3A_746] {strides = array<i32>} : memref<8x768xf32, #tpu.memory_space<vmem>>, vector<16xf32>,
          %parallel_loop3A_748 = arith.subf %parallel_loop3A_747, %broadcast_in_dim3A_575 : vector<16xf32>
          %parallel_loop3A_749 = arith.mulf %parallel_loop3A_748, %mul3A_607 : vector<16xf32>
          %parallel_loop3A_750 = arith.mulf %parallel_loop3A_749, %parallel_loop3A_663 : vector<16xf32>
          %parallel_loop3A_751 = arith.addf %parallel_loop3A_750, %parallel_loop3A_665 : vector<16xf32>
          %parallel_loop3A_752 = arith.constant 6 : i32
          %parallel_loop3A_753 = arith.addi %multiple_of3A_191, %parallel_loop3A_752 : i32
          %parallel_loop3A_754 = arith.index_cast %parallel_loop3A_753 : i32 to index
          %parallel_loop3A_755 = arith.index_cast %parallel_loop3A_661 : i32 to index
          %parallel_loop3A_756 = tpu.vector_load %arg11[%parallel_loop3A_754, %parallel_loop3A_755] {strides = array<i32>} : memref<64x768xf32, #tpu.memory_space<vmem>>, vector<16xf32>,
          tpu.vector_store %arg11[%parallel_loop3A_754, %parallel_loop3A_755], %parallel_loop3A_751 {strides = array<i32>} : memref<64x768xf32, #tpu.memory_space<vmem>>, vector<16xf32>,
          %parallel_loop3A_757 = arith.constant 7 : i32
          %parallel_loop3A_758 = arith.index_cast %parallel_loop3A_757 : i32 to index
          %parallel_loop3A_759 = arith.index_cast %parallel_loop3A_661 : i32 to index
          %parallel_loop3A_760 = tpu.vector_load %arg12[%parallel_loop3A_758, %parallel_loop3A_759] {strides = array<i32>} : memref<8x768xf32, #tpu.memory_space<vmem>>, vector<16xf32>,
          %parallel_loop3A_761 = arith.subf %parallel_loop3A_760, %broadcast_in_dim3A_622 : vector<16xf32>
          %parallel_loop3A_762 = arith.mulf %parallel_loop3A_761, %mul3A_654 : vector<16xf32>
          %parallel_loop3A_763 = arith.mulf %parallel_loop3A_762, %parallel_loop3A_663 : vector<16xf32>
          %parallel_loop3A_764 = arith.addf %parallel_loop3A_763, %parallel_loop3A_665 : vector<16xf32>
          %parallel_loop3A_765 = arith.constant 7 : i32
          %parallel_loop3A_766 = arith.addi %multiple_of3A_191, %parallel_loop3A_765 : i32
          %parallel_loop3A_767 = arith.index_cast %parallel_loop3A_766 : i32 to index
          %parallel_loop3A_768 = arith.index_cast %parallel_loop3A_661 : i32 to index
          %parallel_loop3A_769 = tpu.vector_load %arg11[%parallel_loop3A_767, %parallel_loop3A_768] {strides = array<i32>} : memref<64x768xf32, #tpu.memory_space<vmem>>, vector<16xf32>,
          tpu.vector_store %arg11[%parallel_loop3A_767, %parallel_loop3A_768], %parallel_loop3A_764 {strides = array<i32>} : memref<64x768xf32, #tpu.memory_space<vmem>>, vector<16xf32>,
        } {sc.loop_unroll_factor = 4 : i64, sc.parallel_access}
        %scan3A_658 = arith.constant 0 : i32
        scf.yield %scan3A_658 : i32
      }
      %scan3A_166 = arith.constant 2 : i32
      %mul3A_167 = arith.constant 2048 : i32
      %mul3A_168 = arith.muli %select_n3A, %mul3A_167 : i32
      %add3A_169 = arith.addi %mul3A_168, %mul3A_2 : i32
      %mul3A_170 = arith.constant 16 : i32
      %mul3A_171 = arith.muli %rem3A_155, %mul3A_170 : i32
      %add3A_172 = arith.addi %add3A_169, %mul3A_171 : i32
      %multiple_of3A = tpu.assume_multiple %add3A_172, 16 : i32
      %mul3A_173 = arith.constant 16 : i32
      %mul3A_174 = arith.muli %rem3A_120, %mul3A_173 : i32
      %dma_start3A_175 = arith.constant 0 : i32
      %dma_start3A_176 = tpu.memref_slice %arg11[%mul3A_174, %dma_start3A_175] : memref<64x768xf32, #tpu.memory_space<vmem>> -> memref<16x768xf32, #tpu.memory_space<vmem>>
      %dma_start3A_177 = arith.constant 0 : i32
      %dma_start3A_178 = tpu.memref_slice %arg9[%multiple_of3A, %dma_start3A_177] : memref<8192x768xf32, #tpu.memory_space<hbm>> -> memref<16x768xf32, #tpu.memory_space<hbm>>
      %dma_start3A_179 = tpu.memref_slice %arg20[%rem3A_120] : memref<4x!tpu.dma_semaphore, #tpu.memory_space<semaphore_mem>> -> memref<1x!tpu.dma_semaphore, #tpu.memory_space<semaphore_mem>>
      %dma_start3A_180 = tpu.memref_squeeze %dma_start3A_179 : memref<1x!tpu.dma_semaphore, #tpu.memory_space<semaphore_mem>> -> memref<!tpu.dma_semaphore, #tpu.memory_space<semaphore_mem>>
      %dma_start3A_181 = arith.constant 0 : i32
      %dma_start3A_182 = tpu.memref_slice %arg9[%multiple_of3A, %dma_start3A_181] : memref<8192x768xf32, #tpu.memory_space<hbm>> -> memref<16x768xf32, #tpu.memory_space<hbm>>
      %dma_start3A_183 = arith.constant 0 : i32
      %dma_start3A_184 = tpu.memref_slice %arg11[%mul3A_174, %dma_start3A_183] : memref<64x768xf32, #tpu.memory_space<vmem>> -> memref<16x768xf32, #tpu.memory_space<vmem>>
      tpu.enqueue_dma source(%dma_start3A_184 : memref<16x768xf32, #tpu.memory_space<vmem>>) target(%dma_start3A_182 : memref<16x768xf32, #tpu.memory_space<hbm>>) target_semaphore(%dma_start3A_180 : memref<!tpu.dma_semaphore, #tpu.memory_space<semaphore_mem>>)
      %scan3A_185 = arith.constant 0 : i32
      scf.yield %scan3A_185 : i32
    }
    %scan3A_57 = arith.constant 16 : i32
    %dma_wait3A = arith.constant 0 : i32
    %dma_wait3A_58 = arith.constant 0 : i32
    %dma_wait3A_59 = arith.constant 0 : i32
    %dma_wait3A_60 = tpu.memref_slice %arg11[%dma_wait3A_58, %dma_wait3A_59] : memref<64x768xf32, #tpu.memory_space<vmem>> -> memref<16x768xf32, #tpu.memory_space<vmem>>
    %dma_wait3A_61 = arith.constant 0 : i32
    %dma_wait3A_62 = arith.constant 0 : i32
    %dma_wait3A_63 = tpu.memref_slice %arg9[%dma_wait3A_61, %dma_wait3A_62] : memref<8192x768xf32, #tpu.memory_space<hbm>> -> memref<16x768xf32, #tpu.memory_space<hbm>>
    %dma_wait3A_64 = tpu.memref_slice %arg20[%dma_wait3A] : memref<4x!tpu.dma_semaphore, #tpu.memory_space<semaphore_mem>> -> memref<1x!tpu.dma_semaphore, #tpu.memory_space<semaphore_mem>>
    %dma_wait3A_65 = tpu.memref_squeeze %dma_wait3A_64 : memref<1x!tpu.dma_semaphore, #tpu.memory_space<semaphore_mem>> -> memref<!tpu.dma_semaphore, #tpu.memory_space<semaphore_mem>>
    %dma_wait3A_66 = arith.constant 0 : i32
    %dma_wait3A_67 = arith.constant 0 : i32
    %dma_wait3A_68 = tpu.memref_slice %arg9[%dma_wait3A_66, %dma_wait3A_67] : memref<8192x768xf32, #tpu.memory_space<hbm>> -> memref<16x768xf32, #tpu.memory_space<hbm>>
    %dma_wait3A_69 = arith.constant 0 : i32
    %dma_wait3A_70 = arith.constant 0 : i32
    %dma_wait3A_71 = tpu.memref_slice %arg11[%dma_wait3A_69, %dma_wait3A_70] : memref<64x768xf32, #tpu.memory_space<vmem>> -> memref<16x768xf32, #tpu.memory_space<vmem>>
    tpu.wait_dma2 semaphore(%dma_wait3A_65 : memref<!tpu.dma_semaphore, #tpu.memory_space<semaphore_mem>>) src(%dma_wait3A_71 : memref<16x768xf32, #tpu.memory_space<vmem>>) dst(%dma_wait3A_68 : memref<16x768xf32, #tpu.memory_space<hbm>>)
    %dma_wait3A_72 = arith.constant 1 : i32
    %dma_wait3A_73 = arith.constant 16 : i32
    %dma_wait3A_74 = arith.constant 0 : i32
    %dma_wait3A_75 = tpu.memref_slice %arg11[%dma_wait3A_73, %dma_wait3A_74] : memref<64x768xf32, #tpu.memory_space<vmem>> -> memref<16x768xf32, #tpu.memory_space<vmem>>
    %dma_wait3A_76 = arith.constant 0 : i32
    %dma_wait3A_77 = arith.constant 0 : i32
    %dma_wait3A_78 = tpu.memref_slice %arg9[%dma_wait3A_76, %dma_wait3A_77] : memref<8192x768xf32, #tpu.memory_space<hbm>> -> memref<16x768xf32, #tpu.memory_space<hbm>>
    %dma_wait3A_79 = tpu.memref_slice %arg20[%dma_wait3A_72] : memref<4x!tpu.dma_semaphore, #tpu.memory_space<semaphore_mem>> -> memref<1x!tpu.dma_semaphore, #tpu.memory_space<semaphore_mem>>
    %dma_wait3A_80 = tpu.memref_squeeze %dma_wait3A_79 : memref<1x!tpu.dma_semaphore, #tpu.memory_space<semaphore_mem>> -> memref<!tpu.dma_semaphore, #tpu.memory_space<semaphore_mem>>
    %dma_wait3A_81 = arith.constant 0 : i32
    %dma_wait3A_82 = arith.constant 0 : i32
    %dma_wait3A_83 = tpu.memref_slice %arg9[%dma_wait3A_81, %dma_wait3A_82] : memref<8192x768xf32, #tpu.memory_space<hbm>> -> memref<16x768xf32, #tpu.memory_space<hbm>>
    %dma_wait3A_84 = arith.constant 16 : i32
    %dma_wait3A_85 = arith.constant 0 : i32
    %dma_wait3A_86 = tpu.memref_slice %arg11[%dma_wait3A_84, %dma_wait3A_85] : memref<64x768xf32, #tpu.memory_space<vmem>> -> memref<16x768xf32, #tpu.memory_space<vmem>>
    tpu.wait_dma2 semaphore(%dma_wait3A_80 : memref<!tpu.dma_semaphore, #tpu.memory_space<semaphore_mem>>) src(%dma_wait3A_86 : memref<16x768xf32, #tpu.memory_space<vmem>>) dst(%dma_wait3A_83 : memref<16x768xf32, #tpu.memory_space<hbm>>)
    %dma_wait3A_87 = arith.constant 2 : i32
    %dma_wait3A_88 = arith.constant 32 : i32
    %dma_wait3A_89 = arith.constant 0 : i32
    %dma_wait3A_90 = tpu.memref_slice %arg11[%dma_wait3A_88, %dma_wait3A_89] : memref<64x768xf32, #tpu.memory_space<vmem>> -> memref<16x768xf32, #tpu.memory_space<vmem>>
    %dma_wait3A_91 = arith.constant 0 : i32
    %dma_wait3A_92 = arith.constant 0 : i32
    %dma_wait3A_93 = tpu.memref_slice %arg9[%dma_wait3A_91, %dma_wait3A_92] : memref<8192x768xf32, #tpu.memory_space<hbm>> -> memref<16x768xf32, #tpu.memory_space<hbm>>
    %dma_wait3A_94 = tpu.memref_slice %arg20[%dma_wait3A_87] : memref<4x!tpu.dma_semaphore, #tpu.memory_space<semaphore_mem>> -> memref<1x!tpu.dma_semaphore, #tpu.memory_space<semaphore_mem>>
    %dma_wait3A_95 = tpu.memref_squeeze %dma_wait3A_94 : memref<1x!tpu.dma_semaphore, #tpu.memory_space<semaphore_mem>> -> memref<!tpu.dma_semaphore, #tpu.memory_space<semaphore_mem>>
    %dma_wait3A_96 = arith.constant 0 : i32
    %dma_wait3A_97 = arith.constant 0 : i32
    %dma_wait3A_98 = tpu.memref_slice %arg9[%dma_wait3A_96, %dma_wait3A_97] : memref<8192x768xf32, #tpu.memory_space<hbm>> -> memref<16x768xf32, #tpu.memory_space<hbm>>
    %dma_wait3A_99 = arith.constant 32 : i32
    %dma_wait3A_100 = arith.constant 0 : i32
    %dma_wait3A_101 = tpu.memref_slice %arg11[%dma_wait3A_99, %dma_wait3A_100] : memref<64x768xf32, #tpu.memory_space<vmem>> -> memref<16x768xf32, #tpu.memory_space<vmem>>
    tpu.wait_dma2 semaphore(%dma_wait3A_95 : memref<!tpu.dma_semaphore, #tpu.memory_space<semaphore_mem>>) src(%dma_wait3A_101 : memref<16x768xf32, #tpu.memory_space<vmem>>) dst(%dma_wait3A_98 : memref<16x768xf32, #tpu.memory_space<hbm>>)
    %dma_wait3A_102 = arith.constant 3 : i32
    %dma_wait3A_103 = arith.constant 48 : i32
    %dma_wait3A_104 = arith.constant 0 : i32
    %dma_wait3A_105 = tpu.memref_slice %arg11[%dma_wait3A_103, %dma_wait3A_104] : memref<64x768xf32, #tpu.memory_space<vmem>> -> memref<16x768xf32, #tpu.memory_space<vmem>>
    %dma_wait3A_106 = arith.constant 0 : i32
    %dma_wait3A_107 = arith.constant 0 : i32
    %dma_wait3A_108 = tpu.memref_slice %arg9[%dma_wait3A_106, %dma_wait3A_107] : memref<8192x768xf32, #tpu.memory_space<hbm>> -> memref<16x768xf32, #tpu.memory_space<hbm>>
    %dma_wait3A_109 = tpu.memref_slice %arg20[%dma_wait3A_102] : memref<4x!tpu.dma_semaphore, #tpu.memory_space<semaphore_mem>> -> memref<1x!tpu.dma_semaphore, #tpu.memory_space<semaphore_mem>>
    %dma_wait3A_110 = tpu.memref_squeeze %dma_wait3A_109 : memref<1x!tpu.dma_semaphore, #tpu.memory_space<semaphore_mem>> -> memref<!tpu.dma_semaphore, #tpu.memory_space<semaphore_mem>>
    %dma_wait3A_111 = arith.constant 0 : i32
    %dma_wait3A_112 = arith.constant 0 : i32
    %dma_wait3A_113 = tpu.memref_slice %arg9[%dma_wait3A_111, %dma_wait3A_112] : memref<8192x768xf32, #tpu.memory_space<hbm>> -> memref<16x768xf32, #tpu.memory_space<hbm>>
    %dma_wait3A_114 = arith.constant 48 : i32
    %dma_wait3A_115 = arith.constant 0 : i32
    %dma_wait3A_116 = tpu.memref_slice %arg11[%dma_wait3A_114, %dma_wait3A_115] : memref<64x768xf32, #tpu.memory_space<vmem>> -> memref<16x768xf32, #tpu.memory_space<vmem>>
    tpu.wait_dma2 semaphore(%dma_wait3A_110 : memref<!tpu.dma_semaphore, #tpu.memory_space<semaphore_mem>>) src(%dma_wait3A_116 : memref<16x768xf32, #tpu.memory_space<vmem>>) dst(%dma_wait3A_113 : memref<16x768xf32, #tpu.memory_space<hbm>>)
    return
  }
}

</mosaic_0001>

<sc_bundles>
// kernel: kernel.3.cloned.1.call-start
scs
__scs_entry_jumppad:
0x0: {  	(pc) =	sbr.rel $0x88, $3  }
0x1: {  	(tag) =	ssettag $0x0;
	lr =	simm.s32 $0x1  }
0x2: {  	[smem:$0x3F9A] =	sst lr;
	_ =	strace $0xD0000000  }
0x3: {  	_ = 	snop  }
0x4: {  	_ = 	snop  }
0x5: {  	_ = 	snop  }
0x6: {  	_ = 	snop  }
0x7: {  	_ = 	snop  }
__scs_overlays_trampoline_lowered:
0x8: {  	[smem:$0x3FA9] =	sst s0  }
0x9: {  	[smem:$0x3FAA] =	sst s1  }
0xa: {  	[smem:$0x3FAB] =	sst s2  }
0xb: {  	[smem:$0x3FAC] =	sst s3  }
0xc: {  	[smem:$0x3FAD] =	sst s4  }
0xd: {  	[smem:$0x3FAE] =	sst s5  }
0xe: {  	[smem:$0x3FAF] =	sst s6  }
0xf: {  	[smem:$0x3FB0] =	sst s7  }
0x10: {  	[smem:$0x3FB1] =	sst s8  }
0x11: {  	[smem:$0x3FB2] =	sst s9;
	s0 =	simm.s32 @!p0 $0x0  }
0x12: {  	s1 =	sld [smem:$0x3F98];
	s0 =	simm.s32 @p0 $0x1  }
0x13: {  	[smem:$0x3FB3] =	sst s0;
	s0 =	simm.s32 @!p1 $0x0  }
0x14: {  	s2 =	sld [smem:$0x3F97];
	s0 =	simm.s32 @p1 $0x1  }
0x15: {  	[smem:$0x3FB4] =	sst s0;
	s0 =	simm.s32 @!p2 $0x0  }
0x16: {  	s3 =	sld [smem:$0x3FDB];
	s0 =	simm.s32 @p2 $0x1  }
0x17: {  	s4 =	simm.s32 $0x1BF5;
	[smem:$0x3FB6] =	sst s0  }
0x18: {  	s0 =	sld [smem:$0x3F99];
	_ =	swait.ge [sflag:s4], $0x0  }
0x19: {  	s7 =	sld [smem:$0x3F9A]  }
0x1a: {  	s8 =	sadd.s32 $0xFFFFE003, lr  }
0x1b: {  	s9 =	sadd.s32 $0xFFFFFEF7, lr;
	s5 =	simm.s32 $0xFFFFFFFF;
	p2 =	slt.u32 s8, $0xFFFFF086  }
0x1c: {  	p1 =	slt.u32 s9, $0xF7A;
	s5 =	simm.s32 @!p2 $0x0  }
0x1d: {  	s5 =	simm.s32 @p1 $0x1;
	p0 =	seq.s32 s7, s2  }
0x1e: {  	s7 =	smul.u32 @!p0 $0xF7A, s2;
	p2 =	seq.s32 @!p0 s5, $0x0  }
0x1f: {  	s9 =	smul.u32 $0xF7A, s1;
	s8 =	simm.s32 @!p0 $0x1BF5;
	p2 =	por !p2, p0  }
0x20: {  	[sflag:s8] =	ssyncset.s32 @!p0 $0xFFFFF086;
	s6 =	sadd.s32 @!p0 s3, s7;
	s7 =	simm.s32 @!p0 $0x108  }
0x21: {  	s3 =	sadd.s32 s3, s9;
	s6 =	sadd.s32 @!p0 $0x88, s6;
	s7 =	simm.s32 @p2 $0x1082  }
0x22: {  	[simem:s7], [sflag:s8] =	dma.local @!p0 [hbm:s6], $0xF7A  }
0x23: {  	s9 =	sor.u32 $0xD0000000, s2;
	s6 =	simm.s32 $0x108;
	_ =	swait.ge @!p0 [sflag:s8], $0x0  }
0x24: {  	s3 =	sadd.s32 $0x88, s3;
	s6 =	simm.s32 @!p1 $0x1082;
	[sflag:s4] =	ssyncset.s32 $0xFFFFF086  }
0x25: {  	[simem:s6], [sflag:s4] =	dma.local [hbm:s3], $0xF7A  }
0x26: {  	[smem:$0x3F9A] =	sst s1;
	(tag) =	ssettag s2;
	_ =	strace s9  }
0x27: {  	s1 =	sld [smem:$0x3FAA]  }
0x28: {  	s2 =	sld [smem:$0x3FAB]  }
0x29: {  	s4 =	sld [smem:$0x3FAD]  }
0x2a: {  	p0 =	seq.s32 s5, $0x0;
	s5 =	sld [smem:$0x3FAE]  }
0x2b: {  	s6 =	sld [smem:$0x3FAF]  }
0x2c: {  	s7 =	sld [smem:$0x3FB0]  }
0x2d: {  	s3 =	simm.s32 $0x108;
	s8 =	sld [smem:$0x3FB1]  }
0x2e: {  	s3 =	simm.s32 @!p0 $0x1082;
	s9 =	sld [smem:$0x3FB2]  }
0x2f: {  	lr =	sadd.s32 s0, s3;
	s0 =	sld [smem:$0x3FA9]  }
0x30: {  	s3 =	sld [smem:$0x3FAC]  }
0x31: {  	[smem:$0x3FB5] =	sst s10  }
0x32: {  	s10 =	sld [smem:$0x3FB3];
	_ =	sdelay $0x3  }
0x33: {  	p0 =	seq.s32 s10, $0x1;
	s10 =	sld [smem:$0x3FB5];
	_ =	sdelay $0x3  }
0x34: {  	[smem:$0x3FB5] =	sst s10  }
0x35: {  	s10 =	sld [smem:$0x3FB4];
	_ =	sdelay $0x3  }
0x36: {  	p1 =	seq.s32 s10, $0x1;
	s10 =	sld [smem:$0x3FB5];
	_ =	sdelay $0x3  }
0x37: {  	[smem:$0x3FB5] =	sst s10  }
0x38: {  	s10 =	sld [smem:$0x3FB6]  }
0x39: {  	_ = 	snop;
	(pc) =	sbr.ind lr, $3  }
0x3a: {  	_ = 	snop  }
0x3b: {  	_ = 	snop  }
0x3c: {  	p2 =	seq.s32 s10, $0x1;
	s10 =	sld [smem:$0x3FB5]  }
0x3d: {  	_ =	shalt  }
0x3e: {  	_ =	shalt  }
0x3f: {  	_ =	shalt  }
0x40: {  	_ =	shalt  }
0x41: {  	_ =	shalt  }
0x42: {  	_ =	shalt  }
0x43: {  	_ =	shalt  }
0x44: {  	_ =	shalt  }
0x45: {  	_ =	shalt  }
0x46: {  	_ =	shalt  }
0x47: {  	_ =	shalt  }
0x48: {  	_ =	shalt  }
0x49: {  	_ =	shalt  }
0x4a: {  	_ =	shalt  }
0x4b: {  	_ =	shalt  }
0x4c: {  	_ =	shalt  }
0x4d: {  	_ =	shalt  }
0x4e: {  	_ =	shalt  }
0x4f: {  	_ =	shalt  }
0x50: {  	_ =	shalt  }
0x51: {  	_ =	shalt  }
0x52: {  	_ =	shalt  }
0x53: {  	_ =	shalt  }
0x54: {  	_ =	shalt  }
0x55: {  	_ =	shalt  }
0x56: {  	_ =	shalt  }
0x57: {  	_ =	shalt  }
0x58: {  	_ =	shalt  }
0x59: {  	_ =	shalt  }
0x5a: {  	_ =	shalt  }
0x5b: {  	_ =	shalt  }
0x5c: {  	_ =	shalt  }
0x5d: {  	_ =	shalt  }
0x5e: {  	_ =	shalt  }
0x5f: {  	_ =	shalt  }
0x60: {  	_ =	shalt  }
0x61: {  	_ =	shalt  }
0x62: {  	_ =	shalt  }
0x63: {  	_ =	shalt  }
0x64: {  	_ =	shalt  }
0x65: {  	_ =	shalt  }
0x66: {  	_ =	shalt  }
0x67: {  	_ =	shalt  }
0x68: {  	_ =	shalt  }
0x69: {  	_ =	shalt  }
0x6a: {  	_ =	shalt  }
0x6b: {  	_ =	shalt  }
0x6c: {  	_ =	shalt  }
0x6d: {  	_ =	shalt  }
0x6e: {  	_ =	shalt  }
0x6f: {  	_ =	shalt  }
0x70: {  	_ =	shalt  }
0x71: {  	_ =	shalt  }
0x72: {  	_ =	shalt  }
0x73: {  	_ =	shalt  }
0x74: {  	_ =	shalt  }
0x75: {  	_ =	shalt  }
0x76: {  	_ =	shalt  }
0x77: {  	_ =	shalt  }
0x78: {  	_ =	shalt  }
0x79: {  	_ =	shalt  }
0x7a: {  	_ =	shalt  }
0x7b: {  	_ =	shalt  }
0x7c: {  	_ =	shalt  }
0x7d: {  	_ =	shalt  }
0x7e: {  	_ =	shalt  }
0x7f: {  	_ =	shalt  }
0x80: {  	_ =	shalt  }
0x81: {  	_ =	shalt  }
0x82: {  	_ =	shalt  }
0x83: {  	_ =	shalt  }
0x84: {  	_ =	shalt  }
0x85: {  	_ =	shalt  }
0x86: {  	_ =	shalt  }
0x87: {  	_ =	shalt  }
.Lfunc_end0:
.L_simem_size_0:
called_computation_lowered:
.L_overlay_start_0:
0x88: {  	s2 =	sld [smem:$0x3FD9]  }
0x89: {  	s3 =	sld [smem:$0x3FFE];
	_ =	sdelay $0x1  }
0x8a: {  	s1 =	srdreg.scid  }
0x8b: {  	s0 =	sand.u32 $0x1, s1  }
0x8c: {  	s17 =	sshll.u32 s0, $0xA;
	s2 =	sadd.s32 s3, s2  }
0x8d: {  	s2 =	sadd.s32 s2, s17  }
0x8e: {  	[smem:$0x3FC1] =	sst s2  }
0x8f: {  	_ = 	snop  }
0x90: {  	s2 =	sld [smem:$0x3FC9]  }
0x91: {  	s18 =	sld [smem:$0x3FC7]  }
0x92: {  	s4 =	sld [smem:$0x3FC6]  }
0x93: {  	s5 =	sld [smem:$0x3FC5]  }
0x94: {  	s6 =	sld [smem:$0x3FC4]  }
0x95: {  	s7 =	sld [smem:$0x3FC3]  }
0x96: {  	s8 =	sld [smem:$0x3FD0];
	(tm) =	ssettm $0x1  }
0x97: {  	s9 =	sld [smem:$0x3FFB];
	_ =	sdelay $0x3  }
0x98: {  	_ =	strace s9  }
0x99: {  	s9 =	sld [smem:$0x3FFC];
	_ =	sdelay $0x3  }
0x9a: {  	_ =	strace s9  }
0x9b: {  	s9 =	sld [smem:$0x3FFD];
	_ =	sdelay $0x3  }
0x9c: {  	_ =	strace s9  }
0x9d: {  	_ =	strace $0x8FFFFFFF  }
0x9e: {  	s19 =	sld [smem:$0x3FDB];
	_ =	sdelay $0x1  }
0x9f: {  	s10 =	simm.s32 $_scs_section_size  }
0xa0: {  	s11 =	simm.s32 $_size__tile_overlayer_lowered;
	s12 =	simm.s32 $_tile_overlayer_lowered  }
0xa1: {  	s22 =	simm.s32 $0x1BFF;
	s21 =	sshll.u32 s12, $0x1;
	s9 =	sadd.s32 s10, s19  }
0xa2: {  	s13 =	simm.s32 $0x0;
	s20 =	sshll.u32 s11, $0x1;
	s11 =	sadd.s32 s21, s9  }
0xa3: {  	[timem:s13], [sflag:s22] =	dma.local [hbm:s11], s20  }
0xa4: {  	_ =	swait.ge [sflag:s22], s20  }
0xa5: {  	s10 =	ssub.s32 $0x0, s20;
	[sflag:s22] =	ssyncset.done $0x0  }
0xa6: {  	[sflag:s22] =	ssyncadd.s32 s10;
	_ =	sdelay $0x1  }
0xa7: {  	s23 =	simm.s32 $0x1B8B  }
0xa8: {  	_ =	swait.ge [sflag:s23], $0x1  }
0xa9: {  	[sflag:s23] =	ssyncset.done $0x0  }
0xaa: {  	s25 =	simm.s32 $0x1B8E;
	s24 =	sld [smem:$0x3FFE];
	[sflag:s23] =	ssyncadd.s32 $0xFFFFFFFF  }
0xab: {  	s26 =	simm.s32 $execute0_lowered;
	[smem:$0x3FD2] =	sst s25  }
0xac: {  	s11 =	sshll.u32 s26, $0x1;
	_ =	strace $0x80000046;
	[dreg:$0x1] =	wrdreg $0xFFFFFFFF  }
0xad: {  	s28 =	simm.s32 $_size_execute0_lowered;
	s9 =	sadd.s32 s9, s11;
	[dreg:$0x0] =	wrdreg $0x0  }
0xae: {  	s11 =	sshll.u32 s28, $0x1;
	[dreg:$0x2] =	wrdreg s9  }
0xaf: {  	[dreg:$0x3] =	wrdreg s11  }
0xb0: {  	[dreg:$0x4] =	wrdreg $0xC0  }
0xb1: {  	_ =	task [dreg:s13], $0x5FFFF  }
0xb2: {  	[dreg:$0x1] =	wrdreg $0xFFFFFFFF  }
0xb3: {  	[dreg:$0x0] =	wrdreg $0x60  }
0xb4: {  	[dreg:$0x2] =	wrdreg s2  }
0xb5: {  	[dreg:$0x3] =	wrdreg s24  }
0xb6: {  	[dreg:$0x4] =	wrdreg s18  }
0xb7: {  	[dreg:$0x5] =	wrdreg s4  }
0xb8: {  	[dreg:$0x6] =	wrdreg s5  }
0xb9: {  	[dreg:$0x7] =	wrdreg s6  }
0xba: {  	[dreg:$0x8] =	wrdreg s7  }
0xbb: {  	[dreg:$0x9] =	wrdreg s8  }
0xbc: {  	[dreg:$0xa] =	wrdreg $0x9  }
0xbd: {  	_ =	task.clear_ibuf [dreg:s13], $0xBFFFF;
	_ =	strace $0x90000046  }
0xbe: {  	s29 =	simm.s32 $0x9;
	_ =	strace $0x80000048  }
0xbf: {  	_ =	swait.ge [sflag:s29], $0x1  }
0xc0: {  	[sflag:s29] =	ssyncadd.s32 $0xFFFFFFFF  }
0xc1: {  	_ =	strace $0x90000048  }
0xc2: {  	_ =	sfence  }
0xc3: {  	s30 =	sld [smem:$0x0];
	_ =	sdelay $0x2  }
0xc4: {  	s31 =	sshll.u32 s1, $0xD;
	s1 =	sshrl.u32 s1, $0x2  }
0xc5: {  	s3 =	sand.u32 $0x4000, s31;
	s1 =	sadd.s32 s1, s30  }
0xc6: {  	s0 =	sor.u32 s3, s0;
	s1 =	sshll.u32 s1, $0x11  }
0xc7: {  	s0 =	sor.u32 s1, s0  }
0xc8: {  	s0 =	sadd.s32 $0x8F2B, s0  }
0xc9: {  	[sflag:s0] =	ssyncadd.remote.s32 $0x1  }
0xca: {  	_ =	sfence.sel $0xFFFF  }
0xcb: {  	[dreg:$0x0] =	wrdreg $0xFFFFFFFF;
	(pc) =	sbr.abs _section_cstart, $3  }
0xcc: {  	[dreg:$0x1] =	wrdreg $0xFFFFFFFF  }
0xcd: {  	_ =	task.clear_ibuf [dreg:s13], $0x2FFFF;
	_ =	strace $0x9FFFFFFF  }
0xce: {  	(tm) =	ssettm $0x7FFFFFFF  }
0xcf: {  	_ =	shalt  }
tec
execute0_lowered:
.L_overlay_start_1:
0x0: {  	(tag) =	ssettag $0x1  }
0x1: {  	s0 =	rddreg [dreg:$0x0]  }
0x2: {  	s1 =	rddreg [dreg:$0x1]  }
0x3: {  	s8 =	rddreg [dreg:$0x2]  }
0x4: {  	s2 =	rddreg [dreg:$0x3]  }
0x5: {  	s3 =	srdreg.scid;
	s4 =	stileid.u32  }
0x6: {  	s6 =	simm.s32 $0x0;
	s31 =	simm.s32 $0x1;
	s3 =	sand.u32 $0x1, s3  }
0x7: {  	s4 =	sshll.u32 s4, $0x7;
	[smem:$0x7FF] =	sst s6;
	s19 =	sadd.s32 $0x100, s8  }
0x8: {  	s21 =	sadd.s32 $0x200, s8;
	s5 =	sshll.u32 s3, $0x6;
	_ =	strace $0x80000047  }
0x9: {  	s3 =	ssub.s32 $0x2, s3;
	[smem:$0x7F2] =	sst s19;
	s9 =	sor.u32 s5, s4  }
0xa: {  	[smem:$0x7F3] =	sst s21;
	s7 =	sshrl.u32 s3, $0x1;
	s4 =	sshll.u32 s9, $0x2  }
0xb: {  	[dreg:$0xa] =	wrdreg s31;
	s3 =	ssub.s32 s3, s7;
	s17 =	sand.u32 $0x1E00, s4  }
0xc: {  	[smem:$0x7F6] =	sst s9;
	s4 =	sor.u32 s5, s4;
	s6 =	sor.u32 s5, s17  }
0xd: {  	s30 =	smax.u32 s3, $0x1;
	s4 =	sshrl.u32 s4, $0x3;
	s6 =	sshrl.u32 s6, $0x3  }
0xe: {  	[smem:$0x7FD] =	sst s30;
	s23 =	sor.u32 $0x20, s4;
	s18 =	sadd.s32 s0, s6  }
0xf: {  	s1 =	sadd.s32 $0x400, s1;
	s24 =	sadd.s32 s0, s23;
	[smem:$0x7F1] =	sst s18  }
0x10: {  	s26 =	sadd.s32 s1, s6;
	[smem:$0x7F5] =	sst s24  }
0x11: {  	s20 =	sor.u32 $0x10, s6;
	s29 =	sadd.s32 s1, s23;
	[smem:$0x7F8] =	sst s26  }
0x12: {  	s4 =	sor.u32 $0x30, s4;
	s22 =	sadd.s32 s0, s20;
	[smem:$0x7FA] =	sst s29  }
0x13: {  	s25 =	sshrl.u32 s9, $0x3;
	s0 =	sadd.s32 s0, s4;
	[smem:$0x7F4] =	sst s22  }
0x14: {  	s28 =	smul.u32 $0x300, s25;
	s5 =	sadd.s32 s1, s20;
	[smem:$0x7F7] =	sst s0  }
0x15: {  	v2 =	vlaneseq.u32;
	s1 =	sadd.s32 s1, s4;
	[smem:$0x7F9] =	sst s5  }
0x16: {  	vm0 =	vmmov $0xffff;
	v1 =	vshrl.u32 v2, $0x3;
	[smem:$0x7FB] =	sst s1;
	s0 =	sadd.s32 s2, s28  }
0x17: {  	v0 =	vand.u32 $0x7, v2;
	v2 =	vor.u32 $0x8, v2;
	v1 =	vmul.u32 $0x8, v1;
	s2 =	simm.s32 $0x0;
	[smem:$0x7FC] =	sst s0  }
.LBB2_1:
0x18: {  	s0 =	sld [smem:$0x7F1]  }
0x19: {  	[smem:$0x7F0] =	sst s2  }
0x1a: {  	s5 =	simm.s32 $0x0;
	s1 =	simm.s32 $0x1A700;
	s4 =	simm.s32 $0x9  }
0x1b: {  	[tilespmem:s1], [sflag:$0x9] =	stream.linear.gather [hbm4b:s0+s5], $0x40, $0x38;
	[tilespmem:$0x1AB00] =	vst v63  }
0x1c: {  	_ =	swait.ge [sflag:s4], $0x40  }
0x1d: {  	[sflag:s4] =	ssyncset.done $0x0  }
0x1e: {  	[sflag:s4] =	ssyncadd.s32 $0xFFFFFFC0  }
0x1f: {  	v3 =	vld [tilespmem:$0x1A700];
	_ =	sdelay $0x4  }
0x20: {  	v4 =	vshrl.u32 v3, $0x3  }
0x21: {  	v4 =	vmul.u32 $0x30, v4  }
0x22: {  	v3 =	vand.u32 $0x7, v3  }
0x23: {  	v3 =	vor.u32 v3, v4  }
0x24: {  	v4 =	vperm.xlane v3, v0;
	_ =	sdelay $0x1  }
0x25: {  	v4 =	vadd.s32 v1, v4;
	_ =	sdelay $0x2  }
0x26: {  	s15 =	sld [smem:$0x7F2]  }
0x27: {  	s14 =	simm.s32 $0xC000;
	s13 =	rddreg [dreg:$0x2];
	v3 =	vperm.xlane v3, v2  }
0x28: {  	[tilespmem:s14], [sflag:$0x1] =	stream.indirect_vreg.gather [hbm4b:s13+s5], $0x80, v4, vm0, $0xb8;
	[tilespmem:$0x1AB00] =	vst v63  }
0x29: {  	s16 =	simm.s32 $0xC800;
	s17 =	sld [smem:$0x7F3];
	v3 =	vadd.s32 v1, v3  }
0x2a: {  	[tilespmem:s16], [sflag:$0x1] =	stream.indirect_vreg.gather [hbm4b:s15+s5], $0x80, v4, vm0, $0xb8;
	[tilespmem:$0x1AB00] =	vst v63  }
0x2b: {  	s3 =	simm.s32 $0xD000  }
0x2c: {  	[tilespmem:s3], [sflag:$0x1] =	stream.indirect_vreg.gather [hbm4b:s17+s5], $0x80, v4, vm0, $0xb8;
	[tilespmem:$0x1AB00] =	vst v63  }
0x2d: {  	s18 =	simm.s32 $0xD800  }
0x2e: {  	[tilespmem:s18], [sflag:$0x1] =	stream.indirect_vreg.gather [hbm4b:s13+s5], $0x80, v3, vm0, $0xb8;
	[tilespmem:$0x1AB00] =	vst v63  }
0x2f: {  	s19 =	simm.s32 $0xE000  }
0x30: {  	[tilespmem:s19], [sflag:$0x1] =	stream.indirect_vreg.gather [hbm4b:s15+s5], $0x80, v3, vm0, $0xb8;
	[tilespmem:$0x1AB00] =	vst v63  }
0x31: {  	s20 =	simm.s32 $0xE800  }
0x32: {  	[tilespmem:s20], [sflag:$0x1] =	stream.indirect_vreg.gather [hbm4b:s17+s5], $0x80, v3, vm0, $0xb8;
	[tilespmem:$0x1AB00] =	vst v63  }
0x33: {  	v3 =	vld [tilespmem:$0x1A710];
	_ =	sdelay $0x4  }
0x34: {  	v4 =	vshrl.u32 v3, $0x3  }
0x35: {  	v4 =	vmul.u32 $0x30, v4  }
0x36: {  	v3 =	vand.u32 $0x7, v3  }
0x37: {  	v3 =	vor.u32 v3, v4  }
0x38: {  	v4 =	vperm.xlane v3, v0;
	_ =	sdelay $0x1  }
0x39: {  	v4 =	vadd.s32 v1, v4;
	_ =	sdelay $0x3  }
0x3a: {  	s21 =	simm.s32 $0xF000;
	v3 =	vperm.xlane v3, v2  }
0x3b: {  	[tilespmem:s21], [sflag:$0x2] =	stream.indirect_vreg.gather [hbm4b:s13+s5], $0x80, v4, vm0, $0xb8;
	[tilespmem:$0x1AB00] =	vst v63  }
0x3c: {  	s22 =	simm.s32 $0xF800;
	v3 =	vadd.s32 v1, v3  }
0x3d: {  	[tilespmem:s22], [sflag:$0x2] =	stream.indirect_vreg.gather [hbm4b:s15+s5], $0x80, v4, vm0, $0xb8;
	[tilespmem:$0x1AB00] =	vst v63  }
0x3e: {  	s23 =	simm.s32 $0x10000  }
0x3f: {  	[tilespmem:s23], [sflag:$0x2] =	stream.indirect_vreg.gather [hbm4b:s17+s5], $0x80, v4, vm0, $0xb8;
	[tilespmem:$0x1AB00] =	vst v63  }
0x40: {  	s24 =	simm.s32 $0x10800  }
0x41: {  	[tilespmem:s24], [sflag:$0x2] =	stream.indirect_vreg.gather [hbm4b:s13+s5], $0x80, v3, vm0, $0xb8;
	[tilespmem:$0x1AB00] =	vst v63  }
0x42: {  	s25 =	simm.s32 $0x11000  }
0x43: {  	[tilespmem:s25], [sflag:$0x2] =	stream.indirect_vreg.gather [hbm4b:s15+s5], $0x80, v3, vm0, $0xb8;
	[tilespmem:$0x1AB00] =	vst v63  }
0x44: {  	s26 =	simm.s32 $0x11800;
	s28 =	sld [smem:$0x7F4]  }
0x45: {  	[tilespmem:s26], [sflag:$0x2] =	stream.indirect_vreg.gather [hbm4b:s17+s5], $0x80, v3, vm0, $0xb8;
	[tilespmem:$0x1AB00] =	vst v63  }
0x46: {  	s29 =	simm.s32 $0x1A780  }
0x47: {  	[tilespmem:s29], [sflag:$0x9] =	stream.linear.gather [hbm4b:s28+s5], $0x40, $0x38;
	[tilespmem:$0x1AB00] =	vst v63  }
0x48: {  	_ =	swait.ge [sflag:s4], $0x40  }
0x49: {  	s30 =	sld [smem:$0x7F5]  }
0x4a: {  	[sflag:s4] =	ssyncset.done $0x0  }
0x4b: {  	s31 =	simm.s32 $0x1A800;
	[sflag:s4] =	ssyncadd.s32 $0xFFFFFFC0  }
0x4c: {  	[tilespmem:s31], [sflag:$0x9] =	stream.linear.gather [hbm4b:s30+s5], $0x40, $0x38;
	[tilespmem:$0x1AB00] =	vst v63  }
0x4d: {  	_ =	swait.ge [sflag:s4], $0x40  }
0x4e: {  	s2 =	sld [smem:$0x7F7]  }
0x4f: {  	[sflag:s4] =	ssyncset.done $0x0  }
0x50: {  	s3 =	simm.s32 $0x1A880;
	[sflag:s4] =	ssyncadd.s32 $0xFFFFFFC0  }
0x51: {  	[tilespmem:s3], [sflag:$0x9] =	stream.linear.gather [hbm4b:s2+s5], $0x40, $0x38;
	[tilespmem:$0x1AB00] =	vst v63  }
0x52: {  	_ =	swait.ge [sflag:s4], $0x40  }
0x53: {  	s6 =	sld [smem:$0x7F8]  }
0x54: {  	[sflag:s4] =	ssyncset.done $0x0  }
0x55: {  	s7 =	simm.s32 $0x1A900;
	[sflag:s4] =	ssyncadd.s32 $0xFFFFFFC0  }
0x56: {  	[tilespmem:s7], [sflag:$0x9] =	stream.linear.gather [hbm4b:s6+s5], $0x40, $0x38;
	[tilespmem:$0x1AB00] =	vst v63  }
0x57: {  	_ =	swait.ge [sflag:s4], $0x40  }
0x58: {  	s8 =	sld [smem:$0x7F9]  }
0x59: {  	[sflag:s4] =	ssyncset.done $0x0  }
0x5a: {  	s9 =	simm.s32 $0x1A980;
	[sflag:s4] =	ssyncadd.s32 $0xFFFFFFC0  }
0x5b: {  	[tilespmem:s9], [sflag:$0x9] =	stream.linear.gather [hbm4b:s8+s5], $0x40, $0x38;
	[tilespmem:$0x1AB00] =	vst v63  }
0x5c: {  	_ =	swait.ge [sflag:s4], $0x40  }
0x5d: {  	s10 =	sld [smem:$0x7FA]  }
0x5e: {  	[sflag:s4] =	ssyncset.done $0x0  }
0x5f: {  	s11 =	simm.s32 $0x1AA00;
	[sflag:s4] =	ssyncadd.s32 $0xFFFFFFC0  }
0x60: {  	[tilespmem:s11], [sflag:$0x9] =	stream.linear.gather [hbm4b:s10+s5], $0x40, $0x38;
	[tilespmem:$0x1AB00] =	vst v63  }
0x61: {  	_ =	swait.ge [sflag:s4], $0x40  }
0x62: {  	s12 =	sld [smem:$0x7FB]  }
0x63: {  	[sflag:s4] =	ssyncset.done $0x0  }
0x64: {  	s13 =	simm.s32 $0x1AA80;
	[sflag:s4] =	ssyncadd.s32 $0xFFFFFFC0  }
0x65: {  	[tilespmem:s13], [sflag:$0x9] =	stream.linear.gather [hbm4b:s12+s5], $0x40, $0x38;
	[tilespmem:$0x1AB00] =	vst v63  }
0x66: {  	_ =	swait.ge [sflag:s4], $0x40  }
0x67: {  	s14 =	sld [smem:$0x7FC]  }
0x68: {  	[sflag:s4] =	ssyncset.done $0x0  }
0x69: {  	[sflag:s4] =	ssyncadd.s32 $0xFFFFFFC0  }
0x6a: {  	[tilespmem:s5], [sflag:$0x9] =	stream.linear.gather [hbm4b:s14+s5], $0xC000, $0x38;
	[tilespmem:$0x1AB00] =	vst v63  }
0x6b: {  	_ =	swait.ge [sflag:s4], $0xC000  }
0x6c: {  	[sflag:s4] =	ssyncset.done $0x0  }
0x6d: {  	[sflag:s4] =	ssyncadd.s32 $0xFFFF4000  }
0x6e: {  	s16 =	simm.s32 $0x19E00;
	s15 =	rddreg [dreg:$0x4]  }
0x6f: {  	[tilespmem:s16], [sflag:$0x9] =	stream.linear.gather [hbm4b:s15+s5], $0x600, $0x38;
	[tilespmem:$0x1AB00] =	vst v63  }
0x70: {  	_ =	swait.ge [sflag:s4], $0x600  }
0x71: {  	[sflag:s4] =	ssyncset.done $0x0  }
0x72: {  	[sflag:s4] =	ssyncadd.s32 $0xFFFFFA00  }
0x73: {  	s18 =	simm.s32 $0x19800;
	s17 =	rddreg [dreg:$0x5]  }
0x74: {  	[tilespmem:s18], [sflag:$0x9] =	stream.linear.gather [hbm4b:s17+s5], $0x300, $0x38;
	[tilespmem:$0x1AB00] =	vst v63  }
0x75: {  	_ =	swait.ge [sflag:s4], $0x300  }
0x76: {  	[sflag:s4] =	ssyncset.done $0x0  }
0x77: {  	[sflag:s4] =	ssyncadd.s32 $0xFFFFFD00  }
0x78: {  	s20 =	simm.s32 $0x19B00;
	s19 =	rddreg [dreg:$0x6]  }
0x79: {  	[tilespmem:s20], [sflag:$0x9] =	stream.linear.gather [hbm4b:s19+s5], $0x300, $0x38;
	[tilespmem:$0x1AB00] =	vst v63  }
0x7a: {  	s21 =	sand.u32 $0x40, s5;
	s22 =	sand.u32 $0x700, s5;
	_ =	swait.ge [sflag:s4], $0x300  }
0x7b: {  	s1 =	sadd.s32 $0x19E00, s22;
	s23 =	sor.u32 $0x30, s21;
	[sflag:s4] =	ssyncset.done $0x0  }
0x7c: {  	s24 =	sor.u32 s23, s1;
	[sflag:s4] =	ssyncadd.s32 $0xFFFFFD00  }
0x7d: {  	v3 =	vld [tilespmem:s24+$0x80]  }
0x7e: {  	s25 =	sor.u32 s21, s1;
	v4 =	vld [tilespmem:s24+$0x0]  }
0x7f: {  	s6 =	sor.u32 $0x10, s21;
	v5 =	vld [tilespmem:s25+$0x80]  }
0x80: {  	s26 =	sor.u32 s6, s1;
	v6 =	vld [tilespmem:s25+$0x0]  }
0x81: {  	s28 =	simm.s32 $0x80;
	s7 =	sor.u32 $0x20, s21;
	s10 =	simm.s32 $0x40;
	v7 =	vld [tilespmem:s26+$0x80]  }
0x82: {  	s0 =	sand.u32 $0x700, s28;
	s1 =	sor.u32 s7, s1;
	s29 =	sand.u32 $0x40, s10;
	v8 =	vld [tilespmem:s26+$0x0]  }
0x83: {  	s9 =	sadd.s32 $0x19E00, s0;
	s2 =	sor.u32 $0x30, s29;
	v9 =	vld [tilespmem:s1+$0x80]  }
0x84: {  	s30 =	sor.u32 s2, s9;
	s5 =	sand.u32 $0x380, s5;
	v10 =	vld [tilespmem:s1+$0x0]  }
0x85: {  	s10 =	sand.u32 $0x380, s10;
	s0 =	sor.u32 $0x20, s29;
	s11 =	sor.u32 $0x1A400, s5;
	v4 =	vsub.f32 v3, v4;
	v3 =	vld [tilespmem:s30+$0x80]  }
0x86: {  	s12 =	simm.s32 $0x1A400;
	s13 =	sor.u32 s29, s9;
	s3 =	sor.u32 s23, s11;
	v5 =	vsub.f32 v5, v6;
	v6 =	vld [tilespmem:s30+$0x0]  }
0x87: {  	s5 =	sor.u32 s0, s9;
	s31 =	sor.u32 s6, s11;
	s1 =	sor.u32 $0x10, s29;
	v8 =	vsub.f32 v7, v8;
	v7 =	vld [tilespmem:s13+$0x0];
	[tilespmem:s3+$0x0] =	vst v4  }
0x88: {  	s6 =	simm.s32 $0x100;
	s4 =	simm.s32 $0x4;
	s8 =	sor.u32 s1, s9;
	v4 =	vld [tilespmem:s13+$0x80];
	[tilespmem:s12+$0x0] =	vst v5  }
0x89: {  	s9 =	sor.u32 s7, s11;
	s7 =	simm.s32 $0x80;
	s3 =	simm.s32 $0x1A440;
	v5 =	vld [tilespmem:s8+$0x80];
	[tilespmem:s31+$0x0] =	vst v8;
	v8 =	vsub.f32 v9, v10  }
.LBB2_2:
0x8a: {  	s11 =	sand.u32 $0x40, s7  }
0x8b: {  	s12 =	sand.u32 $0x700, s6;
	v9 =	vld [tilespmem:s8+$0x0];
	s10 =	sor.u32 $0x1A400, s10;
	s4 =	sadd.s32 $0x4, s4  }
0x8c: {  	s12 =	sadd.s32 $0x19E00, s12;
	s13 =	sor.u32 $0x30, s11;
	v10 =	vld [tilespmem:s5+$0x80];
	v6 =	vsub.f32 v3, v6;
	[tilespmem:s9+$0x0] =	vst v8;
	p0 =	slt.u32 s4, $0x2C  }
0x8d: {  	s2 =	sor.u32 s2, s10;
	s15 =	sor.u32 $0x10, s11;
	s9 =	sor.u32 s13, s12;
	v8 =	vld [tilespmem:s5+$0x0]  }
.Ltmp0:
0x8e: {  	s14 =	sor.u32 s11, s12;
	s11 =	sor.u32 $0x20, s11;
	v3 =	vld [tilespmem:s9+$0x80];
	v7 =	vsub.f32 v4, v7;
	[tilespmem:s2+$0x0] =	vst v6;
	(pc) =	sbr.rel @p0 .LBB2_2-.Ltmp0, $4  }
0x8f: {  	s8 =	sor.u32 s15, s12;
	s5 =	sor.u32 s11, s12;
	s12 =	sor.u32 s1, s10;
	v6 =	vld [tilespmem:s9+$0x0]  }
0x90: {  	s2 =	smov.u32 s13;
	s1 =	smov.u32 s15;
	s9 =	sor.u32 s0, s10;
	v4 =	vld [tilespmem:s14+$0x80];
	[tilespmem:s3+$0x0] =	vst v7;
	v9 =	vsub.f32 v5, v9  }
0x91: {  	s13 =	simm.s32 $0x0;
	s0 =	smov.u32 s11;
	s3 =	sadd.s32 $0x40, s3;
	v7 =	vld [tilespmem:s14+$0x0]  }
0x92: {  	s6 =	sadd.s32 $0x80, s6;
	s10 =	sand.u32 $0x380, s7;
	s7 =	sadd.s32 $0x40, s7;
	v5 =	vld [tilespmem:s8+$0x80];
	[tilespmem:s12+$0x0] =	vst v9;
	v8 =	vsub.f32 v10, v8  }
0x93: {  	v9 =	vld [tilespmem:s8+$0x0]  }
0x94: {  	v10 =	vld [tilespmem:s5+$0x80]  }
0x95: {  	v11 =	vld [tilespmem:s5+$0x0];
	_ =	sdelay $0x1  }
0x96: {  	s4 =	sor.u32 $0x1A400, s10;
	v3 =	vsub.f32 v3, v6  }
0x97: {  	[tilespmem:s9+$0x0] =	vst v8;
	s2 =	sor.u32 s2, s4;
	v4 =	vsub.f32 v4, v7  }
0x98: {  	[tilespmem:s2+$0x0] =	vst v3;
	v3 =	vsub.f32 v5, v9  }
0x99: {  	s1 =	sor.u32 s1, s4;
	[tilespmem:s3+$0x0] =	vst v4;
	v63 =	vsub.f32 v10, v11  }
0x9a: {  	s0 =	sor.u32 s0, s4;
	[tilespmem:s1+$0x0] =	vst v3  }
0x9b: {  	[tilespmem:s0+$0x0] =	vst v63  }
.LBB2_4:
0x9c: {  	p0 =	sgt.u32 s13, $0xD  }
0x9d: {  	s0 =	sadd.s32 @!p0 $0x2, s13;
	p1 =	slt.u32 @!p0 s13, $0x2  }
0x9e: {  	s1 =	sand.u32 @!p0 $0x3, s0;
	p1 =	por p1, p0  }
0x9f: {  	s2 =	sadd.s32 @!p1 $0x5, s1  }
0xa0: {  	s0 =	sshll.u32 @!p0 s0, $0x5;
	_ =	swait.ge @!p1 [sflag:s2], $0x3000  }
0xa1: {  	s0 =	sand.u32 @!p0 $0x380, s0;
	s3 =	sshll.u32 @!p0 s1, $0x4;
	[sflag:s2] =	ssyncset.done @!p1 $0x0  }
0xa2: {  	s0 =	sor.u32 @!p0 s3, s0;
	[sflag:s2] =	ssyncadd.s32 @!p1 $0xFFFFD000  }
0xa3: {  	v3 =	vld @!p0 [tilespmem:s0+$0x1A700];
	_ =	sdelay $0x4  }
0xa4: {  	v4 =	vshrl.u32 @!p0 v3, $0x3  }
0xa5: {  	v4 =	vmul.u32 @!p0 $0x30, v4  }
0xa6: {  	v5 =	vlaneseq.u32 @!p0;
	v3 =	vand.u32 @!p0 $0x7, v3  }
0xa7: {  	v6 =	vshrl.u32 @!p0 v5, $0x3;
	v3 =	vor.u32 @!p0 v3, v4;
	v4 =	vand.u32 @!p0 $0x7, v5  }
0xa8: {  	v6 =	vmul.u32 @!p0 $0x8, v6;
	v4 =	vperm.xlane @!p0 v3, v4;
	_ =	sdelay $0x1  }
0xa9: {  	v4 =	vadd.s32 @!p0 v6, v4  }
0xaa: {  	s0 =	smul.u32 @!p0 $0xC000, s1;
	_ =	sdelay $0x1  }
0xab: {  	s3 =	simm.s32 @!p0 $0x0;
	s5 =	sld [smem:$0x7F2];
	s0 =	sshrl.u32 @!p0 s0, $0x2;
	v5 =	vor.u32 @!p0 $0x8, v5  }
0xac: {  	vm1 =	vmmov @!p0 $0xffff;
	s1 =	sadd.s32 @!p0 $0x1, s1;
	s4 =	rddreg [dreg:$0x2];
	s2 =	sadd.s32 @!p0 $0xC000, s0;
	v3 =	vperm.xlane @!p0 v3, v5  }
0xad: {  	[tilespmem:s2], [sflag:s1] =	stream.indirect_vreg.gather @!p0 [hbm4b:s4+s3], $0x80, v4, vm1, $0xb8;
	[tilespmem:$0x1AB00] =	vst v63  }
0xae: {  	s6 =	sld [smem:$0x7F3];
	v3 =	vadd.s32 @!p0 v6, v3;
	s2 =	sadd.s32 @!p0 $0xC800, s0  }
0xaf: {  	[tilespmem:s2], [sflag:s1] =	stream.indirect_vreg.gather @!p0 [hbm4b:s5+s3], $0x80, v4, vm1, $0xb8;
	[tilespmem:$0x1AB00] =	vst v63  }
0xb0: {  	s2 =	sadd.s32 @!p0 $0xD000, s0  }
0xb1: {  	[tilespmem:s2], [sflag:s1] =	stream.indirect_vreg.gather @!p0 [hbm4b:s6+s3], $0x80, v4, vm1, $0xb8;
	[tilespmem:$0x1AB00] =	vst v63  }
0xb2: {  	s2 =	sadd.s32 @!p0 $0xD800, s0  }
0xb3: {  	[tilespmem:s2], [sflag:s1] =	stream.indirect_vreg.gather @!p0 [hbm4b:s4+s3], $0x80, v3, vm1, $0xb8;
	[tilespmem:$0x1AB00] =	vst v63  }
0xb4: {  	s25 =	sand.u32 $0x3, s13;
	s2 =	sadd.s32 @!p0 $0xE000, s0  }
0xb5: {  	[tilespmem:s2], [sflag:s1] =	stream.indirect_vreg.gather @!p0 [hbm4b:s5+s3], $0x80, v3, vm1, $0xb8;
	[tilespmem:$0x1AB00] =	vst v63  }
0xb6: {  	s26 =	sadd.s32 $0x1, s25;
	s0 =	sadd.s32 @!p0 $0xE800, s0  }
0xb7: {  	[tilespmem:s0], [sflag:s1] =	stream.indirect_vreg.gather @!p0 [hbm4b:s6+s3], $0x80, v3, vm1, $0xb8;
	[tilespmem:$0x1AB00] =	vst v63  }
0xb8: {  	_ =	swait.ge [sflag:s26], $0x3000  }
0xb9: {  	s28 =	sshll.u32 s25, $0x4;
	[smem:$0x7EB] =	sst s25  }
0xba: {  	s29 =	sshll.u32 s13, $0x5;
	s30 =	sshrl.u32 s13, $0x2;
	[smem:$0x7EC] =	sst s28  }
0xbb: {  	s31 =	sand.u32 $0x3FFFFF80, s29;
	p1 =	por $0x1, $0x1;
	[smem:$0x7ED] =	sst s13  }
0xbc: {  	s0 =	sadd.s32 $0x1A900, s31;
	[sflag:s26] =	ssyncset.done $0x0;
	[smem:$0x7EE] =	sst s30  }
0xbd: {  	[smem:$0x7EF] =	sst s0;
	s0 =	simm.s32 $0x0;
	[sflag:s26] =	ssyncadd.s32 $0xFFFFD000  }
.LBB2_5:
0xbe: {  	s1 =	sld [smem:$0x7EC]  }
0xbf: {  	s17 =	sld [smem:$0x7EF];
	_ =	sdelay $0x1  }
0xc0: {  	s0 =	sor.u32 s1, s0  }
0xc1: {  	s1 =	sadd.s32 s0, s17  }
0xc2: {  	v5 =	vld.msk [tilespmem:s1+$0x0 ss:$0x0], $0xffff  }
0xc3: {  	v6 =	vld.msk [tilespmem:s1+$0x1 ss:$0x0], $0xffff  }
0xc4: {  	v8 =	vld.msk [tilespmem:s1+$0x2 ss:$0x0], $0xffff  }
0xc5: {  	v9 =	vld.msk [tilespmem:s1+$0x3 ss:$0x0], $0xffff  }
0xc6: {  	s9 =	sshrl.u32 s0, $0x3;
	v10 =	vld.msk [tilespmem:s1+$0x4 ss:$0x0], $0xffff  }
0xc7: {  	s12 =	simm.s32 $0x0;
	s14 =	simm.s32 $0x1A400;
	s0 =	smul.u32 $0x1800, s9;
	v11 =	vld.msk [tilespmem:s1+$0x5 ss:$0x0], $0xffff  }
0xc8: {  	s2 =	sand.u32 $0x1C00, s12;
	s3 =	sand.u32 $0x40, s12;
	s4 =	sand.u32 $0x380, s12;
	v12 =	vld.msk [tilespmem:s1+$0x6 ss:$0x0], $0xffff  }
0xc9: {  	s5 =	sor.u32 $0x10, s3;
	s4 =	sor.u32 $0x1A400, s4;
	v3 =	vld.msk [tilespmem:s1+$0x7 ss:$0x0], $0xffff;
	[dreg:$0x9] =	wrdreg s0  }
0xca: {  	s6 =	sor.u32 $0x20, s3;
	s7 =	sshrl.u32 s2, $0x2;
	s8 =	sor.u32 s5, s4;
	v13 =	vld [tilespmem:s14+$0x0]  }
0xcb: {  	s7 =	sadd.s32 $0x19E00, s7;
	s10 =	sor.u32 s6, s4;
	v20 =	vld [tilespmem:s8+$0x0]  }
0xcc: {  	s18 =	sor.u32 s5, s7;
	v7 =	vld [tilespmem:s10+$0x0]  }
0xcd: {  	s19 =	sor.u32 s3, s7;
	s0 =	rddreg [dreg:$0x9];
	v16 =	vld [tilespmem:s18+$0x0]  }
0xce: {  	s20 =	sor.u32 s6, s7;
	v15 =	vld [tilespmem:s19+$0x0];
	s0 =	sadd.s32 s0, s2  }
0xcf: {  	v4 =	vld [tilespmem:s20+$0x0];
	s13 =	sor.u32 s5, s0  }
0xd0: {  	v17 =	vld [tilespmem:s13+$0xC000]  }
0xd1: {  	s1 =	sor.u32 s3, s0;
	v18 =	vld [tilespmem:s13+$0x0]  }
0xd2: {  	s21 =	sor.u32 $0x30, s3;
	v14 =	vld [tilespmem:s1+$0xC000]  }
0xd3: {  	s4 =	sor.u32 s21, s4;
	v19 =	vld [tilespmem:s1+$0x0]  }
0xd4: {  	s7 =	sor.u32 s21, s7;
	v23 =	vld [tilespmem:s4+$0x0];
	v21 =	vmul.f32 v20, v5  }
0xd5: {  	v22 =	vld [tilespmem:s7+$0x0];
	s17 =	sor.u32 s6, s0  }
0xd6: {  	v24 =	vld [tilespmem:s17+$0x0];
	v21 =	vadd.f32 v21, v16;
	v17 =	vadd.f32 v18, v17  }
0xd7: {  	s18 =	sor.u32 s21, s0;
	v25 =	vld [tilespmem:s17+$0xC000];
	v18 =	vmul.f32 v13, v5  }
0xd8: {  	s2 =	sor.u32 $0x18000, s2;
	v14 =	vadd.f32 v19, v14;
	v19 =	vld [tilespmem:s18+$0xC000];
	v17 =	vadd.f32 v17, v21  }
0xd9: {  	s15 =	sor.u32 s5, s2;
	v21 =	vld [tilespmem:s18+$0x0];
	v18 =	vadd.f32 v18, v15  }
0xda: {  	v26 =	vmul.f32 v7, v5;
	[tilespmem:s15+$0x0] =	vst v17  }
0xdb: {  	s22 =	sor.u32 $0x80, s13;
	v27 =	vmul.f32 v23, v5;
	v18 =	vadd.f32 v14, v18;
	v14 =	vld [tilespmem:s13+$0xC080]  }
0xdc: {  	s29 =	sor.u32 s3, s2;
	v26 =	vadd.f32 v26, v4;
	v24 =	vadd.f32 v24, v25;
	v25 =	vld [tilespmem:s22+$0x0]  }
0xdd: {  	s23 =	sor.u32 $0x80, s1;
	v27 =	vadd.f32 v27, v22;
	[tilespmem:s29+$0x0] =	vst v18  }
0xde: {  	v26 =	vadd.f32 v24, v26;
	v24 =	vld [tilespmem:s23+$0x0];
	v19 =	vadd.f32 v21, v19  }
0xdf: {  	v21 =	vmul.f32 v20, v6;
	v28 =	vld [tilespmem:s1+$0xC080]  }
0xe0: {  	s16 =	sor.u32 s6, s2;
	v19 =	vadd.f32 v19, v27  }
0xe1: {  	[tilespmem:s16+$0x0] =	vst v26;
	v21 =	vadd.f32 v21, v16;
	v14 =	vadd.f32 v25, v14  }
0xe2: {  	s28 =	sor.u32 s21, s2;
	s24 =	sor.u32 $0x80, s17;
	v29 =	vmul.f32 v13, v6;
	v27 =	vld [tilespmem:s17+$0xC080]  }
0xe3: {  	v25 =	vld [tilespmem:s24+$0x0];
	[tilespmem:s28+$0x0] =	vst v19;
	v30 =	vadd.f32 v14, v21  }
0xe4: {  	s25 =	sor.u32 $0x80, s18;
	v21 =	vld [tilespmem:s18+$0xC080];
	v14 =	vadd.f32 v24, v28;
	v24 =	vadd.f32 v29, v15  }
0xe5: {  	v31 =	vmul.f32 v20, v8;
	v28 =	vld [tilespmem:s25+$0x0]  }
0xe6: {  	v29 =	vmul.f32 v7, v6;
	[tilespmem:s15+$0x80] =	vst v30;
	v33 =	vadd.f32 v14, v24  }
0xe7: {  	s26 =	sor.u32 $0x100, s13;
	v32 =	vmul.f32 v23, v6;
	v35 =	vmul.f32 v20, v10;
	v31 =	vadd.f32 v31, v16;
	v34 =	vld [tilespmem:s13+$0xC100]  }
0xe8: {  	v38 =	vmul.f32 v23, v8;
	v29 =	vadd.f32 v29, v4;
	v25 =	vadd.f32 v25, v27;
	v27 =	vld [tilespmem:s26+$0x0];
	[tilespmem:s29+$0x80] =	vst v33  }
0xe9: {  	s30 =	sor.u32 $0x100, s1;
	v59 =	vmul.f32 v13, v8;
	v32 =	vadd.f32 v32, v22;
	v35 =	vadd.f32 v35, v16;
	v36 =	vld [tilespmem:s1+$0xC100]  }
0xea: {  	v62 =	vmul.f32 v7, v8;
	v29 =	vadd.f32 v25, v29;
	v21 =	vadd.f32 v28, v21;
	v37 =	vld [tilespmem:s30+$0x0]  }
0xeb: {  	v38 =	vadd.f32 v38, v22;
	v60 =	vadd.f32 v59, v15;
	v14 =	vimm.f32 $0.0e+00  }
0xec: {  	v24 =	vmul.f32 v20, v9;
	v50 =	vadd.f32 v33, v14;
	[tilespmem:s16+$0x80] =	vst v29;
	v32 =	vadd.f32 v21, v32  }
0xed: {  	s31 =	sor.u32 $0x100, s17;
	v47 =	vadd.f32 v62, v4;
	v52 =	vmul.f32 v30, v30;
	v27 =	vadd.f32 v27, v34;
	v58 =	vld [tilespmem:s17+$0xC100]  }
0xee: {  	v28 =	vadd.f32 v24, v16;
	v30 =	vadd.f32 v30, v50;
	v21 =	vmul.f32 v18, v18;
	v40 =	vld [tilespmem:s31+$0x0];
	[tilespmem:s28+$0x80] =	vst v32  }
0xef: {  	s3 =	sor.u32 $0x100, s18;
	v25 =	vmul.f32 v20, v11;
	v27 =	vadd.f32 v27, v31;
	v31 =	vld [tilespmem:s18+$0xC100];
	v36 =	vadd.f32 v37, v36  }
0xf0: {  	v43 =	vmul.f32 v17, v17;
	v18 =	vadd.f32 v18, v14;
	v42 =	vadd.f32 v21, v14;
	v61 =	vld [tilespmem:s3+$0x0]  }
0xf1: {  	v39 =	vmul.f32 v23, v10;
	v24 =	vadd.f32 v25, v16;
	[tilespmem:s15+$0x100] =	vst v27;
	v36 =	vadd.f32 v36, v60  }
0xf2: {  	s4 =	sor.u32 $0x180, s13;
	v63 =	vmul.f32 v26, v26;
	v17 =	vadd.f32 v17, v18;
	v42 =	vadd.f32 v43, v42;
	v44 =	vld [tilespmem:s13+$0xC180]  }
0xf3: {  	v41 =	vmul.f32 v23, v11;
	v25 =	vadd.f32 v39, v22;
	v46 =	vld [tilespmem:s4+$0x0];
	v34 =	vadd.f32 v40, v58;
	[tilespmem:s29+$0x100] =	vst v36  }
0xf4: {  	s5 =	sor.u32 $0x180, s1;
	v48 =	vmul.f32 v19, v19;
	v26 =	vadd.f32 v26, v17;
	v18 =	vadd.f32 v63, v42;
	v49 =	vld [tilespmem:s1+$0xC180]  }
0xf5: {  	v33 =	vmul.f32 v33, v33;
	v34 =	vadd.f32 v34, v47;
	v31 =	vadd.f32 v61, v31;
	v51 =	vld [tilespmem:s5+$0x0]  }
0xf6: {  	v55 =	vmul.f32 v29, v29;
	v29 =	vadd.f32 v29, v30;
	v17 =	vadd.f32 v48, v18  }
0xf7: {  	v18 =	vadd.f32 v19, v26;
	v19 =	vmul.f32 v13, v9;
	[tilespmem:s16+$0x100] =	vst v34;
	v38 =	vadd.f32 v31, v38  }
0xf8: {  	s6 =	sor.u32 $0x180, s17;
	v54 =	vmul.f32 v23, v12;
	v21 =	vadd.f32 v41, v22;
	v37 =	vadd.f32 v46, v44;
	v53 =	vld [tilespmem:s17+$0xC180]  }
0xf9: {  	v30 =	vmul.f32 v7, v9;
	v31 =	vadd.f32 v33, v14;
	v19 =	vadd.f32 v19, v15;
	v26 =	vld [tilespmem:s6+$0x0];
	[tilespmem:s28+$0x100] =	vst v38  }
0xfa: {  	s7 =	sor.u32 $0x180, s18;
	v58 =	vmul.f32 v23, v9;
	v37 =	vadd.f32 v37, v28;
	v28 =	vld [tilespmem:s18+$0xC180];
	v40 =	vadd.f32 v51, v49  }
0xfb: {  	v59 =	vmul.f32 v20, v12;
	v30 =	vadd.f32 v30, v4;
	v31 =	vadd.f32 v52, v31;
	v56 =	vld [tilespmem:s7+$0x0]  }
0xfc: {  	v20 =	vmul.f32 v20, v3;
	v60 =	vadd.f32 v58, v22;
	[tilespmem:s15+$0x180] =	vst v37;
	v40 =	vadd.f32 v40, v19  }
0xfd: {  	s8 =	sor.u32 $0x200, s13;
	v31 =	vadd.f32 v55, v31;
	v19 =	vadd.f32 v32, v29;
	v29 =	vmul.f32 v32, v32;
	v57 =	vld [tilespmem:s13+$0xC200]  }
0xfe: {  	v61 =	vmul.f32 v23, v3;
	v33 =	vadd.f32 v54, v22;
	v45 =	vld [tilespmem:s8+$0x0];
	v26 =	vadd.f32 v26, v53;
	[tilespmem:s29+$0x180] =	vst v40  }
0xff: {  	s10 =	sor.u32 $0x200, s1;
	v32 =	vadd.f32 v20, v16;
	v20 =	vmul.f32 v13, v10;
	v23 =	vadd.f32 v29, v31;
	v62 =	vld [tilespmem:s1+$0xC200]  }
0x100: {  	v26 =	vadd.f32 v26, v30;
	v30 =	vadd.f32 v56, v28;
	v29 =	vld [tilespmem:s10+$0x0]  }
0x101: {  	v31 =	vadd.f32 v61, v22;
	v20 =	vadd.f32 v20, v15  }
0x102: {  	v22 =	vmul.f32 v36, v36;
	[tilespmem:s16+$0x180] =	vst v26;
	v63 =	vadd.f32 v30, v60;
	v30 =	vadd.f32 v36, v14  }
0x103: {  	s11 =	sor.u32 $0x200, s17;
	v28 =	vadd.f32 v59, v16;
	v46 =	vadd.f32 v45, v57;
	v47 =	vld [tilespmem:s17+$0xC200]  }
0x104: {  	v16 =	vadd.f32 v22, v14;
	v22 =	vld [tilespmem:s11+$0x0];
	[tilespmem:s28+$0x180] =	vst v63;
	v30 =	vadd.f32 v27, v30;
	v27 =	vmul.f32 v27, v27  }
0x105: {  	s19 =	sor.u32 $0x200, s18;
	v35 =	vadd.f32 v46, v35;
	v48 =	vld [tilespmem:s18+$0xC200];
	v29 =	vadd.f32 v29, v62  }
0x106: {  	v50 =	vadd.f32 v40, v14;
	v40 =	vmul.f32 v40, v40;
	v49 =	vld [tilespmem:s19+$0x0];
	v16 =	vadd.f32 v27, v16  }
0x107: {  	v27 =	vadd.f32 v34, v30;
	v30 =	vmul.f32 v7, v10;
	[tilespmem:s15+$0x200] =	vst v35;
	v20 =	vadd.f32 v29, v20  }
0x108: {  	s20 =	sor.u32 $0x280, s13;
	v52 =	vadd.f32 v40, v14;
	v53 =	vadd.f32 v37, v50;
	v51 =	vld [tilespmem:s13+$0xC280]  }
0x109: {  	v37 =	vmul.f32 v37, v37;
	v22 =	vadd.f32 v22, v47;
	v30 =	vadd.f32 v30, v4;
	v54 =	vld [tilespmem:s20+$0x0];
	[tilespmem:s29+$0x200] =	vst v20  }
0x10a: {  	s21 =	sor.u32 $0x280, s1;
	v57 =	vmul.f32 v26, v26;
	v26 =	vadd.f32 v26, v53;
	v29 =	vmul.f32 v34, v34;
	v55 =	vld [tilespmem:s1+$0xC280]  }
0x10b: {  	v22 =	vadd.f32 v22, v30;
	v30 =	vadd.f32 v49, v48;
	v58 =	vld [tilespmem:s21+$0x0]  }
0x10c: {  	v59 =	vmul.f32 v38, v38;
	v56 =	vadd.f32 v37, v52;
	v16 =	vadd.f32 v29, v16  }
0x10d: {  	v26 =	vadd.f32 v63, v26;
	[tilespmem:s16+$0x200] =	vst v22;
	v25 =	vadd.f32 v30, v25  }
0x10e: {  	s22 =	sor.u32 $0x280, s17;
	v29 =	vadd.f32 v38, v27;
	v30 =	vadd.f32 v59, v16;
	v16 =	vmul.f32 v13, v11;
	v61 =	vld [tilespmem:s17+$0xC280]  }
0x10f: {  	v27 =	vadd.f32 v57, v56;
	v62 =	vld [tilespmem:s22+$0x0];
	v34 =	vadd.f32 v54, v51;
	[tilespmem:s28+$0x200] =	vst v25  }
0x110: {  	s23 =	sor.u32 $0x280, s18;
	v60 =	vmul.f32 v63, v63;
	v16 =	vadd.f32 v16, v15;
	v63 =	vld [tilespmem:s18+$0xC280];
	v39 =	vadd.f32 v58, v55  }
0x111: {  	v45 =	vmul.f32 v20, v20;
	v20 =	vadd.f32 v20, v14;
	v46 =	vld [tilespmem:s23+$0x0];
	v24 =	vadd.f32 v34, v24  }
0x112: {  	v47 =	vmul.f32 v7, v11;
	v27 =	vadd.f32 v60, v27;
	v16 =	vadd.f32 v39, v16  }
0x113: {  	v48 =	vmul.f32 v35, v35;
	v40 =	vadd.f32 v45, v14;
	v20 =	vadd.f32 v35, v20;
	[tilespmem:s15+$0x280] =	vst v24  }
0x114: {  	v51 =	vmul.f32 v22, v22;
	v34 =	vadd.f32 v47, v4;
	v37 =	vadd.f32 v62, v61;
	v50 =	vld [tilespmem:s13+$0xC300];
	[tilespmem:s29+$0x280] =	vst v16  }
0x115: {  	s24 =	sor.u32 $0x300, s1;
	v20 =	vadd.f32 v22, v20;
	v22 =	vadd.f32 v16, v14;
	v16 =	vmul.f32 v16, v16;
	v52 =	vld [tilespmem:s1+$0xC300]  }
0x116: {  	s25 =	sor.u32 $0x300, s13;
	v34 =	vadd.f32 v37, v34;
	v36 =	vadd.f32 v46, v63;
	v53 =	vld [tilespmem:s24+$0x0]  }
0x117: {  	v49 =	vadd.f32 v48, v40;
	v55 =	vld [tilespmem:s25+$0x0];
	v16 =	vadd.f32 v16, v14  }
0x118: {  	v56 =	vmul.f32 v24, v24;
	v22 =	vadd.f32 v24, v22;
	[tilespmem:s16+$0x280] =	vst v34;
	v21 =	vadd.f32 v36, v21  }
0x119: {  	s26 =	sor.u32 $0x300, s17;
	v35 =	vadd.f32 v51, v49;
	v24 =	vadd.f32 v25, v20;
	v20 =	vmul.f32 v13, v12;
	v57 =	vld [tilespmem:s17+$0xC300]  }
0x11a: {  	v54 =	vmul.f32 v25, v25;
	v58 =	vld [tilespmem:s26+$0x0];
	v16 =	vadd.f32 v56, v16;
	v22 =	vadd.f32 v34, v22;
	[tilespmem:s28+$0x280] =	vst v21  }
0x11b: {  	s30 =	sor.u32 $0x300, s18;
	v34 =	vmul.f32 v34, v34;
	v61 =	vadd.f32 v20, v15;
	v59 =	vld [tilespmem:s18+$0xC300];
	v60 =	vadd.f32 v53, v52  }
0x11c: {  	v63 =	vmul.f32 v7, v12;
	v25 =	vadd.f32 v54, v35;
	v38 =	vadd.f32 v55, v50;
	v62 =	vld [tilespmem:s30+$0x0]  }
0x11d: {  	v16 =	vadd.f32 v34, v16;
	v36 =	vadd.f32 v60, v61  }
0x11e: {  	s0 =	sor.u32 s0, s12;
	v20 =	vadd.f32 v21, v22;
	v21 =	vmul.f32 v21, v21;
	v34 =	vadd.f32 v63, v4  }
0x11f: {  	s31 =	sor.u32 $0x380, s0;
	v35 =	vadd.f32 v38, v28;
	v28 =	vimm.f32 $0.0e+00;
	v22 =	vadd.f32 v58, v57;
	[tilespmem:s29+$0x300] =	vst v36  }
0x120: {  	v21 =	vadd.f32 v21, v16;
	v16 =	vimm.f32 $0.0e+00;
	v38 =	vmul.f32 v36, v36;
	v39 =	vld [tilespmem:s31+$0xC000]  }
0x121: {  	p0 =	por p1, p1;
	s0 =	simm.s32 $0x0;
	s1 =	simm.s32 $0x200;
	v34 =	vadd.f32 v22, v34;
	v40 =	vadd.f32 v62, v59;
	v37 =	vld [tilespmem:s31+$0x0];
	v22 =	vimm.f32 $0.0e+00  }
.LBB2_6:
0x122: {  	v13 =	vmul.f32 v13, v3;
	[tilespmem:s15+$0x300] =	vst v35  }
0x123: {  	[tilespmem:s16+$0x300] =	vst v34;
	v50 =	vld [tilespmem:s13+$0xC380]  }
0x124: {  	s2 =	sor.u32 $0x380, s13;
	v33 =	vadd.f32 v40, v33;
	v13 =	vadd.f32 v13, v15;
	v15 =	vld [tilespmem:s17+$0xC380]  }
0x125: {  	s12 =	sadd.s32 $0x40, s12;
	s23 =	rddreg [dreg:$0x9];
	s3 =	sor.u32 $0x380, s17;
	v53 =	vld [tilespmem:s2+$0x0]  }
0x126: {  	s4 =	sor.u32 $0x380, s18;
	s5 =	sand.u32 $0x1C00, s1;
	s6 =	sand.u32 $0x40, s12;
	v58 =	vld [tilespmem:s3+$0x0];
	[tilespmem:s28+$0x300] =	vst v33  }
0x127: {  	s11 =	sand.u32 $0x380, s12;
	s10 =	sadd.s32 s23, s5;
	s8 =	sor.u32 $0x10, s6;
	v52 =	vadd.f32 v37, v39;
	v55 =	vld [tilespmem:s18+$0xC380]  }
0x128: {  	v14 =	vadd.f32 v36, v14;
	s11 =	sor.u32 $0x1A400, s11;
	s13 =	sor.u32 s8, s10;
	v57 =	vld [tilespmem:s4+$0x0]  }
0x129: {  	v7 =	vmul.f32 v7, v3;
	v28 =	vadd.f32 v38, v28;
	s7 =	sor.u32 $0x20, s6;
	s26 =	sor.u32 s8, s11;
	v62 =	vld [tilespmem:s13+$0xC000];
	v13 =	vadd.f32 v52, v13  }
0x12a: {  	v14 =	vadd.f32 v35, v14;
	s30 =	sor.u32 s7, s11;
	v63 =	vld [tilespmem:s26+$0x0];
	v60 =	vadd.f32 v53, v50  }
0x12b: {  	s14 =	sadd.s32 $0x40, s14;
	v51 =	vmul.f32 v35, v35;
	s24 =	sshrl.u32 s5, $0x2;
	v4 =	vadd.f32 v7, v4;
	v7 =	vld [tilespmem:s30+$0x0];
	v15 =	vadd.f32 v58, v15;
	[tilespmem:s29+$0x380] =	vst v13  }
0x12c: {  	s3 =	sor.u32 s6, s10;
	s25 =	sadd.s32 $0x19E00, s24;
	v22 =	vadd.f32 v13, v22;
	v59 =	vmul.f32 v13, v13;
	v13 =	vld [tilespmem:s14+$0x0];
	v32 =	vadd.f32 v60, v32  }
0x12d: {  	v28 =	vadd.f32 v51, v28;
	s19 =	sor.u32 s6, s25;
	v61 =	vld [tilespmem:s3+$0xC000]  }
0x12e: {  	v54 =	vmul.f32 v34, v34;
	s21 =	sor.u32 s8, s25;
	v14 =	vadd.f32 v34, v14;
	v4 =	vadd.f32 v15, v4;
	v15 =	vld [tilespmem:s19+$0x0];
	[tilespmem:s15+$0x380] =	vst v32  }
0x12f: {  	v34 =	vadd.f32 v57, v55;
	v22 =	vadd.f32 v32, v22;
	v51 =	vmul.f32 v32, v32;
	v32 =	vld [tilespmem:s21+$0x0]  }
0x130: {  	v28 =	vadd.f32 v54, v28;
	v16 =	vadd.f32 v59, v16;
	v52 =	vld [tilespmem:s13+$0x0]  }
0x131: {  	v56 =	vmul.f32 v33, v33;
	s17 =	sor.u32 s7, s10;
	v14 =	vadd.f32 v33, v14;
	v41 =	vld [tilespmem:s3+$0x0];
	[tilespmem:s16+$0x380] =	vst v4;
	v31 =	vadd.f32 v34, v31  }
0x132: {  	v53 =	vmul.f32 v4, v4;
	v44 =	vld [tilespmem:s17+$0x0];
	v16 =	vadd.f32 v51, v16;
	v22 =	vadd.f32 v4, v22  }
0x133: {  	s20 =	sor.u32 s7, s25;
	s4 =	sor.u32 $0x30, s6;
	v28 =	vadd.f32 v56, v28;
	v54 =	vmul.f32 v63, v5;
	v55 =	vmul.f32 v63, v6;
	v45 =	vld [tilespmem:s17+$0xC000]  }
0x134: {  	s11 =	sor.u32 s4, s11;
	v4 =	vld [tilespmem:s20+$0x0];
	[tilespmem:s28+$0x380] =	vst v31;
	v16 =	vadd.f32 v53, v16;
	v22 =	vadd.f32 v31, v22;
	v31 =	vmul.f32 v31, v31  }
0x135: {  	s18 =	sor.u32 s4, s10;
	v56 =	vmul.f32 v13, v5;
	v40 =	vld [tilespmem:s11+$0x0];
	v34 =	vadd.f32 v54, v32;
	v33 =	vadd.f32 v52, v62  }
0x136: {  	v57 =	vmul.f32 v7, v5;
	v36 =	vadd.f32 v41, v61;
	v48 =	vld [tilespmem:s18+$0x0];
	v16 =	vadd.f32 v31, v16  }
0x137: {  	s5 =	sor.u32 $0x18000, s5;
	s31 =	sor.u32 s4, s25;
	v58 =	vmul.f32 v63, v8;
	v60 =	vld [tilespmem:s18+$0xC000];
	v31 =	vadd.f32 v56, v15;
	v33 =	vadd.f32 v33, v34  }
0x138: {  	v42 =	vmul.f32 v63, v9;
	v47 =	vmul.f32 v63, v11;
	s15 =	sor.u32 s8, s5;
	v39 =	vld [tilespmem:s31+$0x0]  }
0x139: {  	v49 =	vmul.f32 v63, v12;
	v59 =	vmul.f32 v63, v10;
	v31 =	vadd.f32 v36, v31;
	[tilespmem:s15+$0x0] =	vst v33  }
0x13a: {  	s29 =	sor.u32 s6, s5;
	s21 =	sor.u32 $0x80, s13;
	v43 =	vadd.f32 v55, v32;
	v41 =	vadd.f32 v42, v32;
	v42 =	vmul.f32 v63, v3;
	v50 =	vld [tilespmem:s13+$0xC080]  }
0x13b: {  	s22 =	sor.u32 $0x80, s3;
	v61 =	vadd.f32 v44, v45;
	v46 =	vadd.f32 v57, v4;
	v63 =	vmul.f32 v40, v5;
	[tilespmem:s29+$0x0] =	vst v31;
	v62 =	vld [tilespmem:s21+$0x0]  }
0x13c: {  	v35 =	vadd.f32 v47, v32;
	v56 =	vmul.f32 v40, v6;
	v48 =	vadd.f32 v48, v60;
	v52 =	vld [tilespmem:s22+$0x0]  }
0x13d: {  	v46 =	vadd.f32 v61, v46;
	v45 =	vadd.f32 v63, v39;
	v55 =	vld [tilespmem:s3+$0xC080]  }
0x13e: {  	s16 =	sor.u32 s7, s5;
	v57 =	vmul.f32 v40, v8;
	v47 =	vadd.f32 v56, v39;
	v54 =	vmul.f32 v31, v31  }
0x13f: {  	v18 =	vadd.f32 v31, v18;
	v31 =	vmul.f32 v13, v6;
	[tilespmem:s16+$0x0] =	vst v46;
	v45 =	vadd.f32 v48, v45  }
0x140: {  	s23 =	sor.u32 $0x80, s17;
	s28 =	sor.u32 s4, s5;
	v56 =	vadd.f32 v57, v39;
	v57 =	vld [tilespmem:s17+$0xC080];
	v44 =	vadd.f32 v62, v50  }
0x141: {  	v31 =	vadd.f32 v31, v15;
	[tilespmem:s28+$0x0] =	vst v45;
	v50 =	vld [tilespmem:s23+$0x0]  }
0x142: {  	s24 =	sor.u32 $0x80, s18;
	v60 =	vld [tilespmem:s18+$0xC080];
	v52 =	vadd.f32 v52, v55;
	v43 =	vadd.f32 v44, v43  }
0x143: {  	v37 =	vadd.f32 v58, v32;
	v58 =	vmul.f32 v33, v33;
	v17 =	vadd.f32 v54, v17;
	v62 =	vld [tilespmem:s24+$0x0]  }
0x144: {  	v38 =	vadd.f32 v59, v32;
	v59 =	vmul.f32 v7, v6;
	v31 =	vadd.f32 v52, v31;
	[tilespmem:s15+$0x80] =	vst v43  }
0x145: {  	s25 =	sor.u32 $0x100, s13;
	v61 =	vmul.f32 v46, v46;
	v18 =	vadd.f32 v33, v18;
	v17 =	vadd.f32 v58, v17;
	v63 =	vld [tilespmem:s13+$0xC100]  }
0x146: {  	[tilespmem:s29+$0x80] =	vst v31;
	v19 =	vadd.f32 v31, v19;
	v31 =	vmul.f32 v31, v31;
	v50 =	vadd.f32 v50, v57;
	v57 =	vld [tilespmem:s25+$0x0]  }
0x147: {  	s26 =	sor.u32 $0x100, s3;
	v17 =	vadd.f32 v61, v17;
	v44 =	vadd.f32 v59, v4;
	v59 =	vld [tilespmem:s3+$0xC100]  }
0x148: {  	v58 =	vmul.f32 v45, v45;
	v60 =	vadd.f32 v62, v60;
	v23 =	vadd.f32 v31, v23;
	v31 =	vld [tilespmem:s26+$0x0]  }
0x149: {  	v19 =	vadd.f32 v43, v19;
	v44 =	vadd.f32 v50, v44  }
0x14a: {  	v18 =	vadd.f32 v46, v18;
	v17 =	vadd.f32 v58, v17  }
0x14b: {  	v43 =	vmul.f32 v43, v43;
	v61 =	vadd.f32 v60, v47;
	[tilespmem:s16+$0x80] =	vst v44;
	v19 =	vadd.f32 v44, v19  }
0x14c: {  	s30 =	sor.u32 $0x100, s17;
	v62 =	vmul.f32 v44, v44;
	v33 =	vadd.f32 v57, v63;
	v44 =	vld [tilespmem:s17+$0xC100];
	v63 =	vmul.f32 v13, v8  }
0x14d: {  	v23 =	vadd.f32 v43, v23;
	[tilespmem:s28+$0x80] =	vst v61;
	v52 =	vld [tilespmem:s30+$0x0];
	v31 =	vadd.f32 v31, v59  }
0x14e: {  	s31 =	sor.u32 $0x100, s18;
	v51 =	vmul.f32 v40, v10;
	v58 =	vld [tilespmem:s18+$0xC100];
	v47 =	vadd.f32 v33, v37;
	v46 =	vadd.f32 v63, v15  }
0x14f: {  	v53 =	vmul.f32 v40, v11;
	v57 =	vmul.f32 v61, v61;
	v23 =	vadd.f32 v62, v23;
	v59 =	vld [tilespmem:s31+$0x0]  }
0x150: {  	v19 =	vadd.f32 v61, v19;
	v61 =	vmul.f32 v7, v8;
	[tilespmem:s15+$0x100] =	vst v47;
	v62 =	vadd.f32 v31, v46  }
0x151: {  	s5 =	sor.u32 $0x180, s13;
	v36 =	vadd.f32 v51, v39;
	v34 =	vadd.f32 v53, v39;
	v51 =	vmul.f32 v40, v12;
	v60 =	vld [tilespmem:s13+$0xC180]  }
0x152: {  	v63 =	vld [tilespmem:s5+$0x0];
	v44 =	vadd.f32 v52, v44;
	v52 =	vadd.f32 v61, v4;
	[tilespmem:s29+$0x100] =	vst v62  }
0x153: {  	s6 =	sor.u32 $0x180, s3;
	v18 =	vadd.f32 v45, v18;
	v33 =	vadd.f32 v51, v39;
	v53 =	vld [tilespmem:s3+$0xC180]  }
0x154: {  	v45 =	vadd.f32 v59, v58;
	v44 =	vadd.f32 v44, v52;
	v54 =	vld [tilespmem:s6+$0x0]  }
0x155: {  	v48 =	vmul.f32 v40, v3;
	v37 =	vadd.f32 v49, v32;
	v32 =	vadd.f32 v42, v32  }
0x156: {  	v23 =	vadd.f32 v57, v23;
	v45 =	vadd.f32 v45, v56;
	v56 =	vmul.f32 v13, v9;
	[tilespmem:s16+$0x100] =	vst v44  }
0x157: {  	s7 =	sor.u32 $0x180, s17;
	v31 =	vadd.f32 v48, v39;
	v46 =	vadd.f32 v63, v60;
	v55 =	vld [tilespmem:s17+$0xC180]  }
0x158: {  	v29 =	vadd.f32 v62, v29;
	v43 =	vmul.f32 v62, v62;
	v57 =	vld [tilespmem:s7+$0x0];
	[tilespmem:s28+$0x100] =	vst v45;
	v60 =	vadd.f32 v56, v15  }
0x159: {  	s8 =	sor.u32 $0x180, s18;
	v40 =	vmul.f32 v40, v9;
	v59 =	vld [tilespmem:s18+$0xC180];
	v41 =	vadd.f32 v46, v41;
	v42 =	vadd.f32 v54, v53  }
0x15a: {  	v30 =	vadd.f32 v43, v30;
	v29 =	vadd.f32 v47, v29;
	v47 =	vmul.f32 v47, v47;
	v61 =	vld [tilespmem:s8+$0x0]  }
0x15b: {  	v39 =	vadd.f32 v40, v39;
	v63 =	vmul.f32 v7, v9;
	[tilespmem:s15+$0x180] =	vst v41;
	v42 =	vadd.f32 v42, v60  }
0x15c: {  	s2 =	sor.u32 s10, s12;
	s10 =	sor.u32 $0x200, s13;
	v30 =	vadd.f32 v47, v30;
	v29 =	vadd.f32 v44, v29;
	v44 =	vmul.f32 v44, v44;
	v62 =	vld [tilespmem:s13+$0xC200]  }
0x15d: {  	v54 =	vadd.f32 v63, v4;
	v52 =	vld [tilespmem:s10+$0x0];
	v53 =	vadd.f32 v57, v55;
	[tilespmem:s29+$0x180] =	vst v42  }
0x15e: {  	s11 =	sor.u32 $0x200, s3;
	v30 =	vadd.f32 v44, v30;
	v29 =	vadd.f32 v45, v29;
	v55 =	vld [tilespmem:s3+$0xC200]  }
0x15f: {  	v58 =	vmul.f32 v45, v45;
	v45 =	vadd.f32 v61, v59;
	v44 =	vadd.f32 v53, v54;
	v56 =	vld [tilespmem:s11+$0x0]  }
0x160: {  	v26 =	vadd.f32 v42, v26;
	v42 =	vmul.f32 v42, v42  }
0x161: {  	v39 =	vadd.f32 v45, v39;
	[tilespmem:s16+$0x180] =	vst v44  }
0x162: {  	s19 =	sor.u32 $0x200, s17;
	v30 =	vadd.f32 v58, v30;
	v59 =	vmul.f32 v13, v10;
	v27 =	vadd.f32 v42, v27;
	v58 =	vld [tilespmem:s17+$0xC200]  }
0x163: {  	v49 =	vmul.f32 v7, v10;
	v26 =	vadd.f32 v41, v26;
	v43 =	vadd.f32 v52, v62;
	v60 =	vld [tilespmem:s19+$0x0];
	[tilespmem:s28+$0x180] =	vst v39  }
0x164: {  	s20 =	sor.u32 $0x200, s18;
	v41 =	vmul.f32 v41, v41;
	v62 =	vadd.f32 v59, v15;
	v61 =	vld [tilespmem:s18+$0xC200];
	v40 =	vadd.f32 v56, v55  }
0x165: {  	v53 =	vadd.f32 v49, v4;
	v63 =	vld [tilespmem:s20+$0x0]  }
0x166: {  	v57 =	vmul.f32 v44, v44;
	v27 =	vadd.f32 v41, v27;
	v50 =	vadd.f32 v40, v62  }
0x167: {  	v26 =	vadd.f32 v44, v26;
	v38 =	vadd.f32 v43, v38  }
0x168: {  	v27 =	vadd.f32 v57, v27;
	v52 =	vadd.f32 v60, v58;
	[tilespmem:s29+$0x200] =	vst v50  }
0x169: {  	s22 =	sor.u32 $0x280, s3;
	v26 =	vadd.f32 v39, v26;
	v39 =	vmul.f32 v39, v39;
	v24 =	vadd.f32 v50, v24;
	v54 =	vld [tilespmem:s3+$0xC280]  }
0x16a: {  	[tilespmem:s15+$0x200] =	vst v38;
	v41 =	vadd.f32 v63, v61;
	v42 =	vadd.f32 v52, v53;
	v55 =	vld [tilespmem:s22+$0x0]  }
0x16b: {  	s21 =	sor.u32 $0x280, s13;
	v27 =	vadd.f32 v39, v27;
	v48 =	vld [tilespmem:s13+$0xC280]  }
0x16c: {  	v51 =	vld [tilespmem:s21+$0x0];
	v39 =	vmul.f32 v50, v50;
	v24 =	vadd.f32 v38, v24;
	v36 =	vadd.f32 v41, v36;
	[tilespmem:s16+$0x200] =	vst v42  }
0x16d: {  	s23 =	sor.u32 $0x280, s17;
	v58 =	vmul.f32 v13, v11;
	v57 =	vld [tilespmem:s17+$0xC280]  }
0x16e: {  	v25 =	vadd.f32 v39, v25;
	v24 =	vadd.f32 v42, v24;
	v59 =	vld [tilespmem:s23+$0x0];
	[tilespmem:s28+$0x200] =	vst v36  }
0x16f: {  	s24 =	sor.u32 $0x280, s18;
	v56 =	vmul.f32 v42, v42;
	v42 =	vadd.f32 v58, v15;
	v60 =	vld [tilespmem:s18+$0xC280];
	v39 =	vadd.f32 v55, v54  }
0x170: {  	v63 =	vmul.f32 v7, v11;
	v38 =	vmul.f32 v38, v38;
	v61 =	vld [tilespmem:s24+$0x0]  }
0x171: {  	v40 =	vadd.f32 v51, v48;
	v47 =	vadd.f32 v39, v42  }
0x172: {  	v49 =	vadd.f32 v63, v4;
	v25 =	vadd.f32 v38, v25  }
0x173: {  	v35 =	vadd.f32 v40, v35;
	v40 =	vadd.f32 v59, v57;
	[tilespmem:s29+$0x280] =	vst v47  }
0x174: {  	s26 =	sor.u32 $0x300, s3;
	v25 =	vadd.f32 v56, v25;
	v24 =	vadd.f32 v36, v24;
	v36 =	vmul.f32 v36, v36;
	v50 =	vld [tilespmem:s3+$0xC300]  }
0x175: {  	[tilespmem:s15+$0x280] =	vst v35;
	v38 =	vadd.f32 v61, v60;
	v40 =	vadd.f32 v40, v49;
	v51 =	vld [tilespmem:s26+$0x0]  }
0x176: {  	s25 =	sor.u32 $0x300, s13;
	v25 =	vadd.f32 v36, v25;
	v62 =	vld [tilespmem:s13+$0xC300]  }
0x177: {  	v48 =	vld [tilespmem:s25+$0x0];
	v20 =	vadd.f32 v47, v20;
	v36 =	vmul.f32 v47, v47;
	v34 =	vadd.f32 v38, v34;
	[tilespmem:s16+$0x280] =	vst v40  }
0x178: {  	s30 =	sor.u32 $0x300, s17;
	v55 =	vmul.f32 v13, v12;
	v54 =	vld [tilespmem:s17+$0xC300]  }
0x179: {  	v21 =	vadd.f32 v36, v21;
	v20 =	vadd.f32 v35, v20;
	v35 =	vmul.f32 v35, v35;
	v56 =	vld [tilespmem:s30+$0x0];
	[tilespmem:s28+$0x280] =	vst v34  }
0x17a: {  	s0 =	sadd.s32 $0x4, s0;
	s31 =	sor.u32 $0x300, s18;
	v59 =	vadd.f32 v55, v15;
	v57 =	vld [tilespmem:s18+$0xC300];
	v58 =	vadd.f32 v51, v50  }
0x17b: {  	p1 =	slt.u32 s0, $0x2C;
	v53 =	vmul.f32 v40, v40;
	v21 =	vadd.f32 v35, v21;
	v20 =	vadd.f32 v40, v20;
	v60 =	vld [tilespmem:s31+$0x0]  }
.Ltmp1:
0x17c: {  	v61 =	vmul.f32 v7, v12;
	v52 =	vadd.f32 v48, v62;
	v36 =	vadd.f32 v58, v59;
	(pc) =	sbr.rel @p1 .LBB2_6-.Ltmp1, $4  }
0x17d: {  	v21 =	vadd.f32 v53, v21;
	v20 =	vadd.f32 v34, v20;
	v34 =	vmul.f32 v34, v34  }
0x17e: {  	s2 =	sor.u32 $0x380, s2;
	v63 =	vadd.f32 v61, v4;
	v62 =	vadd.f32 v56, v54;
	[tilespmem:s29+$0x300] =	vst v36  }
0x17f: {  	v35 =	vadd.f32 v52, v37;
	v21 =	vadd.f32 v34, v21;
	v39 =	vld [tilespmem:s2+$0xC000]  }
0x180: {  	s1 =	sadd.s32 $0x200, s1;
	v38 =	vmul.f32 v36, v36;
	v40 =	vadd.f32 v60, v57;
	v34 =	vadd.f32 v62, v63;
	v37 =	vld [tilespmem:s2+$0x0]  }
0x181: {  	(xrf2) =	vadd.scan.msk.f32 $0xffff, v18  }
0x182: {  	(xrf2) =	vadd.scan.msk.f32 $0xffff, v17;
	_ =	sdelay $0x3  }
0x183: {  	(xrf2) =	vadd.scan.msk.f32 $0xffff, v19  }
0x184: {  	(xrf2) =	vadd.scan.msk.f32 $0xffff, v23;
	_ =	sdelay $0x3  }
0x185: {  	v5, _, _ =	vpop (xrf2)  }
0x186: {  	(v2sf) =	vpush v5, $0xF;
	v5, _, _ =	vpop (xrf2)  }
0x187: {  	(v2sf) =	vpush v5, $0xF;
	_ =	sdelay $0x2  }
0x188: {  	v5, _, _ =	vpop (xrf2)  }
0x189: {  	(v2sf) =	vpush v5, $0xF;
	v5, _, _ =	vpop (xrf2)  }
0x18a: {  	(v2sf) =	vpush v5, $0xF;
	_ =	sdelay $0x5  }
0x18b: {  	(xrf2) =	vadd.scan.msk.f32 $0xffff, v29  }
0x18c: {  	(xrf2) =	vadd.scan.msk.f32 $0xffff, v30;
	_ =	sdelay $0x1  }
0x18d: {  	s0 =	spop (v2sf)  }
0x18e: {  	s1 =	spop (v2sf);
	s0 =	smul.f32 $1.302083370e-03, s0  }
0x18f: {  	s1 =	smul.f32 $1.302083370e-03, s1  }
0x190: {  	s2 =	smul.f32 s0, s0;
	_ =	sdelay $0x1  }
0x191: {  	s11 =	spop (v2sf);
	s1 =	ssub.f32 s1, s2  }
0x192: {  	s3 =	spop (v2sf)  }
0x193: {  	v5, _, _ =	vpop (xrf2);
	(xrf2) =	vadd.scan.msk.f32 $0xffff, v26;
	s2 =	smul.f32 $1.302083370e-03, s11;
	s1 =	sadd.f32 $9.999999740e-06, s1  }
0x194: {  	(v2sf) =	vpush v5, $0xF;
	v5, _, _ =	vpop (xrf2);
	(xrf2) =	vadd.scan.msk.f32 $0xffff, v27;
	s3 =	smul.f32 $1.302083370e-03, s3  }
0x195: {  	(v2sf) =	vpush v5, $0xF;
	s12 =	smul.f32 s2, s2;
	v5 =	vmov s1  }
0x196: {  	[tilespmem:s15+$0x300] =	vst v35;
	v6 =	vshrl.u32 v5, $0x1;
	v5 =	vmul.f32 $5.000000000e-01, v5  }
0x197: {  	v9 =	vld [tilespmem:s13+$0xC380];
	s13 =	sor.u32 $0x380, s13;
	s1 =	ssub.f32 s3, s12;
	v6 =	vsub.s32 $0x5F3759DF, v6  }
0x198: {  	v12 =	vld [tilespmem:s13+$0x0];
	v8 =	vmul.f32 v6, v5  }
0x199: {  	s1 =	sadd.f32 $9.999999740e-06, s1  }
0x19a: {  	v8 =	vmul.f32 v6, v8  }
0x19b: {  	v11 =	vadd.f32 v40, v33;
	v10 =	vmov s1  }
0x19c: {  	s14 =	sor.u32 $0x380, s17;
	[tilespmem:s16+$0x300] =	vst v34;
	v17 =	vshrl.u32 v10, $0x1;
	v18 =	vmul.f32 $5.000000000e-01, v10;
	v8 =	vsub.f32 $1.500000000e+00, v8  }
0x19d: {  	[tilespmem:s28+$0x300] =	vst v11;
	v23 =	vld [tilespmem:s14+$0x0];
	v10 =	vmul.f32 v13, v3;
	v3 =	vmul.f32 v7, v3;
	v7 =	vadd.f32 v12, v9;
	v9, _, _ =	vpop (xrf2)  }
0x19e: {  	v19 =	vld [tilespmem:s18+$0xC380];
	v17 =	vsub.s32 $0x5F3759DF, v17;
	(v2sf) =	vpush v9, $0xF;
	v9, _, _ =	vpop (xrf2);
	v6 =	vmul.f32 v6, v8  }
0x19f: {  	v13 =	vld [tilespmem:s17+$0xC380];
	s17 =	sor.u32 $0x380, s18;
	(v2sf) =	vpush v9, $0xF;
	v8 =	vmul.f32 v17, v18  }
0x1a0: {  	v26 =	vld [tilespmem:s17+$0x0];
	v10 =	vadd.f32 v10, v15;
	v15 =	vadd.f32 v37, v39;
	v27 =	vmul.f32 v6, v5  }
0x1a1: {  	(xrf2) =	vadd.scan.msk.f32 $0xffff, v24;
	v8 =	vmul.f32 v17, v8  }
0x1a2: {  	v3 =	vadd.f32 v3, v4;
	v15 =	vadd.f32 v15, v10;
	v10 =	vmul.f32 v27, v6  }
0x1a3: {  	v12 =	vadd.f32 v7, v32;
	v8 =	vsub.f32 $1.500000000e+00, v8  }
0x1a4: {  	s5 =	smul.u32 $0x6000, s9;
	s18 =	spop (v2sf);
	v4 =	vadd.f32 v23, v13;
	v9 =	vsub.f32 $1.500000000e+00, v10  }
0x1a5: {  	s19 =	spop (v2sf);
	s1 =	smul.f32 $1.302083370e-03, s18;
	v7 =	vadd.f32 v26, v19;
	v8 =	vmul.f32 v17, v8  }
0x1a6: {  	s20 =	simm.s32 $0x0;
	[tilespmem:s15+$0x380] =	vst v12;
	s3 =	smul.f32 $1.302083370e-03, s19;
	v10 =	vadd.f32 v4, v3;
	v3 =	vmul.f32 v9, v6  }
0x1a7: {  	s10 =	sand.u32 $0x1C00, s20;
	(xrf2) =	vadd.scan.msk.f32 $0xffff, v25;
	s4 =	smul.f32 s1, s1;
	[tilespmem:s29+$0x380] =	vst v15;
	v4 =	vmul.f32 v8, v18;
	v9 =	vadd.f32 v7, v31  }
0x1a8: {  	s7 =	sand.u32 $0x40, s20;
	s5 =	sshra.s32 s5, $0x2;
	s22 =	sor.u32 $0x18000, s10;
	[tilespmem:s16+$0x380] =	vst v10;
	v5 =	vmul.f32 v3, v5  }
0x1a9: {  	s23 =	sor.u32 $0x30, s7;
	s5 =	sadd.s32 $0xC000, s5;
	(xrf2) =	vadd.scan.msk.f32 $0xffff, v20;
	s3 =	ssub.f32 s3, s4;
	v4 =	vmul.f32 v4, v8;
	[tilespmem:s28+$0x380] =	vst v9  }
0x1aa: {  	s6 =	sor.u32 s23, s22;
	v22 =	vadd.f32 v15, v22;
	v6 =	vadd.f32 v36, v14;
	[dreg:$0xb] =	wrdreg s5;
	v5 =	vmul.f32 v5, v3  }
0x1ab: {  	v13 =	vmul.f32 v35, v35;
	v19, _, _ =	vpop (xrf2);
	v7 =	vadd.f32 v38, v28;
	v4 =	vsub.f32 $1.500000000e+00, v4;
	v14 =	vld [tilespmem:s6+$0x0]  }
0x1ac: {  	s21 =	simm.s32 $0x0;
	v24 =	vmul.f32 v15, v15;
	s3 =	sadd.f32 $9.999999740e-06, s3;
	(v2sf) =	vpush v19, $0xF;
	v5 =	vsub.f32 $1.500000000e+00, v5  }
0x1ad: {  	s14 =	sand.u32 $0x380, s21;
	v6 =	vadd.f32 v35, v6;
	s8 =	spop (v2sf);
	v17 =	vmul.f32 v4, v8;
	v4 =	vadd.f32 v13, v7  }
0x1ae: {  	s25 =	sor.u32 s14, s23;
	s26 =	spop (v2sf);
	s8 =	smul.f32 $1.302083370e-03, s8;
	v13 =	vmul.f32 v34, v34;
	v8 =	vmul.f32 v5, v3;
	v5 =	vmov s3  }
0x1af: {  	s12 =	sor.u32 $0x10, s7;
	(xrf2) =	vadd.scan.msk.f32 $0xffff, v21;
	v39 =	vld [tilespmem:s25+$0x19800];
	v7 =	vmov s0;
	s4 =	smul.f32 $1.302083370e-03, s26;
	v20 =	vshrl.u32 v5, $0x1;
	v21 =	vmul.f32 $5.000000000e-01, v5  }
0x1b0: {  	v38 =	vld [tilespmem:s25+$0x19B00];
	s0 =	sor.u32 s12, s22;
	s18 =	smul.f32 s8, s8;
	v3 =	vmul.f32 v17, v18;
	v14 =	vsub.f32 v14, v7;
	v5 =	vsub.s32 $0x5F3759DF, v20  }
0x1b1: {  	s5 =	sor.u32 s7, s22;
	v6 =	vadd.f32 v34, v6;
	v18, _, _ =	vpop (xrf2);
	v4 =	vadd.f32 v13, v4;
	v13 =	vld [tilespmem:s0+$0x0];
	v19 =	vmul.f32 v5, v21  }
0x1b2: {  	s24 =	simm.s32 $0x19B00;
	s11 =	sor.u32 $0x20, s7;
	(v2sf) =	vpush v18, $0xF;
	v18 =	vld [tilespmem:s5+$0x0];
	s13 =	ssub.f32 s4, s18;
	v3 =	vmul.f32 v3, v17;
	v14 =	vmul.f32 v14, v8  }
0x1b3: {  	v42 =	vld [tilespmem:s24+$0x0];
	v23 =	vadd.f32 v11, v6;
	s3 =	sor.u32 s11, s22;
	v15, _, _ =	vpop (xrf2);
	v20 =	vmul.f32 v11, v11;
	v6 =	vmul.f32 v5, v19  }
0x1b4: {  	s19 =	sor.u32 s14, s12;
	(v2sf) =	vpush v15, $0xF;
	s20 =	sadd.f32 $9.999999740e-06, s13;
	v3 =	vsub.f32 $1.500000000e+00, v3;
	v19 =	vld [tilespmem:s3+$0x0];
	v14 =	vmul.f32 v14, v39  }
0x1b5: {  	s17 =	simm.s32 $0x19800;
	s16 =	rddreg [dreg:$0xb];
	v20 =	vadd.f32 v20, v4;
	v4 =	vld [tilespmem:s19+$0x19800];
	v6 =	vsub.f32 $1.500000000e+00, v6  }
0x1b6: {  	v45 =	vld [tilespmem:s17+$0x0];
	s10 =	sadd.s32 s10, s16;
	v13 =	vsub.f32 v13, v7;
	v26 =	vmov s20;
	v14 =	vadd.f32 v14, v38  }
0x1b7: {  	s14 =	sor.u32 s14, s11;
	s16 =	sadd.s32 s23, s10;
	v11 =	vmul.f32 v3, v17;
	v17 =	vsub.f32 v18, v7;
	v18 =	vmul.f32 v5, v6;
	v5 =	vld [tilespmem:s19+$0x19B00]  }
0x1b8: {  	v3 =	vld [tilespmem:s14+$0x19800];
	v27 =	vshrl.u32 v26, $0x1;
	v13 =	vmul.f32 v13, v8;
	[tilespmem:s16+$0x0] =	vst v14  }
0x1b9: {  	v26 =	vmul.f32 $5.000000000e-01, v26;
	v17 =	vmul.f32 v17, v8;
	v19 =	vsub.f32 v19, v7;
	v25 =	vld [tilespmem:s6+$0x80];
	v6, _, _ =	vpop (xrf2)  }
0x1ba: {  	v13 =	vmul.f32 v13, v4;
	v14 =	vmul.f32 v18, v21;
	(v2sf) =	vpush v6, $0xF;
	v6 =	vld [tilespmem:s14+$0x19B00]  }
0x1bb: {  	v16 =	vadd.f32 v24, v16;
	v17 =	vmul.f32 v17, v45;
	(xrf2) =	vadd.scan.msk.f32 $0xffff, v23;
	v19 =	vmul.f32 v19, v8  }
0x1bc: {  	v23 =	vsub.s32 $0x5F3759DF, v27;
	v14 =	vmul.f32 v14, v18;
	v13 =	vadd.f32 v13, v5  }
0x1bd: {  	s24 =	sadd.s32 s12, s10;
	v17 =	vadd.f32 v17, v42;
	(xrf2) =	vadd.scan.msk.f32 $0xffff, v20;
	v20 =	vmul.f32 v23, v26;
	v19 =	vmul.f32 v19, v3  }
0x1be: {  	v24 =	vmul.f32 v12, v12;
	s26 =	sadd.s32 s7, s10;
	v15 =	vmov s2;
	v14 =	vsub.f32 $1.500000000e+00, v14;
	[tilespmem:s24+$0x0] =	vst v13  }
0x1bf: {  	s21 =	spop (v2sf);
	[tilespmem:s26+$0x0] =	vst v17;
	v13 =	vmul.f32 v23, v20;
	v17 =	vadd.f32 v19, v6;
	v19 =	vsub.f32 v25, v15;
	v20 =	vld [tilespmem:s0+$0x80]  }
0x1c0: {  	v12 =	vadd.f32 v12, v22;
	s31 =	sadd.s32 s11, s10;
	s13 =	smul.f32 $1.302083370e-03, s21;
	v14 =	vmul.f32 v14, v18  }
0x1c1: {  	v16 =	vadd.f32 v24, v16;
	v18 =	vld [tilespmem:s5+$0x80];
	[tilespmem:s31+$0x0] =	vst v17;
	v17 =	vmul.f32 v19, v11;
	v19 =	vmul.f32 v10, v10  }
0x1c2: {  	s25 =	smul.f32 s13, s13;
	s22 =	spop (v2sf);
	v21 =	vmul.f32 v14, v21;
	v10 =	vadd.f32 v10, v12;
	v12 =	vsub.f32 $1.500000000e+00, v13;
	v22 =	vld [tilespmem:s3+$0x80]  }
0x1c3: {  	s23 =	smul.f32 $1.302083370e-03, s22;
	v13 =	vmul.f32 v17, v39;
	v16 =	vadd.f32 v19, v16;
	v19 =	vmul.f32 v9, v9  }
0x1c4: {  	v21 =	vmul.f32 v21, v14;
	v12 =	vmul.f32 v23, v12;
	v20 =	vsub.f32 v20, v15  }
0x1c5: {  	s2 =	ssub.f32 s23, s25;
	v17 =	vmov s1;
	v24, _, _ =	vpop (xrf2);
	v9 =	vadd.f32 v9, v10;
	v13 =	vadd.f32 v13, v38  }
0x1c6: {  	s4 =	spop (v2sf);
	v18 =	vsub.f32 v18, v15;
	(v2sf) =	vpush v24, $0xF;
	v20 =	vmul.f32 v20, v11  }
0x1c7: {  	s25 =	smul.f32 $1.302083370e-03, s4;
	s2 =	sadd.f32 $9.999999740e-06, s2;
	v21 =	vsub.f32 $1.500000000e+00, v21;
	v23 =	vmul.f32 v12, v26;
	v22 =	vsub.f32 v22, v15;
	[tilespmem:s16+$0x80] =	vst v13  }
0x1c8: {  	v24, _, _ =	vpop (xrf2);
	v10 =	vadd.f32 v19, v16;
	v18 =	vmul.f32 v18, v11;
	v25 =	vld [tilespmem:s6+$0x100];
	v20 =	vmul.f32 v20, v4  }
0x1c9: {  	v13 =	vmov s2;
	s2 =	smul.f32 s25, s25;
	s7 =	spop (v2sf);
	(v2sf) =	vpush v24, $0xF;
	v22 =	vmul.f32 v22, v11  }
0x1ca: {  	v23 =	vmul.f32 v23, v12;
	v18 =	vmul.f32 v18, v45;
	s1 =	smul.f32 $1.302083370e-03, s7;
	v20 =	vadd.f32 v20, v5  }
0x1cb: {  	v24 =	vshrl.u32 v13, $0x1;
	v13 =	vmul.f32 $5.000000000e-01, v13;
	v22 =	vmul.f32 v22, v3  }
0x1cc: {  	v24 =	vsub.s32 $0x5F3759DF, v24;
	v27 =	vadd.f32 v18, v42;
	v18 =	vmul.f32 v21, v14;
	s1 =	ssub.f32 s1, s2;
	[tilespmem:s24+$0x80] =	vst v20  }
0x1cd: {  	v28 =	vmul.f32 v24, v13;
	v14 =	vadd.f32 v22, v6;
	v21 =	vsub.f32 v25, v17;
	v16 =	vld [tilespmem:s0+$0x100]  }
0x1ce: {  	[tilespmem:s26+$0x80] =	vst v27;
	v22 =	vsub.f32 $1.500000000e+00, v23;
	s1 =	sadd.f32 $9.999999740e-06, s1  }
0x1cf: {  	v23 =	vmul.f32 v24, v28;
	[tilespmem:s31+$0x80] =	vst v14;
	v14 =	vmul.f32 v21, v18  }
0x1d0: {  	v25 =	vld [tilespmem:s5+$0x100];
	v12 =	vmul.f32 v22, v12;
	v20 =	vmov s1  }
0x1d1: {  	s9 =	simm.s32 $0x200;
	s10 =	simm.s32 $0x40;
	(xrf2) =	vadd.scan.msk.f32 $0xffff, v9;
	v19 =	vsub.f32 $1.500000000e+00, v23;
	v22 =	vld [tilespmem:s3+$0x100];
	v23 =	vshrl.u32 v20, $0x1;
	v14 =	vmul.f32 v14, v39  }
0x1d2: {  	s15 =	sand.u32 $0x1C00, s9;
	s14 =	sand.u32 $0x40, s10;
	(xrf2) =	vadd.scan.msk.f32 $0xffff, v10;
	v21 =	vmul.f32 $5.000000000e-01, v20;
	v20 =	vmul.f32 v12, v26;
	v10 =	vsub.f32 v16, v17  }
0x1d3: {  	s17 =	sor.u32 $0x18000, s15;
	s11 =	simm.s32 $0x40;
	s18 =	sor.u32 $0x30, s14;
	v19 =	vmul.f32 v24, v19;
	v23 =	vsub.s32 $0x5F3759DF, v23;
	v14 =	vadd.f32 v14, v38  }
0x1d4: {  	s21 =	sand.u32 $0x380, s11;
	s12 =	sor.u32 s18, s17;
	v24 =	vmul.f32 v23, v21;
	v10 =	vmul.f32 v10, v18  }
0x1d5: {  	s22 =	sor.u32 s21, s18;
	v9 =	vsub.f32 v25, v17;
	v20 =	vmul.f32 v20, v12;
	v25 =	vmul.f32 v19, v13;
	[tilespmem:s16+$0x100] =	vst v14;
	v14 =	vld [tilespmem:s12+$0x0]  }
0x1d6: {  	v48 =	vld [tilespmem:s22+$0x19800];
	v16 =	vmul.f32 v23, v24;
	v22 =	vsub.f32 v22, v17;
	v10 =	vmul.f32 v10, v4  }
0x1d7: {  	s9 =	sor.u32 s14, s17;
	v47 =	vld [tilespmem:s22+$0x19B00];
	s1 =	spop (v2sf);
	v9 =	vmul.f32 v9, v18;
	v24 =	vmul.f32 v25, v19  }
0x1d8: {  	s19 =	sor.u32 $0x10, s14;
	s10 =	smul.f32 $1.302083370e-03, s1;
	v25 =	vld [tilespmem:s6+$0x180];
	v16 =	vsub.f32 $1.500000000e+00, v16;
	v22 =	vmul.f32 v22, v18;
	s20 =	spop (v2sf);
	v10 =	vadd.f32 v10, v5  }
0x1d9: {  	v26 =	vld [tilespmem:s9+$0x0];
	v27 =	vsub.f32 $1.500000000e+00, v20;
	v9 =	vmul.f32 v9, v45;
	s6 =	sor.u32 s19, s17;
	v20 =	vsub.f32 $1.500000000e+00, v24;
	s23 =	smul.f32 $1.302083370e-03, s20;
	s20 =	sor.u32 $0x20, s14  }
0x1da: {  	v23 =	vmul.f32 v23, v16;
	v16 =	vmul.f32 v22, v3;
	v22 =	vld [tilespmem:s6+$0x0];
	s7 =	sor.u32 s20, s17;
	v14 =	vsub.f32 v14, v7  }
0x1db: {  	s2 =	smul.f32 s10, s10;
	v9 =	vadd.f32 v9, v42;
	v24 =	vmul.f32 v20, v19;
	v20 =	vmov s8;
	v30 =	vld [tilespmem:s7+$0x0]  }
0x1dc: {  	v19 =	vmul.f32 v27, v12;
	s17 =	simm.s32 $0x19840;
	[tilespmem:s24+$0x100] =	vst v10;
	v29 =	vadd.f32 v16, v6;
	v12 =	vmul.f32 v14, v8;
	v10, _, _ =	vpop (xrf2)  }
0x1dd: {  	s4 =	simm.s32 $0x19B40;
	s11 =	ssub.f32 s23, s2;
	v27 =	vmul.f32 v24, v13;
	v16 =	vld [tilespmem:s17+$0x0];
	v13 =	vsub.f32 v25, v20;
	(v2sf) =	vpush v10, $0xF  }
0x1de: {  	[tilespmem:s26+$0x100] =	vst v9;
	v9 =	vld [tilespmem:s4+$0x0];
	s23 =	sor.u32 s21, s19;
	s2 =	rddreg [dreg:$0xb];
	v25 =	vsub.f32 v26, v7;
	v14, _, _ =	vpop (xrf2);
	v12 =	vmul.f32 v12, v48  }
0x1df: {  	s21 =	sor.u32 s21, s20;
	[tilespmem:s31+$0x100] =	vst v29;
	v10 =	vld [tilespmem:s23+$0x19800];
	v26 =	vmul.f32 v13, v19;
	s8 =	sadd.f32 $9.999999740e-06, s11;
	v22 =	vsub.f32 v22, v7;
	(v2sf) =	vpush v14, $0xF  }
0x1e0: {  	p1 =	por $0x0, $0x0;
	s15 =	sadd.s32 s15, s2;
	v25 =	vmul.f32 v25, v8;
	s1 =	rddreg [dreg:$0xa];
	v14 =	vld [tilespmem:s21+$0x19800];
	v29 =	vsub.f32 v30, v7;
	v30 =	vadd.f32 v12, v47  }
0x1e1: {  	v28 =	vmul.f32 v23, v21;
	v13 =	vld [tilespmem:s23+$0x19B00];
	s2 =	sadd.s32 s18, s15;
	s1 =	simm.s32 @!p1 $0x0;
	v26 =	vmul.f32 v26, v39  }
0x1e2: {  	v31 =	vmov s8;
	v22 =	vmul.f32 v22, v8;
	v12 =	vld [tilespmem:s21+$0x19B00];
	s4 =	sshll.u32 s1, $0x6;
	v25 =	vmul.f32 v25, v16;
	[tilespmem:s2+$0x0] =	vst v30  }
0x1e3: {  	s8 =	sadd.s32 $0x0, s4;
	v56 =	vadd.f32 v26, v38;
	v26 =	vmul.f32 $5.000000000e-01, v31;
	v29 =	vmul.f32 v29, v8;
	v57 =	vld [tilespmem:s12+$0x80]  }
0x1e4: {  	v30 =	vshrl.u32 v31, $0x1;
	v22 =	vmul.f32 v22, v10;
	v31 =	vld [tilespmem:s5+$0x180];
	s17 =	sadd.s32 $0x30, s8;
	v25 =	vadd.f32 v25, v9  }
0x1e5: {  	v28 =	vmul.f32 v28, v23;
	s1 =	smov.u32 s16;
	v30 =	vsub.s32 $0x5F3759DF, v30;
	[tilespmem:s16+$0x180] =	vst v56;
	s11 =	sor.u32 $0x200, s17;
	s16 =	sadd.s32 s14, s15;
	v29 =	vmul.f32 v29, v14  }
0x1e6: {  	v27 =	vmul.f32 v27, v24;
	v22 =	vadd.f32 v22, v13;
	v58 =	vmul.f32 v30, v26;
	v59 =	vld [tilespmem:s11+$0x18000];
	[tilespmem:s16+$0x0] =	vst v25  }
0x1e7: {  	v28 =	vsub.f32 $1.500000000e+00, v28;
	s11 =	sadd.s32 s19, s15;
	v25 =	vadd.f32 v29, v12;
	v29 =	vld [tilespmem:s9+$0x80]  }
0x1e8: {  	s18 =	sadd.s32 s20, s15;
	[tilespmem:s11+$0x0] =	vst v22;
	v22 =	vsub.f32 $1.500000000e+00, v27;
	v27 =	vmul.f32 v30, v58;
	v33 =	vsub.f32 v57, v15  }
0x1e9: {  	v28 =	vmul.f32 v28, v23;
	v60 =	vld [tilespmem:s6+$0x80];
	v31 =	vsub.f32 v31, v20;
	[tilespmem:s18+$0x0] =	vst v25;
	v25 =	vmov s13  }
0x1ea: {  	v23 =	vmul.f32 v22, v24;
	v22 =	vsub.f32 $1.500000000e+00, v27;
	v61 =	vld [tilespmem:s7+$0x80];
	v24 =	vmul.f32 v33, v11  }
0x1eb: {  	v21 =	vmul.f32 v28, v21;
	v27 =	vmul.f32 v31, v19;
	v31 =	vsub.f32 v59, v25  }
0x1ec: {  	v30 =	vmul.f32 v30, v22;
	v22 =	vsub.f32 v29, v15;
	v24 =	vmul.f32 v24, v48;
	s14 =	spop (v2sf)  }
0x1ed: {  	v27 =	vmul.f32 v27, v45;
	v29 =	vmul.f32 v31, v23;
	s19 =	smul.f32 $1.302083370e-03, s14  }
0x1ee: {  	v31 =	vsub.f32 v60, v15;
	v22 =	vmul.f32 v22, v11;
	v24 =	vadd.f32 v24, v47  }
0x1ef: {  	v27 =	vadd.f32 v27, v42;
	v29 =	vmul.f32 v29, v39;
	s15 =	spop (v2sf);
	v62 =	vsub.f32 v61, v15;
	[smem:$0x7E3] =	sst s19  }
0x1f0: {  	v21 =	vmul.f32 v21, v28;
	v31 =	vmul.f32 v31, v11;
	s20 =	smul.f32 $1.302083370e-03, s15;
	v63 =	vld [tilespmem:s0+$0x180];
	[tilespmem:s2+$0x80] =	vst v24  }
0x1f1: {  	s21 =	smul.f32 s19, s19;
	v22 =	vmul.f32 v22, v16;
	v40 =	vld [tilespmem:s3+$0x180];
	v32 =	vmul.f32 v62, v11;
	[tilespmem:s26+$0x180] =	vst v27;
	v27 =	vadd.f32 v29, v38  }
0x1f2: {  	s23 =	sor.u32 $0x200, s8;
	v24 =	vmul.f32 v30, v26;
	v29 =	vmul.f32 v31, v10;
	v31 =	vld [tilespmem:s12+$0x100]  }
0x1f3: {  	s4 =	sor.u32 $0x280, s17;
	s0 =	ssub.f32 s20, s21;
	v41 =	vld [tilespmem:s23+$0x18000];
	v22 =	vadd.f32 v22, v9;
	v32 =	vmul.f32 v32, v14;
	[tilespmem:s1+$0x200] =	vst v27  }
0x1f4: {  	v21 =	vsub.f32 $1.500000000e+00, v21;
	v43 =	vmul.f32 v24, v30;
	v27 =	vadd.f32 v29, v13;
	v44 =	vld [tilespmem:s4+$0x18000]  }
0x1f5: {  	v24 =	vmov s25;
	s0 =	sadd.f32 $9.999999740e-06, s0;
	[tilespmem:s16+$0x80] =	vst v22;
	v32 =	vadd.f32 v32, v12;
	v29 =	vsub.f32 v63, v20  }
0x1f6: {  	v22 =	vmul.f32 v21, v28;
	v21 =	vsub.f32 $1.500000000e+00, v43;
	[tilespmem:s11+$0x80] =	vst v27;
	v28 =	vsub.f32 v40, v20  }
0x1f7: {  	v27 =	vmov s0;
	v49 =	vld [tilespmem:s6+$0x100];
	v31 =	vsub.f32 v31, v17;
	v29 =	vmul.f32 v29, v19  }
0x1f8: {  	[tilespmem:s18+$0x80] =	vst v32;
	v35 =	vmul.f32 $5.000000000e-01, v27;
	v50 =	vsub.f32 v41, v25;
	v28 =	vmul.f32 v28, v19  }
0x1f9: {  	v46 =	vld [tilespmem:s9+$0x100];
	[smem:$0x7E4] =	sst s18;
	v31 =	vmul.f32 v31, v18;
	v33 =	vsub.f32 v44, v24;
	v29 =	vmul.f32 v29, v4  }
0x1fa: {  	v27 =	vshrl.u32 v27, $0x1;
	v51 =	vld [tilespmem:s7+$0x100];
	v32 =	vmul.f32 v50, v23;
	v28 =	vmul.f32 v28, v3  }
0x1fb: {  	v31 =	vmul.f32 v31, v48;
	v33 =	vmul.f32 v33, v22;
	v29 =	vadd.f32 v29, v5  }
0x1fc: {  	s21 =	sadd.s32 $0x10, s8;
	v32 =	vmul.f32 v32, v45;
	v37 =	vsub.f32 v49, v17;
	v28 =	vadd.f32 v28, v6  }
0x1fd: {  	s13 =	sor.u32 $0x200, s21;
	v27 =	vsub.s32 $0x5F3759DF, v27;
	v31 =	vadd.f32 v31, v47;
	[tilespmem:s24+$0x180] =	vst v29;
	v29 =	vmul.f32 v33, v39  }
0x1fe: {  	v34 =	vsub.f32 v46, v17;
	v52 =	vmul.f32 v37, v18;
	v32 =	vadd.f32 v32, v42;
	[tilespmem:s31+$0x180] =	vst v28;
	v53 =	vld [tilespmem:s13+$0x18000]  }
0x1ff: {  	s4 =	sadd.s32 $0x20, s8;
	v54 =	vmul.f32 v27, v35;
	v36 =	vsub.f32 v51, v17;
	[tilespmem:s2+$0x100] =	vst v31;
	v28 =	vadd.f32 v29, v38  }
0x200: {  	s14 =	sor.u32 $0x200, s4;
	v34 =	vmul.f32 v34, v18;
	[tilespmem:s26+$0x200] =	vst v32;
	v29 =	vmul.f32 v52, v10;
	v31 =	vld [tilespmem:s12+$0x180]  }
0x201: {  	s15 =	sor.u32 $0x280, s8;
	s19 =	simm.s32 $0x400;
	s20 =	simm.s32 $0x80;
	v30 =	vmul.f32 v21, v30;
	v55 =	vld [tilespmem:s14+$0x18000];
	v36 =	vmul.f32 v36, v18;
	[tilespmem:s1+$0x280] =	vst v28  }
0x202: {  	s23 =	sor.u32 $0x300, s17;
	v34 =	vmul.f32 v34, v16;
	s14 =	sand.u32 $0x1C00, s19;
	v41 =	vld [tilespmem:s15+$0x18000];
	v28 =	vadd.f32 v29, v13;
	v29 =	vmul.f32 v27, v54;
	[smem:$0x7E7] =	sst s1  }
0x203: {  	s25 =	simm.s32 $0x19B80;
	s12 =	sand.u32 $0x40, s20;
	s19 =	sor.u32 $0x18000, s14;
	v57 =	vmul.f32 v36, v14;
	v43 =	vld [tilespmem:s23+$0x18000];
	v59 =	vsub.f32 v53, v25  }
0x204: {  	v26 =	vmul.f32 v30, v26;
	v56 =	vadd.f32 v34, v9;
	s0 =	sor.u32 s12, s19;
	v21 =	vld [tilespmem:s25+$0x0];
	[tilespmem:s11+$0x100] =	vst v28;
	v28 =	vsub.f32 $1.500000000e+00, v29  }
0x205: {  	s22 =	smov.u32 s26;
	s26 =	simm.s32 $0x19880;
	s13 =	sor.u32 $0x30, s12;
	v58 =	vadd.f32 v57, v12;
	v62 =	vld [tilespmem:s0+$0x0];
	v31 =	vsub.f32 v31, v20;
	v61 =	vmul.f32 v59, v23  }
0x206: {  	v26 =	vmul.f32 v26, v30;
	s20 =	simm.s32 $0x80;
	[tilespmem:s16+$0x100] =	vst v56;
	s23 =	sor.u32 s13, s19;
	v29 =	vld [tilespmem:s26+$0x0];
	v27 =	vmul.f32 v27, v28  }
0x207: {  	p1 =	por !p1, !p1;
	s26 =	sand.u32 $0x380, s20;
	v60 =	vld [tilespmem:s23+$0x0];
	[tilespmem:s18+$0x100] =	vst v58;
	v28 =	vmul.f32 v31, v19;
	v31 =	vmul.f32 v61, v4  }
0x208: {  	s5 =	smov.u32 s1;
	v63 =	vld [tilespmem:s9+$0x180];
	s3 =	sor.u32 s26, s13;
	s18 =	rddreg [dreg:$0xa]  }
0x209: {  	s15 =	sor.u32 $0x10, s12;
	s1 =	smov.u32 s16;
	v56 =	vsub.f32 $1.500000000e+00, v26;
	v26 =	vld [tilespmem:s3+$0x19800];
	v57 =	vmul.f32 v27, v35;
	s18 =	simm.s32 @!p1 $0x0;
	v31 =	vadd.f32 v31, v5  }
0x20a: {  	s25 =	sor.u32 $0x20, s12;
	v44 =	vmul.f32 v28, v48;
	v28 =	vld [tilespmem:s3+$0x19B00];
	s16 =	sshll.u32 s18, $0x6;
	s18 =	sor.u32 s15, s19  }
0x20b: {  	s3 =	sor.u32 s25, s19;
	v36 =	vmul.f32 v57, v27;
	v46 =	vld [tilespmem:s18+$0x0];
	[tilespmem:s24+$0x200] =	vst v31  }
0x20c: {  	s28 =	sor.u32 $0x280, s21;
	v33 =	vsub.f32 v62, v7;
	v34 =	vsub.f32 v60, v7;
	v31 =	vld [tilespmem:s3+$0x0];
	[smem:$0x7E6] =	sst s21  }
0x20d: {  	v32 =	vmul.f32 v56, v30;
	s19 =	sor.u32 s26, s15;
	v30 =	vsub.f32 $1.500000000e+00, v36;
	v50 =	vld [tilespmem:s28+$0x18000]  }
0x20e: {  	s26 =	sor.u32 s26, s25;
	s9 =	sadd.s32 $0x200, s16;
	v44 =	vadd.f32 v44, v47;
	v51 =	vmul.f32 v33, v8;
	v49 =	vmul.f32 v34, v8;
	v33 =	vld [tilespmem:s19+$0x19800]  }
0x20f: {  	v40 =	vsub.f32 v55, v25;
	v41 =	vsub.f32 v41, v24;
	s20 =	sadd.s32 $0x30, s9;
	v36 =	vmul.f32 v30, v27;
	v27 =	vld [tilespmem:s26+$0x19800]  }
0x210: {  	s29 =	sor.u32 $0x200, s20;
	[tilespmem:s2+$0x180] =	vst v44;
	v49 =	vmul.f32 v49, v26;
	v30 =	vld [tilespmem:s19+$0x19B00];
	v46 =	vsub.f32 v46, v7  }
0x211: {  	v40 =	vmul.f32 v40, v23;
	v41 =	vmul.f32 v41, v22;
	s28 =	rddreg [dreg:$0xb];
	v44 =	vld [tilespmem:s29+$0x18000];
	v52 =	vsub.f32 v31, v7  }
0x212: {  	v51 =	vmul.f32 v51, v29;
	s14 =	sadd.s32 s14, s28;
	v49 =	vadd.f32 v49, v28;
	v31 =	vld [tilespmem:s26+$0x19B00];
	v59 =	vmul.f32 v46, v8  }
0x213: {  	v58 =	vsub.f32 v63, v20;
	v34 =	vmov s10;
	s10 =	sadd.s32 s13, s14;
	v60 =	vmul.f32 v52, v8  }
0x214: {  	v61 =	vld [tilespmem:s6+$0x180];
	v51 =	vadd.f32 v51, v21;
	v53 =	vmul.f32 v36, v35;
	[tilespmem:s10+$0x0] =	vst v49;
	v37 =	vmul.f32 v59, v33  }
0x215: {  	s16 =	sadd.s32 s12, s14;
	v35 =	vmul.f32 v58, v19;
	v49 =	vld [tilespmem:s23+$0x80];
	v46 =	vmul.f32 v60, v27  }
0x216: {  	v40 =	vmul.f32 v40, v3;
	v43 =	vsub.f32 v43, v34;
	v54 =	vld [tilespmem:s7+$0x180];
	[tilespmem:s16+$0x0] =	vst v51;
	v37 =	vadd.f32 v37, v30  }
0x217: {  	s30 =	sadd.s32 s15, s14;
	v51 =	vld [tilespmem:s0+$0x80];
	v35 =	vmul.f32 v35, v16;
	v44 =	vsub.f32 v44, v25;
	v46 =	vadd.f32 v46, v31  }
0x218: {  	v41 =	vmul.f32 v41, v45;
	v43 =	vmul.f32 v43, v32;
	s19 =	sadd.s32 s25, s14;
	[tilespmem:s30+$0x0] =	vst v37  }
0x219: {  	v40 =	vadd.f32 v40, v6;
	v35 =	vadd.f32 v35, v9;
	v44 =	vmul.f32 v44, v23;
	[tilespmem:s19+$0x0] =	vst v46  }
0x21a: {  	v41 =	vadd.f32 v41, v42;
	v43 =	vmul.f32 v43, v39;
	v62 =	vsub.f32 v49, v15;
	v49 =	vld [tilespmem:s18+$0x80];
	[smem:$0x7E5] =	sst s1  }
0x21b: {  	v50 =	vsub.f32 v50, v24;
	v57 =	vsub.f32 v61, v20;
	v44 =	vmul.f32 v44, v48;
	[tilespmem:s1+$0x180] =	vst v35;
	v58 =	vld [tilespmem:s3+$0x80]  }
0x21c: {  	s25 =	sor.u32 $0x200, s9;
	v53 =	vmul.f32 v53, v36;
	v59 =	vsub.f32 v54, v20;
	v63 =	vsub.f32 v51, v15;
	[tilespmem:s31+$0x200] =	vst v40  }
0x21d: {  	s26 =	sor.u32 $0x280, s4;
	v50 =	vmul.f32 v50, v22;
	v37 =	vmul.f32 v62, v11;
	v44 =	vadd.f32 v44, v47;
	v55 =	vld [tilespmem:s25+$0x18000];
	[smem:$0x7E9] =	sst s4  }
0x21e: {  	v43 =	vadd.f32 v43, v38;
	v61 =	vmul.f32 v57, v19;
	v46 =	vmul.f32 v63, v11;
	v60 =	vld [tilespmem:s26+$0x18000];
	[smem:$0x7E8] =	sst s22  }
0x21f: {  	s14 =	sor.u32 $0x280, s20;
	v50 =	vmul.f32 v50, v4;
	s12 =	sld [smem:$0x7E3];
	v37 =	vmul.f32 v37, v26;
	v49 =	vsub.f32 v49, v15;
	[tilespmem:s2+$0x200] =	vst v44  }
0x220: {  	s13 =	sor.u32 $0x300, s8;
	v40 =	vmul.f32 v59, v19;
	v46 =	vmul.f32 v46, v29;
	[tilespmem:s22+$0x280] =	vst v41;
	v44 =	vld [tilespmem:s14+$0x18000];
	v52 =	vsub.f32 v58, v15  }
0x221: {  	v41 =	vmul.f32 v61, v10;
	v37 =	vadd.f32 v37, v28;
	v62 =	vld [tilespmem:s13+$0x18000];
	v49 =	vmul.f32 v49, v11  }
0x222: {  	v46 =	vadd.f32 v46, v21;
	[tilespmem:s5+$0x300] =	vst v43;
	v55 =	vsub.f32 v55, v25;
	v57 =	vmul.f32 v52, v11  }
0x223: {  	v41 =	vadd.f32 v41, v13;
	[tilespmem:s10+$0x80] =	vst v37;
	v49 =	vmul.f32 v49, v33;
	v59 =	vsub.f32 v60, v24  }
0x224: {  	v63 =	vadd.f32 v50, v5;
	s25 =	sadd.s32 $0x10, s9;
	[tilespmem:s16+$0x80] =	vst v46;
	v46 =	vld [tilespmem:s23+$0x100];
	v58 =	vmul.f32 v55, v23;
	v50 =	vmul.f32 v57, v27  }
0x225: {  	s15 =	sor.u32 $0x200, s25;
	[tilespmem:s11+$0x180] =	vst v41;
	v60 =	vld [tilespmem:s0+$0x100];
	v61 =	vadd.f32 v49, v30;
	v44 =	vsub.f32 v44, v24;
	v41 =	vmul.f32 v59, v22  }
0x226: {  	[tilespmem:s24+$0x280] =	vst v63;
	v55 =	vld [tilespmem:s15+$0x18000];
	v51 =	vsub.f32 v62, v34;
	v62 =	vmul.f32 v58, v16;
	v63 =	vadd.f32 v50, v31  }
0x227: {  	s17 =	sor.u32 $0x380, s17;
	v53 =	vsub.f32 $1.500000000e+00, v53;
	[tilespmem:s30+$0x80] =	vst v61;
	v44 =	vmul.f32 v44, v22;
	v41 =	vmul.f32 v41, v3  }
0x228: {  	v40 =	vmul.f32 v40, v14;
	s26 =	sor.u32 $0x300, s21;
	v52 =	vld [tilespmem:s17+$0x18000];
	v56 =	vmul.f32 v51, v32;
	v57 =	vadd.f32 v62, v9;
	[tilespmem:s19+$0x80] =	vst v63  }
0x229: {  	v51 =	vld [tilespmem:s26+$0x18000];
	v46 =	vsub.f32 v46, v17;
	v44 =	vmul.f32 v44, v48;
	v41 =	vadd.f32 v41, v6;
	s17 =	sld [smem:$0x7E4]  }
0x22a: {  	v36 =	vmul.f32 v53, v36;
	v40 =	vadd.f32 v40, v12;
	v49 =	vld [tilespmem:s18+$0x100];
	v59 =	vsub.f32 v60, v17;
	[tilespmem:s1+$0x200] =	vst v57  }
0x22b: {  	s6 =	sor.u32 $0x280, s9;
	v61 =	vsub.f32 v55, v25;
	v46 =	vmul.f32 v46, v18;
	v60 =	vld [tilespmem:s3+$0x100];
	v44 =	vadd.f32 v44, v47;
	[tilespmem:s31+$0x280] =	vst v41  }
0x22c: {  	s7 =	sor.u32 $0x300, s4;
	s26 =	sadd.s32 $0x20, s9;
	v58 =	vmul.f32 v56, v45;
	v63 =	vmul.f32 v59, v18;
	v50 =	vld [tilespmem:s6+$0x18000];
	[tilespmem:s17+$0x180] =	vst v40  }
0x22d: {  	s21 =	smov.u32 s3;
	s3 =	sor.u32 $0x200, s26;
	v54 =	vmul.f32 v61, v23;
	v57 =	vmul.f32 v46, v26;
	v46 =	vld [tilespmem:s7+$0x18000];
	[tilespmem:s2+$0x280] =	vst v44  }
0x22e: {  	s8 =	simm.s32 $0x0;
	v35 =	vmov s12;
	s13 =	sor.u32 $0x300, s20;
	v37 =	vadd.f32 v58, v42;
	v43 =	vmul.f32 v63, v29;
	v62 =	vld [tilespmem:s3+$0x18000];
	[smem:$0x7EA] =	sst s2  }
0x22f: {  	s12 =	sor.u32 s8, s8;
	s14 =	simm.s32 $0x19BC0;
	v52 =	vsub.f32 v52, v35;
	v41 =	vadd.f32 v57, v28;
	v54 =	vmul.f32 v54, v10;
	v44 =	vld [tilespmem:s13+$0x18000]  }
0x230: {  	s4 =	sor.u32 $0x380, s12;
	s15 =	simm.s32 $0x600;
	v49 =	vsub.f32 v49, v17;
	v43 =	vadd.f32 v43, v21;
	[tilespmem:s22+$0x300] =	vst v37;
	v37 =	vld [tilespmem:s14+$0x0]  }
0x231: {  	s15 =	sand.u32 $0x1C00, s15;
	v52 =	vmul.f32 v52, v36;
	v40 =	vsub.f32 v60, v17;
	[tilespmem:s10+$0x100] =	vst v41;
	v58 =	vadd.f32 v54, v13;
	s22 =	simm.s32 $0xC0;
	v56 =	vld [tilespmem:s4+$0x18000]  }
0x232: {  	s1 =	sor.u32 $0x280, s25;
	s6 =	smov.u32 s31;
	v49 =	vmul.f32 v49, v18;
	v53 =	vld [tilespmem:s23+$0x180];
	[tilespmem:s16+$0x100] =	vst v43;
	s4 =	sand.u32 $0x40, s22;
	v50 =	vsub.f32 v50, v24  }
0x233: {  	s31 =	smov.u32 s2;
	v39 =	vmul.f32 v52, v39;
	s2 =	sor.u32 $0x18000, s15;
	v40 =	vmul.f32 v40, v18;
	v43 =	vld [tilespmem:s0+$0x180];
	[tilespmem:s11+$0x200] =	vst v58;
	s28 =	sor.u32 $0x30, s4  }
0x234: {  	v61 =	vsub.f32 v51, v34;
	v49 =	vmul.f32 v49, v33;
	v55 =	vld [tilespmem:s1+$0x18000];
	s0 =	sor.u32 s28, s2;
	v50 =	vmul.f32 v50, v22  }
0x235: {  	s3 =	smov.u32 s10;
	s14 =	sor.u32 $0x10, s4;
	s10 =	sor.u32 s4, s2;
	v59 =	vsub.f32 v62, v25;
	v40 =	vmul.f32 v40, v27;
	v54 =	vld [tilespmem:s0+$0x0];
	v60 =	vsub.f32 v44, v34  }
0x236: {  	s12 =	sand.u32 $0x380, s22;
	v63 =	vadd.f32 v49, v30;
	v57 =	vld [tilespmem:s10+$0x0];
	s1 =	sor.u32 s14, s2;
	v49 =	vadd.f32 v39, v38;
	v50 =	vmul.f32 v50, v16  }
0x237: {  	s29 =	sor.u32 $0x20, s4;
	s8 =	sor.u32 s12, s28;
	v51 =	vld [tilespmem:s1+$0x0];
	v62 =	vmul.f32 v59, v23;
	v40 =	vadd.f32 v40, v31;
	v41 =	vmul.f32 v60, v32  }
0x238: {  	s2 =	sor.u32 s29, s2;
	v38 =	vld [tilespmem:s8+$0x19800];
	[tilespmem:s30+$0x100] =	vst v63;
	v52 =	vsub.f32 v56, v35;
	v60 =	vmul.f32 v61, v32;
	v43 =	vsub.f32 v43, v20  }
0x239: {  	s23 =	simm.s32 $0x198C0;
	v59 =	vld [tilespmem:s2+$0x0];
	v61 =	vmul.f32 v62, v14;
	[tilespmem:s19+$0x100] =	vst v40;
	v62 =	vsub.f32 v53, v20;
	v63 =	vmul.f32 v41, v48  }
0x23a: {  	s13 =	simm.s32 $0x198C0;
	v41 =	vld [tilespmem:s8+$0x19B00];
	v53 =	vmul.f32 v60, v4;
	v60 =	vsub.f32 v46, v34;
	[dreg:$0x10] =	wrdreg s23;
	v54 =	vsub.f32 v54, v7  }
0x23b: {  	s7 =	sor.u32 s12, s14;
	v58 =	vadd.f32 v61, v12;
	v61 =	vmul.f32 v62, v19;
	v40 =	vld [tilespmem:s13+$0x0];
	v46 =	vadd.f32 v63, v47  }
0x23c: {  	p1 =	por !p1, !p1;
	v57 =	vsub.f32 v57, v7;
	v52 =	vmul.f32 v52, v36;
	s5 =	rddreg [dreg:$0xa];
	s8 =	sor.u32 s12, s29;
	v39 =	vld [tilespmem:s7+$0x19800];
	v56 =	vmul.f32 v60, v32  }
0x23d: {  	s20 =	sor.u32 $0x380, s20;
	v51 =	vsub.f32 v51, v7;
	s5 =	simm.s32 @!p1 $0x0;
	v44 =	vld [tilespmem:s8+$0x19800];
	v54 =	vmul.f32 v54, v8;
	v60 =	vmul.f32 v61, v26;
	[tilespmem:s31+$0x300] =	vst v46  }
0x23e: {  	v62 =	vmul.f32 v43, v19;
	v57 =	vmul.f32 v57, v8;
	s5 =	sshll.u32 s5, $0x6;
	v59 =	vsub.f32 v59, v7;
	v61 =	vld [tilespmem:s20+$0x18000]  }
0x23f: {  	v51 =	vmul.f32 v51, v8;
	s12 =	sadd.s32 $0x400, s5;
	s5 =	smov.u32 s30;
	s30 =	rddreg [dreg:$0xb];
	v46 =	vld [tilespmem:s7+$0x19B00];
	v54 =	vmul.f32 v54, v38;
	v60 =	vadd.f32 v60, v28  }
0x240: {  	v43 =	vld [tilespmem:s8+$0x19B00];
	v62 =	vmul.f32 v62, v29;
	s7 =	sadd.s32 $0x30, s12;
	s15 =	sadd.s32 s15, s30;
	v57 =	vmul.f32 v57, v40  }
0x241: {  	v45 =	vmul.f32 v52, v45;
	v59 =	vmul.f32 v59, v8;
	s20 =	sor.u32 $0x200, s7;
	s23 =	sadd.s32 s4, s15;
	s4 =	smov.u32 s17;
	v54 =	vadd.f32 v54, v41;
	[tilespmem:s3+$0x180] =	vst v60  }
0x242: {  	s8 =	sadd.s32 s28, s15;
	v62 =	vadd.f32 v62, v21;
	v51 =	vmul.f32 v51, v39;
	[tilespmem:s4+$0x200] =	vst v58;
	v60 =	vld [tilespmem:s20+$0x18000];
	v57 =	vadd.f32 v57, v37  }
0x243: {  	v63 =	vld [tilespmem:s18+$0x180];
	v59 =	vmul.f32 v59, v44;
	[tilespmem:s8+$0x0] =	vst v54;
	v54 =	vsub.f32 v55, v24;
	v52 =	vsub.f32 v61, v35  }
0x244: {  	v50 =	vadd.f32 v50, v9;
	[tilespmem:s16+$0x180] =	vst v62;
	v51 =	vadd.f32 v51, v46;
	v61 =	vld [tilespmem:s21+$0x180]  }
0x245: {  	s30 =	sadd.s32 s14, s15;
	v62 =	vadd.f32 v59, v43;
	[tilespmem:s23+$0x0] =	vst v57;
	v57 =	vld [tilespmem:s0+$0x80];
	v54 =	vmul.f32 v54, v22;
	v52 =	vmul.f32 v52, v36  }
0x246: {  	v53 =	vadd.f32 v53, v5;
	v42 =	vadd.f32 v45, v42;
	v56 =	vmul.f32 v56, v3;
	s31 =	sadd.s32 s29, s15;
	v45 =	vld [tilespmem:s10+$0x80];
	[tilespmem:s30+$0x0] =	vst v51  }
0x247: {  	s21 =	sor.u32 $0x200, s12;
	[tilespmem:s31+$0x0] =	vst v62;
	v54 =	vmul.f32 v54, v10;
	v55 =	vld [tilespmem:s1+$0x80];
	v51 =	vsub.f32 v60, v25;
	v48 =	vmul.f32 v52, v48  }
0x248: {  	v59 =	vld [tilespmem:s21+$0x18000];
	s15 =	sld [smem:$0x7E5];
	v52 =	vadd.f32 v56, v6;
	v56 =	vsub.f32 v63, v20  }
0x249: {  	v54 =	vadd.f32 v54, v13;
	v51 =	vmul.f32 v51, v23;
	v48 =	vadd.f32 v48, v47;
	v47 =	vld [tilespmem:s2+$0x80]  }
0x24a: {  	v60 =	vsub.f32 v61, v20;
	v57 =	vsub.f32 v57, v15  }
0x24b: {  	s9 =	sor.u32 $0x300, s9;
	[tilespmem:s15+$0x280] =	vst v50;
	v56 =	vmul.f32 v56, v19;
	v45 =	vsub.f32 v45, v15;
	v51 =	vmul.f32 v51, v26  }
0x24c: {  	s18 =	smov.u32 s6;
	s6 =	smov.u32 s0;
	s0 =	sor.u32 $0x280, s26;
	v63 =	vld [tilespmem:s9+$0x18000];
	v58 =	vmul.f32 v60, v19;
	v50 =	vmul.f32 v57, v11;
	v61 =	vsub.f32 v55, v15  }
0x24d: {  	v60 =	vld [tilespmem:s0+$0x18000];
	[dreg:$0xf] =	wrdreg s11;
	v56 =	vmul.f32 v56, v33;
	v45 =	vmul.f32 v45, v11;
	v51 =	vadd.f32 v51, v28  }
0x24e: {  	v57 =	vsub.f32 v59, v25;
	[tilespmem:s11+$0x280] =	vst v54;
	v50 =	vmul.f32 v50, v38;
	v47 =	vsub.f32 v47, v15  }
0x24f: {  	v54 =	vmul.f32 v61, v11;
	v45 =	vmul.f32 v45, v40;
	v56 =	vadd.f32 v56, v30;
	[tilespmem:s3+$0x200] =	vst v51  }
0x250: {  	s11 =	sor.u32 $0x300, s25;
	v58 =	vmul.f32 v58, v27;
	v50 =	vadd.f32 v50, v41;
	s14 =	sld [smem:$0x7E6];
	[tilespmem:s24+$0x300] =	vst v53;
	v47 =	vmul.f32 v47, v11  }
0x251: {  	s13 =	sor.u32 $0x280, s7;
	v62 =	vld [tilespmem:s11+$0x18000];
	s11 =	smov.u32 s3;
	s3 =	sadd.s32 $0x10, s12;
	v54 =	vmul.f32 v54, v39;
	v45 =	vadd.f32 v45, v37;
	[tilespmem:s5+$0x180] =	vst v56  }
0x252: {  	v57 =	vmul.f32 v57, v23;
	v51 =	vld [tilespmem:s13+$0x18000];
	v53 =	vadd.f32 v58, v31;
	s21 =	sor.u32 $0x200, s3;
	[tilespmem:s8+$0x80] =	vst v50;
	v47 =	vmul.f32 v47, v44  }
0x253: {  	v56 =	vld [tilespmem:s21+$0x18000];
	[tilespmem:s23+$0x80] =	vst v45;
	v45 =	vadd.f32 v54, v46  }
0x254: {  	s9 =	sadd.s32 $0x20, s12;
	v57 =	vmul.f32 v57, v29;
	v59 =	vsub.f32 v60, v24;
	v54 =	vld [tilespmem:s6+$0x100];
	[tilespmem:s19+$0x180] =	vst v53;
	v47 =	vadd.f32 v47, v43  }
0x255: {  	s0 =	sor.u32 $0x200, s9;
	v60 =	vld [tilespmem:s10+$0x100];
	[tilespmem:s30+$0x80] =	vst v45  }
0x256: {  	v50 =	vsub.f32 v63, v34;
	v61 =	vadd.f32 v57, v21;
	v63 =	vmul.f32 v59, v22;
	s20 =	sor.u32 $0x380, s14;
	v59 =	vld [tilespmem:s0+$0x18000];
	[tilespmem:s31+$0x80] =	vst v47  }
0x257: {  	v58 =	vld [tilespmem:s20+$0x18000];
	[dreg:$0xe] =	wrdreg s1  }
0x258: {  	[tilespmem:s16+$0x200] =	vst v61  }
0x259: {  	s21 =	sld [smem:$0x7E7];
	_ =	sdelay $0x1  }
0x25a: {  	v57 =	vld [tilespmem:s1+$0x100];
	[dreg:$0x12] =	wrdreg s2  }
0x25b: {  	s17 =	smov.u32 s10;
	s10 =	simm.s32 $0x40;
	s1 =	simm.s32 $0x200;
	[tilespmem:s21+$0x380] =	vst v49  }
0x25c: {  	v55 =	vsub.f32 v62, v34;
	s1 =	sor.u32 s1, s10;
	s10 =	sld [smem:$0x7E8];
	_ =	sdelay $0x1  }
0x25d: {  	v55 =	vmul.f32 v55, v32  }
0x25e: {  	s13 =	sor.u32 $0x280, s12;
	v62 =	vmul.f32 v63, v14;
	v63 =	vsub.f32 v58, v35;
	v58 =	vld [tilespmem:s2+$0x100];
	[tilespmem:s10+$0x380] =	vst v42  }
0x25f: {  	s28 =	smov.u32 s16;
	v50 =	vmul.f32 v50, v32;
	v45 =	vmul.f32 v55, v10;
	v55 =	vld [tilespmem:s13+$0x18000];
	s13 =	sor.u32 $0x380, s25;
	s2 =	sld [smem:$0x7E9]  }
0x260: {  	s14 =	simm.s32 $0x400;
	v51 =	vsub.f32 v51, v24;
	s16 =	simm.s32 $0x80;
	[dreg:$0x11] =	wrdreg s13  }
0x261: {  	v50 =	vmul.f32 v50, v16;
	s20 =	sor.u32 s14, s16;
	[dreg:$0xd] =	wrdreg s18  }
0x262: {  	v51 =	vmul.f32 v51, v22;
	s14 =	sor.u32 $0x380, s20;
	s20 =	simm.s32 $0x600;
	v49 =	vsub.f32 v54, v17;
	v54 =	vadd.f32 v62, v12;
	[tilespmem:s18+$0x300] =	vst v52  }
0x263: {  	[dreg:$0xc] =	wrdreg s20  }
0x264: {  	v51 =	vmul.f32 v51, v26;
	v61 =	vadd.f32 v50, v9;
	s13 =	sor.u32 $0x280, s3;
	s2 =	sor.u32 $0x380, s2;
	[tilespmem:s4+$0x280] =	vst v54  }
0x265: {  	s16 =	sor.u32 $0x300, s26;
	s18 =	sor.u32 $0x300, s3;
	v42 =	vld [tilespmem:s2+$0x18000];
	[dreg:$0x14] =	wrdreg s13  }
0x266: {  	v53 =	vsub.f32 v60, v17;
	v51 =	vadd.f32 v51, v28;
	s13 =	sor.u32 $0x380, s3;
	s3 =	smov.u32 s15;
	[tilespmem:s15+$0x300] =	vst v61;
	s15 =	sor.u32 $0x280, s9  }
0x267: {  	s21 =	smov.u32 s11;
	v49 =	vmul.f32 v49, v18;
	v50 =	vld [tilespmem:s16+$0x18000];
	[dreg:$0x13] =	wrdreg s15  }
0x268: {  	s29 =	simm.s32 $0xC;
	s0 =	smov.u32 s7;
	v56 =	vsub.f32 v56, v25;
	v53 =	vmul.f32 v53, v18;
	v47 =	vmul.f32 v63, v36;
	[tilespmem:s21+$0x280] =	vst v51  }
0x269: {  	s25 =	sor.u32 $0x380, s26;
	s26 =	simm.s32 $0x600;
	v62 =	vsub.f32 v57, v17;
	v58 =	vsub.f32 v58, v17;
	v63 =	vmul.f32 v49, v38;
	s20 =	sld [smem:$0x7EA]  }
0x26a: {  	v60 =	vmul.f32 v56, v23;
	s1 =	sor.u32 $0x380, s1;
	v56 =	vmul.f32 v53, v40;
	s11 =	sor.u32 $0x380, s9;
	s10 =	sor.u32 s26, s22;
	v52 =	vsub.f32 v59, v25  }
0x26b: {  	v57 =	vmul.f32 v62, v18;
	s26 =	sor.u32 $0x300, s12;
	s12 =	sor.u32 $0x300, s9;
	v58 =	vmul.f32 v58, v18;
	v59 =	vadd.f32 v63, v41;
	s16 =	sor.u32 $0x300, s0;
	v49 =	vld [tilespmem:s1+$0x18000]  }
0x26c: {  	s10 =	sor.u32 $0x380, s10;
	v52 =	vmul.f32 v52, v23;
	v54 =	vsub.f32 v55, v24;
	v55 =	vmul.f32 v60, v33;
	s9 =	simm.s32 $0x19C00;
	v53 =	vld [tilespmem:s16+$0x18000];
	[tilespmem:s20+$0x380] =	vst v48;
	s20 =	simm.s32 $0x600  }
.LBB2_8:
0x26d: {  	[smem:$0x7DF] =	sst s28  }
0x26e: {  	[smem:$0x7E0] =	sst s31  }
0x26f: {  	[smem:$0x7E1] =	sst s26  }
0x270: {  	[dreg:$0x1e] =	wrdreg s13  }
0x271: {  	[dreg:$0x1d] =	wrdreg s25  }
0x272: {  	[dreg:$0x1a] =	wrdreg s11  }
0x273: {  	[dreg:$0x19] =	wrdreg s18  }
0x274: {  	[dreg:$0x18] =	wrdreg s12  }
0x275: {  	[dreg:$0x16] =	wrdreg s10  }
0x276: {  	[dreg:$0x15] =	wrdreg s14  }
0x277: {  	s1 =	rddreg [dreg:$0x10]  }
0x278: {  	s11 =	rddreg [dreg:$0xc]  }
0x279: {  	s22 =	sadd.s32 $0x40, s22;
	s2 =	rddreg [dreg:$0x14]  }
0x27a: {  	v51 =	vld [tilespmem:s9+$0x0];
	s26 =	rddreg [dreg:$0xa];
	v48 =	vadd.f32 v56, v37;
	v61 =	vmul.f32 v57, v39;
	s1 =	sadd.s32 $0x40, s1;
	v62 =	vmul.f32 v52, v27;
	s18 =	sadd.s32 $0x200, s11  }
0x27b: {  	p1 =	por !p1, !p1;
	v58 =	vmul.f32 v58, v44;
	[tilespmem:s8+$0x100] =	vst v59;
	v54 =	vmul.f32 v54, v22;
	v55 =	vadd.f32 v55, v30;
	s14 =	sand.u32 $0x40, s22;
	v52 =	vld [tilespmem:s1+$0x0];
	s16 =	sand.u32 $0x1C00, s18  }
0x27c: {  	v45 =	vadd.f32 v45, v13;
	s0 =	sor.u32 $0x380, s0;
	v60 =	vld [tilespmem:s6+$0x180];
	s15 =	sor.u32 $0x30, s14;
	[tilespmem:s23+$0x100] =	vst v48;
	v63 =	vadd.f32 v61, v46;
	s12 =	sor.u32 $0x18000, s16  }
0x27d: {  	s26 =	simm.s32 @!p1 $0x0;
	s13 =	sor.u32 s18, s22;
	v58 =	vadd.f32 v58, v43;
	v54 =	vmul.f32 v54, v29;
	[tilespmem:s5+$0x200] =	vst v55;
	v61 =	vld [tilespmem:s17+$0x180];
	v50 =	vsub.f32 v50, v34;
	s6 =	sor.u32 s15, s12  }
0x27e: {  	v47 =	vmul.f32 v47, v4;
	[dreg:$0x10] =	wrdreg s1;
	v57 =	vadd.f32 v62, v31;
	s7 =	sor.u32 $0x380, s13;
	v53 =	vsub.f32 v53, v34;
	s10 =	sor.u32 s14, s12;
	[tilespmem:s30+$0x100] =	vst v63;
	v62 =	vld [tilespmem:s6+$0x0]  }
0x27f: {  	v4 =	vmovc v10;
	v10 =	vmov v33;
	s11 =	sor.u32 $0x10, s14;
	s17 =	sor.u32 $0x20, s14;
	[dreg:$0x17] =	wrdreg s7;
	[tilespmem:s31+$0x100] =	vst v58;
	v54 =	vadd.f32 v54, v21;
	v55 =	vld [tilespmem:s10+$0x0];
	v50 =	vmul.f32 v50, v32  }
0x280: {  	v42 =	vsub.f32 v42, v35;
	v5 =	vadd.f32 v47, v5;
	s1 =	sor.u32 s17, s12;
	[tilespmem:s19+$0x200] =	vst v57;
	v48 =	vld [tilespmem:s2+$0x18000];
	s2 =	sor.u32 s11, s12;
	v53 =	vmul.f32 v53, v32;
	s12 =	sand.u32 $0x380, s22  }
0x281: {  	s26 =	sshll.u32 s26, $0x6;
	v49 =	vsub.f32 v49, v35;
	s7 =	rddreg [dreg:$0xf];
	v47 =	vld [tilespmem:s2+$0x0];
	v56 =	vsub.f32 v60, v20;
	[tilespmem:s28+$0x280] =	vst v54;
	s25 =	sor.u32 s12, s15;
	v50 =	vmul.f32 v50, v14  }
0x282: {  	[dreg:$0xc] =	wrdreg s18;
	v58 =	vmul.f32 v42, v36;
	s31 =	smov.u32 s3;
	[tilespmem:s24+$0x380] =	vst v5;
	s24 =	smov.u32 s7;
	v53 =	vmul.f32 v53, v26;
	v59 =	vld [tilespmem:s25+$0x19800];
	v57 =	vsub.f32 v61, v20  }
0x283: {  	s13 =	sor.u32 s12, s11;
	v54 =	vld [tilespmem:s1+$0x0];
	[tilespmem:s7+$0x300] =	vst v45;
	s12 =	sor.u32 s12, s17;
	[dreg:$0x1b] =	wrdreg s24;
	v45 =	vmul.f32 v56, v19;
	v50 =	vadd.f32 v50, v12;
	v61 =	vsub.f32 v62, v7  }
0x284: {  	v33 =	vmovc v39;
	v49 =	vmul.f32 v49, v36;
	s28 =	smov.u32 s5;
	s24 =	smov.u32 s30;
	v42 =	vld [tilespmem:s25+$0x19B00];
	s25 =	rddreg [dreg:$0xb];
	v53 =	vadd.f32 v53, v28;
	v56 =	vmul.f32 v57, v19  }
0x285: {  	v39 =	vld [tilespmem:s13+$0x19800];
	[smem:$0x7E2] =	sst s24;
	s24 =	sadd.s32 s26, s20;
	s20 =	smov.u32 s18;
	v55 =	vsub.f32 v55, v7;
	v57 =	vmul.f32 v45, v38;
	[tilespmem:s4+$0x300] =	vst v50;
	v50 =	vmul.f32 v61, v8  }
0x286: {  	s5 =	smov.u32 s21;
	[dreg:$0x1c] =	wrdreg s20;
	s20 =	sadd.s32 $0x10, s24;
	v48 =	vsub.f32 v48, v24;
	v63 =	vsub.f32 v47, v7;
	[tilespmem:s21+$0x300] =	vst v53;
	v47 =	vld [tilespmem:s13+$0x19B00];
	v56 =	vmul.f32 v56, v40  }
0x287: {  	[dreg:$0xf] =	wrdreg s28;
	s18 =	sor.u32 $0x280, s20;
	v53 =	vmul.f32 v55, v8;
	s21 =	sadd.s32 $0x20, s24;
	v55 =	vadd.f32 v57, v41;
	v57 =	vld [tilespmem:s0+$0x18000];
	v50 =	vmul.f32 v50, v59  }
0x288: {  	v5 =	vmovc v13;
	v54 =	vsub.f32 v54, v7;
	[dreg:$0x14] =	wrdreg s18;
	v60 =	vmul.f32 v48, v22;
	v45 =	vld [tilespmem:s12+$0x19800];
	s0 =	sadd.s32 $0x30, s24;
	s26 =	sor.u32 $0x200, s21;
	v56 =	vadd.f32 v56, v37  }
0x289: {  	v48 =	vld [tilespmem:s12+$0x19B00];
	v61 =	vmul.f32 v63, v8;
	v53 =	vmul.f32 v53, v52;
	[dreg:$0x1f] =	wrdreg s26;
	s13 =	sor.u32 $0x200, s0;
	s26 =	sadd.s32 s16, s25;
	[tilespmem:s8+$0x180] =	vst v55;
	v50 =	vadd.f32 v50, v42  }
0x28a: {  	v13 =	vmovc v30;
	v30 =	vmov v46;
	v58 =	vmul.f32 v58, v3;
	v54 =	vmul.f32 v54, v8;
	s25 =	rddreg [dreg:$0xe];
	s30 =	sadd.s32 s11, s26;
	s11 =	sadd.s32 s15, s26;
	v55 =	vld [tilespmem:s13+$0x18000];
	[tilespmem:s23+$0x180] =	vst v56  }
0x28b: {  	s7 =	smov.u32 s19;
	s19 =	smov.u32 s4;
	s4 =	sld [smem:$0x7DF];
	v46 =	vmul.f32 v61, v39;
	v53 =	vadd.f32 v53, v51;
	v56 =	vmul.f32 v60, v10;
	v60 =	vld [tilespmem:s25+$0x180];
	[tilespmem:s11+$0x0] =	vst v50  }
0x28c: {  	v3 =	vmovc v14;
	v49 =	vmul.f32 v49, v16;
	v16 =	vmov v29;
	s18 =	sadd.s32 s14, s26;
	s17 =	sadd.s32 s17, s26;
	s26 =	rddreg [dreg:$0x12];
	v62 =	vsub.f32 v57, v35;
	v63 =	vld [tilespmem:s6+$0x80]  }
0x28d: {  	v6 =	vadd.f32 v58, v6;
	s3 =	sor.u32 $0x200, s24;
	s12 =	sor.u32 $0x200, s20;
	s16 =	sor.u32 $0x380, s21;
	v54 =	vmul.f32 v54, v45;
	v50 =	vld [tilespmem:s26+$0x180];
	[tilespmem:s18+$0x0] =	vst v53;
	v46 =	vadd.f32 v46, v47  }
0x28e: {  	v29 =	vmovc v40;
	v49 =	vadd.f32 v49, v9;
	s14 =	sor.u32 $0x300, s21;
	s13 =	sor.u32 $0x300, s20;
	s26 =	sor.u32 $0x280, s21;
	v61 =	vadd.f32 v56, v13;
	v57 =	vld [tilespmem:s10+$0x80];
	v56 =	vmul.f32 v62, v36  }
0x28f: {  	v14 =	vmovc v27;
	v27 =	vmov v44;
	s21 =	rddreg [dreg:$0xd];
	v54 =	vadd.f32 v54, v48;
	[tilespmem:s30+$0x0] =	vst v46;
	v46 =	vld [tilespmem:s3+$0x18000];
	s3 =	smov.u32 s4;
	s4 =	smov.u32 s19;
	v55 =	vsub.f32 v55, v25  }
0x290: {  	v9 =	vmovc v21;
	v21 =	vmov v37;
	s25 =	sor.u32 $0x380, s20;
	s20 =	smov.u32 s2;
	[tilespmem:s28+$0x280] =	vst v61;
	[dreg:$0xd] =	wrdreg s4;
	v60 =	vsub.f32 v60, v20;
	v61 =	vmul.f32 v56, v26  }
0x291: {  	v40 =	vmovc v52;
	v37 =	vmov v51;
	s2 =	smov.u32 s1;
	s4 =	smov.u32 s7;
	s7 =	sld [smem:$0x7E0];
	v51 =	vld [tilespmem:s20+$0x80];
	[tilespmem:s17+$0x0] =	vst v54;
	v55 =	vmul.f32 v55, v23;
	v62 =	vsub.f32 v63, v15  }
0x292: {  	s28 =	smov.u32 s23;
	s23 =	smov.u32 s18;
	s18 =	rddreg [dreg:$0x13];
	v26 =	vmovc v38;
	v56 =	vld [tilespmem:s2+$0x80];
	v50 =	vsub.f32 v50, v20;
	v63 =	vmul.f32 v60, v19;
	v60 =	vadd.f32 v61, v28  }
0x293: {  	v52 =	vld [tilespmem:s18+$0x18000];
	[tilespmem:s21+$0x380] =	vst v6;
	s18 =	sld [smem:$0x7E1];
	v6 =	vsub.f32 v57, v15;
	v61 =	vmul.f32 v55, v26;
	v62 =	vmul.f32 v62, v11  }
0x294: {  	[tilespmem:s31+$0x380] =	vst v49;
	v38 =	vmovc v59;
	s21 =	smov.u32 s26;
	s19 =	smov.u32 s7;
	v28 =	vmov v41;
	s7 =	rddreg [dreg:$0x19];
	v50 =	vmul.f32 v50, v19;
	v57 =	vsub.f32 v46, v25  }
0x295: {  	[dreg:$0x13] =	wrdreg s21;
	v49 =	vld [tilespmem:s7+$0x18000];
	[tilespmem:s5+$0x380] =	vst v60;
	v6 =	vmul.f32 v6, v11;
	v60 =	vadd.f32 v61, v28;
	v61 =	vmul.f32 v62, v38  }
0x296: {  	s21 =	smov.u32 s8;
	s8 =	smov.u32 s11;
	s11 =	rddreg [dreg:$0x11];
	v41 =	vmovc v42;
	v55 =	vld [tilespmem:s18+$0x18000];
	v63 =	vmul.f32 v63, v33;
	v51 =	vsub.f32 v51, v15;
	v50 =	vmul.f32 v50, v27  }
0x297: {  	v44 =	vmovc v45;
	s5 =	sld [smem:$0x7E2];
	v56 =	vsub.f32 v56, v15;
	v6 =	vmul.f32 v6, v40;
	v61 =	vadd.f32 v61, v41  }
0x298: {  	v54 =	vld [tilespmem:s11+$0x18000];
	s7 =	sor.u32 $0x280, s0;
	v63 =	vadd.f32 v63, v30;
	v52 =	vsub.f32 v52, v24;
	v62 =	vmul.f32 v51, v11;
	[tilespmem:s21+$0x200] =	vst v60  }
0x299: {  	v50 =	vadd.f32 v50, v43;
	v60 =	vmul.f32 v56, v11;
	v58 =	vld [tilespmem:s7+$0x18000];
	v6 =	vadd.f32 v6, v37;
	[tilespmem:s8+$0x80] =	vst v61  }
0x29a: {  	[tilespmem:s5+$0x180] =	vst v63;
	v59 =	vsub.f32 v49, v34;
	v52 =	vmul.f32 v52, v22;
	v45 =	vmul.f32 v62, v39;
	v56 =	vld [tilespmem:s6+$0x100]  }
0x29b: {  	s11 =	rddreg [dreg:$0x1d];
	v46 =	vmovc v47;
	v62 =	vmul.f32 v57, v23;
	v53 =	vld [tilespmem:s12+$0x18000];
	v55 =	vsub.f32 v55, v34;
	v63 =	vmul.f32 v60, v44  }
0x29c: {  	s15 =	sor.u32 $0x280, s24;
	[dreg:$0xe] =	wrdreg s20;
	v42 =	vld [tilespmem:s11+$0x18000];
	[tilespmem:s23+$0x80] =	vst v6;
	v47 =	vmul.f32 v59, v32;
	v61 =	vmul.f32 v52, v14;
	v6 =	vadd.f32 v45, v46  }
0x29d: {  	s24 =	sor.u32 $0x300, s24;
	s11 =	smov.u32 s16;
	s16 =	rddreg [dreg:$0x1f];
	[tilespmem:s19+$0x180] =	vst v50;
	v57 =	vmul.f32 v62, v29;
	v49 =	vld [tilespmem:s10+$0x100];
	v50 =	vmul.f32 v55, v32;
	v51 =	vadd.f32 v63, v48  }
0x29e: {  	s31 =	smov.u32 s17;
	s18 =	smov.u32 s13;
	s13 =	rddreg [dreg:$0x1e];
	v55 =	vld [tilespmem:s16+$0x18000];
	v62 =	vsub.f32 v54, v35;
	v45 =	vmul.f32 v47, v10;
	[tilespmem:s30+$0x80] =	vst v6;
	v63 =	vsub.f32 v58, v24  }
0x29f: {  	[dreg:$0x12] =	wrdreg s2;
	s26 =	smov.u32 s24;
	s24 =	smov.u32 s13;
	v60 =	vadd.f32 v57, v21;
	v50 =	vmul.f32 v50, v16;
	v57 =	vld [tilespmem:s20+$0x100];
	[tilespmem:s31+$0x80] =	vst v51;
	v56 =	vsub.f32 v56, v17  }
0x2a0: {  	s29 =	sadd.s32 $0x4, s29;
	[dreg:$0x11] =	wrdreg s24;
	v47 =	vmul.f32 v62, v36;
	v53 =	vsub.f32 v53, v25;
	v54 =	vld [tilespmem:s2+$0x100];
	v58 =	vmul.f32 v63, v22  }
0x2a1: {  	p2 =	slt.u32 s29, $0x2C;
	s24 =	rddreg [dreg:$0x1a];
	v51 =	vadd.f32 v61, v31;
	[tilespmem:s28+$0x200] =	vst v60;
	v6 =	vmov v12;
	v56 =	vmul.f32 v56, v18  }
0x2a2: {  	s13 =	smov.u32 s25;
	s25 =	smov.u32 s24;
	s24 =	rddreg [dreg:$0x1b];
	v12 =	vmovc v31;
	v59 =	vld [tilespmem:s15+$0x18000];
	v49 =	vsub.f32 v49, v17;
	v53 =	vmul.f32 v53, v23;
	v63 =	vmul.f32 v58, v26  }
.Ltmp2:
0x2a3: {  	s12 =	smov.u32 s14;
	s14 =	rddreg [dreg:$0x15];
	v31 =	vmovc v43;
	v55 =	vsub.f32 v55, v25;
	v58 =	vadd.f32 v50, v9;
	v43 =	vmul.f32 v56, v38;
	(pc) =	sbr.rel @p2 .LBB2_8-.Ltmp2, $4  }
0x2a4: {  	s2 =	rddreg [dreg:$0x18];
	[tilespmem:s4+$0x280] =	vst v51;
	v49 =	vmul.f32 v49, v18;
	v51 =	vsub.f32 v57, v17;
	v60 =	vadd.f32 v63, v28  }
0x2a5: {  	s9 =	sadd.s32 $0x40, s9;
	s16 =	rddreg [dreg:$0x17];
	v50 =	vld [tilespmem:s2+$0x18000];
	v52 =	vmul.f32 v55, v23;
	v55 =	vmul.f32 v53, v33;
	[tilespmem:s3+$0x300] =	vst v58;
	v62 =	vsub.f32 v54, v17  }
0x2a6: {  	s17 =	smov.u32 s10;
	s7 =	sor.u32 $0x300, s0;
	s15 =	rddreg [dreg:$0x16];
	v56 =	vmul.f32 v49, v40;
	v49 =	vld [tilespmem:s14+$0x18000];
	v57 =	vmul.f32 v51, v18;
	[tilespmem:s21+$0x280] =	vst v60  }
0x2a7: {  	s10 =	smov.u32 s16;
	s20 =	rddreg [dreg:$0x1c];
	s14 =	smov.u32 s15;
	v54 =	vsub.f32 v59, v24;
	v58 =	vmul.f32 v62, v18;
	v59 =	vadd.f32 v43, v41;
	v53 =	vld [tilespmem:s7+$0x18000];
	v43 =	vmovc v48  }
0x2a8: {  	v7 =	vadd.f32 v56, v37;
	v8 =	vmul.f32 v57, v39  }
0x2a9: {  	[tilespmem:s8+$0x100] =	vst v59;
	v15 =	vmul.f32 v58, v44  }
0x2aa: {  	v11 =	vld [tilespmem:s6+$0x180];
	[tilespmem:s23+$0x100] =	vst v7;
	v48 =	vadd.f32 v8, v46  }
0x2ab: {  	v51 =	vld [tilespmem:s17+$0x180];
	v15 =	vadd.f32 v15, v43  }
0x2ac: {  	[tilespmem:s30+$0x100] =	vst v48  }
0x2ad: {  	s1 =	rddreg [dreg:$0xe];
	[tilespmem:s31+$0x100] =	vst v15  }
0x2ae: {  	v7 =	vld [tilespmem:s1+$0x180];
	s17 =	rddreg [dreg:$0x12]  }
0x2af: {  	v15 =	vld [tilespmem:s17+$0x180];
	v11 =	vsub.f32 v11, v20  }
0x2b0: {  	v8 =	vsub.f32 v51, v20  }
0x2b1: {  	v11 =	vmul.f32 v11, v19  }
0x2b2: {  	s9 =	smov.u32 s0;
	p1 =	por !p1, !p1;
	s0 =	rddreg [dreg:$0xa];
	v8 =	vmul.f32 v8, v19  }
0x2b3: {  	s0 =	simm.s32 @!p1 $0x0;
	v11 =	vmul.f32 v11, v38;
	v7 =	vsub.f32 v7, v20  }
0x2b4: {  	s0 =	sshll.u32 s0, $0x6;
	v15 =	vsub.f32 v15, v20;
	v8 =	vmul.f32 v8, v40  }
0x2b5: {  	s1 =	sadd.s32 s0, s20;
	v11 =	vadd.f32 v11, v41;
	v7 =	vmul.f32 v7, v19  }
0x2b6: {  	s7 =	sadd.s32 $0x30, s1;
	v15 =	vmul.f32 v15, v19;
	v8 =	vadd.f32 v8, v37  }
0x2b7: {  	s20 =	sor.u32 $0x200, s7;
	[tilespmem:s8+$0x180] =	vst v11;
	v7 =	vmul.f32 v7, v39  }
0x2b8: {  	s22 =	sor.u32 $0x200, s1;
	v11 =	vld [tilespmem:s20+$0x18000];
	v15 =	vmul.f32 v15, v44;
	[tilespmem:s23+$0x180] =	vst v8  }
0x2b9: {  	v7 =	vadd.f32 v7, v46;
	v8 =	vld [tilespmem:s22+$0x18000]  }
0x2ba: {  	s6 =	sadd.s32 $0x10, s1;
	v15 =	vadd.f32 v15, v43  }
0x2bb: {  	s0 =	sadd.s32 $0x20, s1;
	s2 =	sor.u32 $0x200, s6;
	[tilespmem:s30+$0x180] =	vst v7  }
0x2bc: {  	s29 =	sor.u32 $0x200, s0;
	v7 =	vld [tilespmem:s2+$0x18000];
	[tilespmem:s31+$0x180] =	vst v15  }
0x2bd: {  	v15 =	vld [tilespmem:s29+$0x18000];
	v11 =	vsub.f32 v11, v25  }
0x2be: {  	v8 =	vsub.f32 v8, v25  }
0x2bf: {  	v11 =	vmul.f32 v11, v23  }
0x2c0: {  	v8 =	vmul.f32 v8, v23  }
0x2c1: {  	v11 =	vmul.f32 v11, v38;
	v7 =	vsub.f32 v7, v25  }
0x2c2: {  	v18 =	vadd.f32 v55, v30;
	v15 =	vsub.f32 v15, v25;
	v8 =	vmul.f32 v8, v40  }
0x2c3: {  	v17 =	vmul.f32 v52, v27;
	v11 =	vadd.f32 v11, v41;
	v7 =	vmul.f32 v7, v23  }
0x2c4: {  	[tilespmem:s5+$0x200] =	vst v18;
	v15 =	vmul.f32 v15, v23;
	v8 =	vadd.f32 v8, v37  }
0x2c5: {  	v17 =	vadd.f32 v17, v31;
	s15 =	sor.u32 $0x280, s7;
	[tilespmem:s8+$0x200] =	vst v11;
	v7 =	vmul.f32 v7, v39  }
0x2c6: {  	v11 =	vld [tilespmem:s15+$0x18000];
	v15 =	vmul.f32 v15, v44;
	s16 =	rddreg [dreg:$0x14];
	[tilespmem:s23+$0x200] =	vst v8  }
0x2c7: {  	s17 =	sor.u32 $0x280, s1;
	[tilespmem:s19+$0x200] =	vst v17;
	v18 =	vld [tilespmem:s16+$0x18000];
	v7 =	vadd.f32 v7, v46  }
0x2c8: {  	v8 =	vld [tilespmem:s17+$0x18000];
	s20 =	rddreg [dreg:$0x13];
	v15 =	vadd.f32 v15, v43  }
0x2c9: {  	v57 =	vmul.f32 v54, v22;
	s22 =	sor.u32 $0x280, s6;
	v17 =	vld [tilespmem:s20+$0x18000];
	[tilespmem:s30+$0x200] =	vst v7  }
0x2ca: {  	s29 =	sor.u32 $0x280, s0;
	v7 =	vld [tilespmem:s22+$0x18000];
	[tilespmem:s31+$0x200] =	vst v15  }
0x2cb: {  	v60 =	vadd.f32 v45, v13;
	v20 =	vmul.f32 v57, v29;
	v15 =	vld [tilespmem:s29+$0x18000];
	v11 =	vsub.f32 v11, v24  }
0x2cc: {  	v61 =	vsub.f32 v42, v35;
	v18 =	vsub.f32 v18, v24  }
0x2cd: {  	v20 =	vadd.f32 v20, v21;
	v8 =	vsub.f32 v8, v24;
	v11 =	vmul.f32 v11, v22  }
0x2ce: {  	v56 =	vsub.f32 v53, v34;
	v17 =	vsub.f32 v17, v24;
	v18 =	vmul.f32 v18, v22  }
0x2cf: {  	[tilespmem:s28+$0x280] =	vst v20;
	v8 =	vmul.f32 v8, v22;
	v11 =	vmul.f32 v11, v38;
	v7 =	vsub.f32 v7, v24  }
0x2d0: {  	v20 =	vld [tilespmem:s26+$0x18000];
	v17 =	vmul.f32 v17, v22;
	v18 =	vmul.f32 v18, v33;
	v15 =	vsub.f32 v15, v24  }
0x2d1: {  	v8 =	vmul.f32 v8, v40;
	v11 =	vadd.f32 v11, v41;
	v7 =	vmul.f32 v7, v22  }
0x2d2: {  	v17 =	vmul.f32 v17, v27;
	v18 =	vadd.f32 v18, v30;
	v15 =	vmul.f32 v15, v22  }
0x2d3: {  	v19 =	vmul.f32 v56, v32;
	s16 =	sor.u32 $0x300, s7;
	v8 =	vadd.f32 v8, v37;
	[tilespmem:s8+$0x280] =	vst v11;
	v7 =	vmul.f32 v7, v39  }
0x2d4: {  	v58 =	vsub.f32 v50, v34;
	v17 =	vadd.f32 v17, v31;
	v11 =	vld [tilespmem:s16+$0x18000];
	[tilespmem:s5+$0x280] =	vst v18;
	v15 =	vmul.f32 v15, v44  }
0x2d5: {  	s1 =	sor.u32 $0x300, s1;
	v19 =	vmul.f32 v19, v26;
	v20 =	vsub.f32 v20, v34;
	[tilespmem:s23+$0x280] =	vst v8;
	v18 =	vld [tilespmem:s18+$0x18000];
	v7 =	vadd.f32 v7, v46  }
0x2d6: {  	v4 =	vmul.f32 v47, v4;
	v59 =	vsub.f32 v49, v35;
	v8 =	vld [tilespmem:s1+$0x18000];
	[tilespmem:s19+$0x280] =	vst v17;
	v15 =	vadd.f32 v15, v43  }
0x2d7: {  	v47 =	vmul.f32 v61, v36;
	v19 =	vadd.f32 v19, v28;
	s17 =	sor.u32 $0x300, s6;
	v20 =	vmul.f32 v20, v32;
	v62 =	vld [tilespmem:s12+$0x18000];
	[tilespmem:s30+$0x280] =	vst v7  }
0x2d8: {  	v4 =	vadd.f32 v4, v5;
	v63 =	vmul.f32 v59, v36;
	v22 =	vmul.f32 v58, v32;
	s18 =	sor.u32 $0x300, s0;
	v45 =	vld [tilespmem:s17+$0x18000];
	[tilespmem:s31+$0x280] =	vst v15  }
0x2d9: {  	v3 =	vmul.f32 v47, v3;
	[tilespmem:s21+$0x300] =	vst v19;
	v20 =	vmul.f32 v20, v29;
	v15 =	vld [tilespmem:s18+$0x18000];
	v11 =	vsub.f32 v11, v34  }
0x2da: {  	v5 =	vmul.f32 v63, v16;
	v42 =	vmul.f32 v22, v14;
	s20 =	rddreg [dreg:$0xf];
	v48 =	vsub.f32 v18, v34  }
0x2db: {  	s15 =	sor.u32 $0x380, s9;
	v49 =	vadd.f32 v20, v21;
	v8 =	vsub.f32 v8, v34;
	[tilespmem:s20+$0x300] =	vst v60;
	v11 =	vmul.f32 v11, v32  }
0x2dc: {  	v19 =	vld [tilespmem:s15+$0x18000];
	v7 =	vadd.f32 v42, v12;
	v51 =	vsub.f32 v62, v34;
	s22 =	rddreg [dreg:$0x11];
	v16 =	vmul.f32 v48, v32  }
0x2dd: {  	[tilespmem:s28+$0x300] =	vst v49;
	v52 =	vld [tilespmem:s22+$0x18000];
	v8 =	vmul.f32 v8, v32;
	v11 =	vmul.f32 v11, v38;
	v53 =	vsub.f32 v45, v34  }
0x2de: {  	[tilespmem:s4+$0x300] =	vst v7;
	v54 =	vld [tilespmem:s14+$0x18000];
	v56 =	vmul.f32 v51, v32;
	v55 =	vmul.f32 v16, v33;
	v15 =	vsub.f32 v15, v34  }
0x2df: {  	v57 =	vld [tilespmem:s25+$0x18000];
	v8 =	vmul.f32 v8, v40;
	v11 =	vadd.f32 v11, v41;
	v18 =	vmul.f32 v53, v32  }
0x2e0: {  	v16 =	vmul.f32 v56, v27;
	v7 =	vadd.f32 v55, v30;
	v15 =	vmul.f32 v15, v32  }
0x2e1: {  	v50 =	vsub.f32 v19, v35;
	s25 =	sor.u32 $0x380, s7;
	v8 =	vadd.f32 v8, v37;
	[tilespmem:s8+$0x300] =	vst v11;
	v58 =	vmul.f32 v18, v39  }
0x2e2: {  	v20 =	vsub.f32 v52, v35;
	v60 =	vadd.f32 v16, v31;
	v59 =	vld [tilespmem:s25+$0x18000];
	[tilespmem:s5+$0x300] =	vst v7;
	v15 =	vmul.f32 v15, v44  }
0x2e3: {  	v17 =	vmul.f32 v50, v36;
	v22 =	vsub.f32 v54, v35;
	[tilespmem:s23+$0x300] =	vst v8;
	v61 =	vld [tilespmem:s13+$0x18000];
	v62 =	vadd.f32 v58, v46  }
0x2e4: {  	v19 =	vsub.f32 v57, v35;
	v63 =	vld [tilespmem:s10+$0x18000];
	v20 =	vmul.f32 v20, v36;
	[tilespmem:s19+$0x300] =	vst v60;
	v24 =	vadd.f32 v15, v43  }
0x2e5: {  	v3 =	vadd.f32 v3, v6;
	s26 =	sor.u32 $0x380, s6;
	v26 =	vmul.f32 v17, v26;
	v32 =	vmul.f32 v22, v36;
	v25 =	vld [tilespmem:s11+$0x18000];
	[tilespmem:s30+$0x300] =	vst v62  }
0x2e6: {  	v5 =	vadd.f32 v5, v9;
	s0 =	sor.u32 $0x380, s0;
	v42 =	vmul.f32 v19, v36;
	v34 =	vmul.f32 v20, v10;
	v8 =	vld [tilespmem:s26+$0x18000];
	[tilespmem:s31+$0x300] =	vst v24  }
0x2e7: {  	v9 =	vadd.f32 v26, v28;
	[tilespmem:s24+$0x380] =	vst v4;
	v17 =	vmul.f32 v32, v29;
	v7 =	vld [tilespmem:s0+$0x18000];
	v18 =	vsub.f32 v59, v35  }
0x2e8: {  	[tilespmem:s3+$0x380] =	vst v5;
	v47 =	vmul.f32 v42, v14;
	v45 =	vadd.f32 v34, v13;
	v48 =	vsub.f32 v61, v35  }
0x2e9: {  	v49 =	vadd.f32 v17, v21;
	s29 =	rddreg [dreg:$0xd];
	v11 =	vsub.f32 v63, v35;
	v50 =	vmul.f32 v18, v36  }
0x2ea: {  	[tilespmem:s29+$0x380] =	vst v3;
	v3 =	vadd.f32 v47, v12;
	v52 =	vsub.f32 v25, v35;
	v51 =	vmul.f32 v48, v36  }
0x2eb: {  	[tilespmem:s21+$0x380] =	vst v9;
	v11 =	vmul.f32 v11, v36;
	v53 =	vmul.f32 v50, v38;
	v8 =	vsub.f32 v8, v35  }
0x2ec: {  	[tilespmem:s20+$0x380] =	vst v45;
	v55 =	vmul.f32 v52, v36;
	v54 =	vmul.f32 v51, v33;
	v7 =	vsub.f32 v7, v35  }
0x2ed: {  	[tilespmem:s28+$0x380] =	vst v49;
	v57 =	vmul.f32 v11, v40;
	v56 =	vadd.f32 v53, v41;
	v8 =	vmul.f32 v8, v36  }
0x2ee: {  	[tilespmem:s4+$0x380] =	vst v3;
	v58 =	vmul.f32 v55, v27;
	v3 =	vadd.f32 v54, v30;
	v59 =	vmul.f32 v7, v36  }
0x2ef: {  	v60 =	vadd.f32 v57, v37;
	[tilespmem:s8+$0x380] =	vst v56;
	v61 =	vmul.f32 v8, v39  }
.Ltmp3:
0x2f0: {  	[tilespmem:s5+$0x380] =	vst v3;
	v3 =	vadd.f32 v58, v31;
	v62 =	vmul.f32 v59, v44;
	(pc) =	sbr.rel @p0 .LBB2_5-.Ltmp3, $4  }
0x2f1: {  	[tilespmem:s23+$0x380] =	vst v60;
	v63 =	vadd.f32 v61, v46  }
0x2f2: {  	[tilespmem:s19+$0x380] =	vst v3;
	v3 =	vadd.f32 v62, v43  }
0x2f3: {  	[tilespmem:s30+$0x380] =	vst v63  }
0x2f4: {  	p1 =	por $0x0, $0x0;
	s0 =	simm.s32 $0x8;
	[tilespmem:s31+$0x380] =	vst v3  }
0x2f5: {  	s0 =	sld [smem:$0x7EE]  }
0x2f6: {  	s1 =	sld [smem:$0x7F6]  }
0x2f7: {  	s29 =	sld [smem:$0x7EC]  }
0x2f8: {  	s13 =	sld [smem:$0x7ED]  }
0x2f9: {  	s2 =	sld [smem:$0x7EB]  }
0x2fa: {  	s0 =	sshll.u32 s0, $0xB  }
0x2fb: {  	s13 =	sadd.s32 $0x1, s13;
	s0 =	sor.u32 s1, s0  }
0x2fc: {  	s30 =	smul.u32 $0xC000, s2;
	p0 =	sne.s32 s13, $0x10;
	s0 =	sor.u32 s29, s0  }
.Ltmp4:
0x2fd: {  	s0 =	sshrl.u32 s0, $0x3;
	(pc) =	sbr.rel @p0 .LBB2_4-.Ltmp4, $4  }
0x2fe: {  	s0 =	smul.u32 $0x300, s0  }
0x2ff: {  	s3 =	rddreg [dreg:$0x7];
	s31 =	simm.s32 $0x0;
	s1 =	sshrl.u32 s30, $0x2  }
0x300: {  	s2 =	sadd.s32 $0x5, s2;
	s1 =	sadd.s32 $0xC000, s1;
	s0 =	sadd.s32 s3, s0  }
0x301: {  	[hbm4b:s0+s31] =	stream.linear.scatter [tilespmem:s1], [sflag:s2], $0x3000, $0x38;
	[tilespmem:$0x1AB00] =	vst v63  }
0x302: {  	s0 =	simm.s32 $0x5  }
0x303: {  	_ =	swait.ge [sflag:s0], $0x3000  }
0x304: {  	[sflag:s0] =	ssyncset.done $0x0  }
0x305: {  	s29 =	simm.s32 $0x6;
	[sflag:s0] =	ssyncadd.s32 $0xFFFFD000  }
0x306: {  	_ =	swait.ge [sflag:s29], $0x3000  }
0x307: {  	[sflag:s29] =	ssyncset.done $0x0  }
0x308: {  	s30 =	simm.s32 $0x7;
	[sflag:s29] =	ssyncadd.s32 $0xFFFFD000  }
0x309: {  	_ =	swait.ge [sflag:s30], $0x3000  }
0x30a: {  	[sflag:s30] =	ssyncset.done $0x0  }
0x30b: {  	s1 =	simm.s32 $0x8;
	[sflag:s30] =	ssyncadd.s32 $0xFFFFD000  }
0x30c: {  	_ =	swait.ge [sflag:s1], $0x3000  }
0x30d: {  	s2 =	sld [smem:$0x7F0]  }
0x30e: {  	s31 =	sld [smem:$0x7FD];
	_ =	sdelay $0x1  }
0x30f: {  	s2 =	sadd.s32 $0x1, s2  }
0x310: {  	p0 =	sne.s32 s2, s31  }
.Ltmp5:
0x311: {  	_ = 	snop;
	(pc) =	sbr.rel @p0 .LBB2_1-.Ltmp5, $3  }
0x312: {  	_ =	sdelay $0x1  }
0x313: {  	[sflag:s1] =	ssyncset.done $0x0  }
0x314: {  	[sflag:s1] =	ssyncadd.s32 $0xFFFFD000  }
0x315: {  	_ =	sfence.sel $0x180000  }
0x316: {  	[bflag:$0x0] =	sbarrier.arrive $0xFFFF  }
0x317: {  	_ =	strace $0x90000047  }
0x318: {  	s0 =	stileid.u32;
	[bflag:$0x2] =	sbarrier.arrive $0xFFFF  }
0x319: {  	p0 =	sne.s32 s0, $0x0;
	s0 =	rddreg [dreg:$0x8]  }
0x31a: {  	s0 =	sadd.s32 @!p0 $0x100000, s0  }
0x31b: {  	[sflag:s0] =	ssyncadd.tile.s32 @!p0 $0x1;
	_ =	shalt  }
.Lfunc_end2:
_tile_overlayer_lowered:
.L_overlay_start_2:
0x31c: {  	(tag) =	ssettag $0x2  }
0x31d: {  	s0 =	rddreg [dreg:$0x0];
	s2 =	stileid.u32  }
0x31e: {  	s1 =	rddreg [dreg:$0x1];
	p0 =	sne.s32 s2, $0x0  }
0x31f: {  	s3 =	rddreg [dreg:$0x2];
	[bflag:$0x3] =	sbarrier.arrive $0xFFFF;
	s2 =	simm.s32 @!p0 $0x1C09  }
0x320: {  	[timem:s3], [sflag:s2] =	dma.local @!p0 [hbm:s0], s1  }
0x321: {  	s0 =	simm.s32 @!p0 $0x9  }
0x322: {  	_ =	swait.ge @!p0 [sflag:s0], s1  }
0x323: {  	s1 =	ssub.s32 @!p0 $0x0, s1;
	[sflag:s0] =	ssyncset.done @!p0 $0x0  }
0x324: {  	[sflag:s0] =	ssyncadd.s32 @!p0 s1  }
0x325: {  	[bflag:$0x3] =	sbarrier.arrive $0xFFFF  }
0x326: {  	_ =	shalt  }

</sc_bundles>
